<compile_context>
chip_gen: v7x
topology: tpu7x:2x2x1
jax: 0.10.2.dev20260603
libtpu: 0.0.44.dev20260713+nightly
codegen_flags: <defaults>
</compile_context>

<pallas_src>
import functools

import jax
import jax.numpy as jnp
from jax import lax
from jax.experimental import pallas as pl
from jax.experimental.pallas import tpu as pltpu
from jax.experimental.pallas import tpu_sc as plsc

N_ANC = 20000
G = 64
NT = 16
L = 16
NPAD = 20480
CHUNK = NPAD // NT
NGRP = CHUNK // L
EPS = 1.1920929e-07
LN2 = 0.6931471805599453
INT_MAX = 2147483647


def _vlog(x):
    bits = plsc.bitcast(x, jnp.int32)
    e = ((bits >> 23) & 255) - 127
    m = plsc.bitcast((bits & 0x007FFFFF) | 0x3F800000, jnp.float32)
    big = m > 1.4142135623730951
    m = jnp.where(big, m * 0.5, m)
    e = jnp.where(big, e + 1, e)
    s = (m - 1.0) / (m + 1.0)
    s2 = s * s
    p = 2.0 * s * (1.0 + s2 * (1.0 / 3.0 + s2 * (1.0 / 5.0 + s2 * (1.0 / 7.0))))
    return e.astype(jnp.float32) * LN2 + p


def _shuf(v, iota, k):
    return v.at[iota ^ k].get(mode="promise_in_bounds", unique_indices=True)


def _allmax(v, iota):
    for k in (1, 2, 4, 8):
        v = jnp.maximum(v, _shuf(v, iota, k))
    return v


def _allmin(v, iota):
    for k in (1, 2, 4, 8):
        v = jnp.minimum(v, _shuf(v, iota, k))
    return v


def _allsum(v, iota):
    for k in (1, 2, 4, 8):
        v = v + _shuf(v, iota, k)
    return v


def _smooth_l1(d):
    ad = jnp.abs(d)
    return jnp.where(ad < 1.0, 0.5 * ad * ad, ad - 0.5)


def _body(anc_hbm, pred_hbm, bb_hbm, out_hbm,
          anc_v, pred_v, bb_v, maxv_v, bestg_v, forced_v, gmax_v, garg_v,
          allv_v, alli_v, part_v, res_v,
          sh_cv, sh_ci, sh_part):
    wid = lax.axis_index("s")
    base = wid * CHUNK
    iota = lax.iota(jnp.int32, L)
    zero = iota.astype(jnp.float32) * 0.0

    for c in range(4):
        pltpu.sync_copy(anc_hbm.at[pl.ds(c * NPAD + base, CHUNK)],
                        anc_v.at[pl.ds(c * CHUNK, CHUNK)])
        pltpu.sync_copy(pred_hbm.at[pl.ds(c * NPAD + base, CHUNK)],
                        pred_v.at[pl.ds(c * CHUNK, CHUNK)])
    pltpu.sync_copy(bb_hbm, bb_v.at[pl.ds(0, 4 * G * L)])
    def area_body(g, c):
        o = g * L
        gw = bb_v[pl.ds(2 * G * L + o, L)] - bb_v[pl.ds(0 * G * L + o, L)]
        gh = bb_v[pl.ds(3 * G * L + o, L)] - bb_v[pl.ds(1 * G * L + o, L)]
        bb_v[pl.ds(4 * G * L + o, L)] = gw * gh
        return c
    lax.fori_loop(0, G, area_body, 0)

    def init_g(g, c):
        gmax_v[pl.ds(g * L, L)] = zero - 1.0
        garg_v[pl.ds(g * L, L)] = iota * 0
        return c
    lax.fori_loop(0, G, init_g, 0)

    UB = 4

    def grp_body(kb, c):
        offs = [kb * (UB * L) + u * L for u in range(UB)]
        aidx = [base + o + iota for o in offs]
        ax1 = [anc_v[pl.ds(o, L)] for o in offs]
        ay1 = [anc_v[pl.ds(CHUNK + o, L)] for o in offs]
        ax2 = [anc_v[pl.ds(2 * CHUNK + o, L)] for o in offs]
        ay2 = [anc_v[pl.ds(3 * CHUNK + o, L)] for o in offs]
        area_a = [(ax2[u] - ax1[u]) * (ay2[u] - ay1[u]) for u in range(UB)]

        def g_body(g, carry):
            bv = list(carry[:UB])
            bg = list(carry[UB:])
            o = g * L
            gx1 = bb_v[pl.ds(o, L)]
            gy1 = bb_v[pl.ds(G * L + o, L)]
            gx2 = bb_v[pl.ds(2 * G * L + o, L)]
            gy2 = bb_v[pl.ds(3 * G * L + o, L)]
            garea = bb_v[pl.ds(4 * G * L + o, L)]
            gm = gmax_v[pl.ds(o, L)]
            ga = garg_v[pl.ds(o, L)]
            for u in range(UB):
                w = jnp.minimum(ax2[u], gx2) - jnp.maximum(ax1[u], gx1)
                h = jnp.minimum(ay2[u], gy2) - jnp.maximum(ay1[u], gy1)
                inter = jnp.maximum(w, 0.0) * jnp.maximum(h, 0.0)
                iou = inter / (area_a[u] + garea - inter)
                upd = iou > bv[u]
                bv[u] = jnp.where(upd, iou, bv[u])
                bg[u] = jnp.where(upd, g, bg[u])
                u2 = iou > gm
                gm = jnp.where(u2, iou, gm)
                ga = jnp.where(u2, aidx[u], ga)
            gmax_v[pl.ds(o, L)] = gm
            garg_v[pl.ds(o, L)] = ga
            return tuple(bv) + tuple(bg)

        init = tuple(zero - 1.0 for _ in range(UB)) + tuple(
            iota * 0 for _ in range(UB))
        res = lax.fori_loop(0, G, g_body, init, unroll=2)
        for u in range(UB):
            maxv_v[pl.ds(offs[u], L)] = res[u]
            bestg_v[pl.ds(offs[u], L)] = res[UB + u]
        return c
    lax.fori_loop(0, NGRP // UB, grp_body, 0)

    pltpu.sync_copy(gmax_v, sh_cv.at[pl.ds(wid * G * L, G * L)])
    pltpu.sync_copy(garg_v, sh_ci.at[pl.ds(wid * G * L, G * L)])
    plsc.subcore_barrier()
    pltpu.sync_copy(sh_cv, allv_v)
    pltpu.sync_copy(sh_ci, alli_v)

    def merge_g(g, c):
        cv0 = allv_v[pl.ds(g * L, L)]
        ci0 = alli_v[pl.ds(g * L, L)]

        def t_body(t, carry):
            cv, ci = carry
            v = allv_v[pl.ds(t * G * L + g * L, L)]
            i = alli_v[pl.ds(t * G * L + g * L, L)]
            better = (v > cv) | ((v == cv) & (i < ci))
            return jnp.where(better, v, cv), jnp.where(better, i, ci)

        cv, ci = lax.fori_loop(1, NT, t_body, (cv0, ci0), unroll=5)
        m = _allmax(cv, iota)
        cand = jnp.where(cv == m, ci, INT_MAX)
        garg_v[pl.ds(g * L, L)] = _allmin(cand, iota)
        return c
    lax.fori_loop(0, G, merge_g, 0)

    def z_body(k, c):
        forced_v[pl.ds(k * L, L)] = zero
        return c
    lax.fori_loop(0, NGRP, z_body, 0)

    lane0 = iota == 0
    one_v = zero + 1.0

    def ov_body(g, c):
        a = garg_v[pl.ds(g * L, L)]
        loc = a - base
        hit = lane0 & (loc >= 0) & (loc < CHUNK)
        plsc.store_scatter(bestg_v, [loc], iota * 0 + g, mask=hit)
        plsc.store_scatter(forced_v, [loc], one_v, mask=hit)
        return c
    lax.fori_loop(0, G, ov_body, 0)

    def p2_body(k, carry):
        lsum, csum = carry
        off = k * L
        bv = maxv_v[pl.ds(off, L)]
        bg = bestg_v[pl.ds(off, L)]
        forced_f = forced_v[pl.ds(off, L)]
        posf = jnp.where(bv >= 0.7, 1.0, forced_f)

        bgl = bg * L + iota
        gx1 = plsc.load_gather(bb_v, [bgl])
        gy1 = plsc.load_gather(bb_v, [bgl + G * L])
        gx2 = plsc.load_gather(bb_v, [bgl + 2 * G * L])
        gy2 = plsc.load_gather(bb_v, [bgl + 3 * G * L])

        ax1 = anc_v[pl.ds(off, L)]
        ay1 = anc_v[pl.ds(CHUNK + off, L)]
        ax2 = anc_v[pl.ds(2 * CHUNK + off, L)]
        ay2 = anc_v[pl.ds(3 * CHUNK + off, L)]
        w = ax2 - ax1
        h = ay2 - ay1
        cx = ax1 + 0.5 * w
        cy = ay1 + 0.5 * h
        w = jnp.maximum(w, EPS)
        h = jnp.maximum(h, EPS)
        bw = gx2 - gx1
        bh = gy2 - gy1
        bcx = gx1 + 0.5 * bw
        bcy = gy1 + 0.5 * bh
        dx = (bcx - cx) / w
        dy = (bcy - cy) / h
        dw = _vlog(bw / w)
        dh = _vlog(bh / h)
        px = pred_v[pl.ds(off, L)]
        py = pred_v[pl.ds(CHUNK + off, L)]
        pw = pred_v[pl.ds(2 * CHUNK + off, L)]
        ph = pred_v[pl.ds(3 * CHUNK + off, L)]
        l = (_smooth_l1(dx - px) + _smooth_l1(dy - py)
             + _smooth_l1(dw - pw) + _smooth_l1(dh - ph))
        return lsum + l * posf, csum + posf

    lsum, csum = lax.fori_loop(0, NGRP, p2_body, (zero, zero), unroll=2)

    part_v[pl.ds(0, L)] = lsum
    part_v[pl.ds(L, L)] = csum
    pltpu.sync_copy(part_v, sh_part.at[pl.ds(wid * 2 * L, 2 * L)])
    plsc.subcore_barrier()

    @pl.when(wid == 0)
    def _():
        pltpu.sync_copy(sh_part, allv_v.at[pl.ds(0, NT * 2 * L)])

        def s_body(t, carry):
            ls, cs = carry
            return (ls + allv_v[pl.ds(t * 2 * L, L)],
                    cs + allv_v[pl.ds(t * 2 * L + L, L)])

        ls, cs = lax.fori_loop(0, NT, s_body, (zero, zero))
        total = _allsum(ls, iota)
        cnt = _allsum(cs, iota)
        res_v[pl.ds(0, L)] = total / jnp.maximum(cnt, 1.0)
        pltpu.sync_copy(res_v, out_hbm)


_kcall = functools.partial(
    pl.kernel,
    out_type=jax.ShapeDtypeStruct((L,), jnp.float32),
    mesh=plsc.VectorSubcoreMesh(
        core_axis_name="c", subcore_axis_name="s", num_cores=1),
    compiler_params=pltpu.CompilerParams(needs_layout_passes=False),
    scratch_types=[
        pltpu.VMEM((4 * CHUNK,), jnp.float32),
        pltpu.VMEM((4 * CHUNK,), jnp.float32),
        pltpu.VMEM((5 * G * L,), jnp.float32),
        pltpu.VMEM((CHUNK,), jnp.float32),
        pltpu.VMEM((CHUNK,), jnp.int32),
        pltpu.VMEM((CHUNK,), jnp.float32),
        pltpu.VMEM((G * L,), jnp.float32),
        pltpu.VMEM((G * L,), jnp.int32),
        pltpu.VMEM((NT * G * L,), jnp.float32),
        pltpu.VMEM((NT * G * L,), jnp.int32),
        pltpu.VMEM((2 * L,), jnp.float32),
        pltpu.VMEM((L,), jnp.float32),
        pltpu.VMEM_SHARED((NT * G * L,), jnp.float32),
        pltpu.VMEM_SHARED((NT * G * L,), jnp.int32),
        pltpu.VMEM_SHARED((NT * 2 * L,), jnp.float32),
    ],
)(_body)


def kernel(pred_loc, anchors, bboxes, labels):
    del labels
    pad = NPAD - N_ANC
    anc = jnp.concatenate(
        [anchors.astype(jnp.float32),
         jnp.zeros((pad, 4), jnp.float32)]).T.reshape(-1)
    pred = jnp.concatenate(
        [pred_loc.astype(jnp.float32),
         jnp.zeros((pad, 4), jnp.float32)]).T.reshape(-1)
    bb = jnp.repeat(bboxes.astype(jnp.float32).T.reshape(-1), L)
    out = _kcall(anc, pred, bb)
    return out[0]

# --- scband reference (transcript-rebuilt; emitter-appended) ---
"""Pipeline reference for scband-faster-rcnntrainer-5669356833127 (READ-ONLY COPY).

The authoritative reference and input builder live on the scoring server;
editing this copy changes nothing except your own understanding.
"""

import jax, jax.numpy as jnp
import numpy as np

N = 20000
G = 64


def _make_boxes(key, n, img=600.0):
    k1, k2, k3, k4 = jax.random.split(key, 4)
    x1 = jax.random.uniform(k1, (n,), minval=0.0, maxval=img - 130.0)
    y1 = jax.random.uniform(k2, (n,), minval=0.0, maxval=img - 130.0)
    w = jax.random.uniform(k3, (n,), minval=8.0, maxval=128.0)
    h = jax.random.uniform(k4, (n,), minval=8.0, maxval=128.0)
    return jnp.stack([x1, y1, x1 + w, y1 + h], axis=1).astype(jnp.float32)


def setup_inputs(seed: int = 0) -> dict:
    key = jax.random.key(seed)
    ka, kb, kp, kl = jax.random.split(key, 4)
    anchors = _make_boxes(ka, N)
    bboxes = _make_boxes(kb, G)
    pred_loc = (jax.random.normal(kp, (N, 4), dtype=jnp.float32) * 0.1)
    labels = jax.random.randint(kl, (G,), 0, 20)
    return {"pred_loc": pred_loc, "anchors": anchors, "bboxes": bboxes, "labels": labels}


def bbox_iou(bbox_a, bbox_b):
    tl = jnp.maximum(bbox_a[:, None, :2], bbox_b[None, :, :2])
    br = jnp.minimum(bbox_a[:, None, 2:], bbox_b[None, :, 2:])
    area_i = jnp.prod(br - tl, axis=2) * jnp.all(tl < br, axis=2).astype(bbox_a.dtype)
    area_a = jnp.prod(bbox_a[:, 2:] - bbox_a[:, :2], axis=1)
    area_b = jnp.prod(bbox_b[:, 2:] - bbox_b[:, :2], axis=1)
    return area_i / (area_a[:, None] + area_b[None, :] - area_i)


def bbox2loc(src_bbox, dst_bbox):
    eps = jnp.asarray(jnp.finfo(src_bbox.dtype).eps, src_bbox.dtype)
    width = src_bbox[:, 2] - src_bbox[:, 0]
    height = src_bbox[:, 3] - src_bbox[:, 1]
    ctr_x = src_bbox[:, 0] + 0.5 * width
    ctr_y = src_bbox[:, 1] + 0.5 * height
    base_width = dst_bbox[:, 2] - dst_bbox[:, 0]
    base_height = dst_bbox[:, 3] - dst_bbox[:, 1]
    base_ctr_x = dst_bbox[:, 0] + 0.5 * base_width
    base_ctr_y = dst_bbox[:, 1] + 0.5 * base_height
    width = jnp.maximum(width, eps)
    height = jnp.maximum(height, eps)
    dx = (base_ctr_x - ctr_x) / width
    dy = (base_ctr_y - ctr_y) / height
    dw = jnp.log(base_width / width)
    dh = jnp.log(base_height / height)
    return jnp.stack([dx, dy, dw, dh], axis=1)


def reference(pred_loc, anchors, bboxes, labels):
    # AnchorTargetCreator (deterministic: threshold assignment, no random subsampling)
    ious = bbox_iou(anchors, bboxes)
    argmax_ious = jnp.argmax(ious, axis=1)
    max_ious = jnp.max(ious, axis=1)
    gt_argmax_ious = jnp.argmax(ious, axis=0)
    argmax_ious = argmax_ious.at[gt_argmax_ious].set(jnp.arange(bboxes.shape[0]))
    label = jnp.full((anchors.shape[0],), -1, dtype=jnp.int32)
    label = jnp.where(max_ious < 0.3, 0, label)
    label = jnp.where(max_ious >= 0.7, 1, label)
    label = label.at[gt_argmax_ious].set(1)
    gt_loc = bbox2loc(anchors, bboxes[argmax_ious])
    # _fast_rcnn_loc_loss with rpn_sigma = 1
    sigma_squared = 1.0
    pos = (label > 0).astype(jnp.float32)[:, None]
    regression_diff = jnp.abs(gt_loc - pred_loc)
    regression_loss = jnp.where(
        regression_diff < 1.0 / sigma_squared,
        0.5 * sigma_squared * regression_diff ** 2,
        regression_diff - 0.5 / sigma_squared,
    )
    loss = jnp.sum(regression_loss * pos)
    num_pos = jnp.maximum(jnp.sum(pos[:, 0]), 1.0)
    return loss / num_pos

if __name__ == "__main__":
    import jax
    _d = setup_inputs()
    print(jax.jit(kernel)(*tuple(_d.values())))

</pallas_src>

<mosaic_0001>
#map = affine_map<(d0, d1) -> (0)>
module attributes {stable_mosaic.version = 14 : i64} {
  func.func @_body(%arg0: i32, %arg1: i32, %arg2: memref<81920xf32, #tpu.memory_space<hbm>>, %arg3: memref<81920xf32, #tpu.memory_space<hbm>>, %arg4: memref<4096xf32, #tpu.memory_space<hbm>>, %arg5: memref<16xf32, #tpu.memory_space<hbm>>, %arg6: memref<5120xf32, #tpu.memory_space<vmem>>, %arg7: memref<5120xf32, #tpu.memory_space<vmem>>, %arg8: memref<5120xf32, #tpu.memory_space<vmem>>, %arg9: memref<1280xf32, #tpu.memory_space<vmem>>, %arg10: memref<1280xi32, #tpu.memory_space<vmem>>, %arg11: memref<1280xf32, #tpu.memory_space<vmem>>, %arg12: memref<1024xf32, #tpu.memory_space<vmem>>, %arg13: memref<1024xi32, #tpu.memory_space<vmem>>, %arg14: memref<16384xf32, #tpu.memory_space<vmem>>, %arg15: memref<16384xi32, #tpu.memory_space<vmem>>, %arg16: memref<32xf32, #tpu.memory_space<vmem>>, %arg17: memref<16xf32, #tpu.memory_space<vmem>>, %arg18: memref<16384xf32, #tpu.memory_space<vmem_shared>>, %arg19: memref<16384xi32, #tpu.memory_space<vmem_shared>>, %arg20: memref<512xf32, #tpu.memory_space<vmem_shared>>) attributes {dimension_semantics = [#tpu.dimension_semantics<core_parallel>, #tpu.dimension_semantics<subcore_parallel>], iteration_bounds = array<i64: 1, 16>, scalar_prefetch = 0 : i64, scratch_operands = 15 : i64, tpu.core_type = #tpu.core_type<sc_vector_subcore>, window_params = [{transform_indices = #map}, {transform_indices = #map}, {transform_indices = #map}, {transform_indices = #map}]} {
    %mul3A = arith.constant 1280 : i32
    %mul3A_0 = arith.muli %arg1, %mul3A : i32
    %iota3A = tpu.iota {dimensions = array<i32: 0>} : vector<16xi32>
    %convert_element_type3A = arith.sitofp %iota3A : vector<16xi32> to vector<16xf32>
    %mul3A_1 = arith.constant 0.000000e+00 : f32
    %mul3A_2 = vector.broadcast %mul3A_1 : f32 to vector<16xf32>
    %mul3A_3 = arith.mulf %convert_element_type3A, %mul3A_2 : vector<16xf32>
    %add3A = arith.constant 0 : i32
    %add3A_4 = arith.addi %add3A, %mul3A_0 : i32
    "tpu.region"() ({
      %run_scoped3A = tpu.sem_alloc : memref<!tpu.dma_semaphore, #tpu.memory_space<semaphore_mem>>
      %dma_start3A = arith.constant 0 : i32
      %dma_start3A_85 = tpu.memref_slice %arg6[%dma_start3A] : memref<5120xf32, #tpu.memory_space<vmem>> -> memref<1280xf32, #tpu.memory_space<vmem>>
      %dma_start3A_86 = tpu.memref_slice %arg2[%add3A_4] : memref<81920xf32, #tpu.memory_space<hbm>> -> memref<1280xf32, #tpu.memory_space<hbm>>
      %dma_start3A_87 = arith.constant 0 : i32
      %dma_start3A_88 = tpu.memref_slice %arg6[%dma_start3A_87] : memref<5120xf32, #tpu.memory_space<vmem>> -> memref<1280xf32, #tpu.memory_space<vmem>>
      %dma_start3A_89 = tpu.memref_slice %arg2[%add3A_4] : memref<81920xf32, #tpu.memory_space<hbm>> -> memref<1280xf32, #tpu.memory_space<hbm>>
      tpu.enqueue_dma source(%dma_start3A_89 : memref<1280xf32, #tpu.memory_space<hbm>>) target(%dma_start3A_88 : memref<1280xf32, #tpu.memory_space<vmem>>) target_semaphore(%run_scoped3A : memref<!tpu.dma_semaphore, #tpu.memory_space<semaphore_mem>>)
      %dma_wait3A = arith.constant 0 : i32
      %dma_wait3A_90 = tpu.memref_slice %arg6[%dma_wait3A] : memref<5120xf32, #tpu.memory_space<vmem>> -> memref<1280xf32, #tpu.memory_space<vmem>>
      %dma_wait3A_91 = tpu.memref_slice %arg2[%add3A_4] : memref<81920xf32, #tpu.memory_space<hbm>> -> memref<1280xf32, #tpu.memory_space<hbm>>
      %dma_wait3A_92 = arith.constant 0 : i32
      %dma_wait3A_93 = tpu.memref_slice %arg6[%dma_wait3A_92] : memref<5120xf32, #tpu.memory_space<vmem>> -> memref<1280xf32, #tpu.memory_space<vmem>>
      %dma_wait3A_94 = tpu.memref_slice %arg2[%add3A_4] : memref<81920xf32, #tpu.memory_space<hbm>> -> memref<1280xf32, #tpu.memory_space<hbm>>
      tpu.wait_dma2 semaphore(%run_scoped3A : memref<!tpu.dma_semaphore, #tpu.memory_space<semaphore_mem>>) src(%dma_wait3A_94 : memref<1280xf32, #tpu.memory_space<hbm>>) dst(%dma_wait3A_93 : memref<1280xf32, #tpu.memory_space<vmem>>)
      tpu.yield
    }) : () -> ()
    %add3A_5 = arith.constant 0 : i32
    %add3A_6 = arith.addi %add3A_5, %mul3A_0 : i32
    "tpu.region"() ({
      %run_scoped3A = tpu.sem_alloc : memref<!tpu.dma_semaphore, #tpu.memory_space<semaphore_mem>>
      %dma_start3A = arith.constant 0 : i32
      %dma_start3A_85 = tpu.memref_slice %arg7[%dma_start3A] : memref<5120xf32, #tpu.memory_space<vmem>> -> memref<1280xf32, #tpu.memory_space<vmem>>
      %dma_start3A_86 = tpu.memref_slice %arg3[%add3A_6] : memref<81920xf32, #tpu.memory_space<hbm>> -> memref<1280xf32, #tpu.memory_space<hbm>>
      %dma_start3A_87 = arith.constant 0 : i32
      %dma_start3A_88 = tpu.memref_slice %arg7[%dma_start3A_87] : memref<5120xf32, #tpu.memory_space<vmem>> -> memref<1280xf32, #tpu.memory_space<vmem>>
      %dma_start3A_89 = tpu.memref_slice %arg3[%add3A_6] : memref<81920xf32, #tpu.memory_space<hbm>> -> memref<1280xf32, #tpu.memory_space<hbm>>
      tpu.enqueue_dma source(%dma_start3A_89 : memref<1280xf32, #tpu.memory_space<hbm>>) target(%dma_start3A_88 : memref<1280xf32, #tpu.memory_space<vmem>>) target_semaphore(%run_scoped3A : memref<!tpu.dma_semaphore, #tpu.memory_space<semaphore_mem>>)
      %dma_wait3A = arith.constant 0 : i32
      %dma_wait3A_90 = tpu.memref_slice %arg7[%dma_wait3A] : memref<5120xf32, #tpu.memory_space<vmem>> -> memref<1280xf32, #tpu.memory_space<vmem>>
      %dma_wait3A_91 = tpu.memref_slice %arg3[%add3A_6] : memref<81920xf32, #tpu.memory_space<hbm>> -> memref<1280xf32, #tpu.memory_space<hbm>>
      %dma_wait3A_92 = arith.constant 0 : i32
      %dma_wait3A_93 = tpu.memref_slice %arg7[%dma_wait3A_92] : memref<5120xf32, #tpu.memory_space<vmem>> -> memref<1280xf32, #tpu.memory_space<vmem>>
      %dma_wait3A_94 = tpu.memref_slice %arg3[%add3A_6] : memref<81920xf32, #tpu.memory_space<hbm>> -> memref<1280xf32, #tpu.memory_space<hbm>>
      tpu.wait_dma2 semaphore(%run_scoped3A : memref<!tpu.dma_semaphore, #tpu.memory_space<semaphore_mem>>) src(%dma_wait3A_94 : memref<1280xf32, #tpu.memory_space<hbm>>) dst(%dma_wait3A_93 : memref<1280xf32, #tpu.memory_space<vmem>>)
      tpu.yield
    }) : () -> ()
    %add3A_7 = arith.constant 20480 : i32
    %add3A_8 = arith.addi %add3A_7, %mul3A_0 : i32
    "tpu.region"() ({
      %run_scoped3A = tpu.sem_alloc : memref<!tpu.dma_semaphore, #tpu.memory_space<semaphore_mem>>
      %dma_start3A = arith.constant 1280 : i32
      %dma_start3A_85 = tpu.memref_slice %arg6[%dma_start3A] : memref<5120xf32, #tpu.memory_space<vmem>> -> memref<1280xf32, #tpu.memory_space<vmem>>
      %dma_start3A_86 = tpu.memref_slice %arg2[%add3A_8] : memref<81920xf32, #tpu.memory_space<hbm>> -> memref<1280xf32, #tpu.memory_space<hbm>>
      %dma_start3A_87 = arith.constant 1280 : i32
      %dma_start3A_88 = tpu.memref_slice %arg6[%dma_start3A_87] : memref<5120xf32, #tpu.memory_space<vmem>> -> memref<1280xf32, #tpu.memory_space<vmem>>
      %dma_start3A_89 = tpu.memref_slice %arg2[%add3A_8] : memref<81920xf32, #tpu.memory_space<hbm>> -> memref<1280xf32, #tpu.memory_space<hbm>>
      tpu.enqueue_dma source(%dma_start3A_89 : memref<1280xf32, #tpu.memory_space<hbm>>) target(%dma_start3A_88 : memref<1280xf32, #tpu.memory_space<vmem>>) target_semaphore(%run_scoped3A : memref<!tpu.dma_semaphore, #tpu.memory_space<semaphore_mem>>)
      %dma_wait3A = arith.constant 1280 : i32
      %dma_wait3A_90 = tpu.memref_slice %arg6[%dma_wait3A] : memref<5120xf32, #tpu.memory_space<vmem>> -> memref<1280xf32, #tpu.memory_space<vmem>>
      %dma_wait3A_91 = tpu.memref_slice %arg2[%add3A_8] : memref<81920xf32, #tpu.memory_space<hbm>> -> memref<1280xf32, #tpu.memory_space<hbm>>
      %dma_wait3A_92 = arith.constant 1280 : i32
      %dma_wait3A_93 = tpu.memref_slice %arg6[%dma_wait3A_92] : memref<5120xf32, #tpu.memory_space<vmem>> -> memref<1280xf32, #tpu.memory_space<vmem>>
      %dma_wait3A_94 = tpu.memref_slice %arg2[%add3A_8] : memref<81920xf32, #tpu.memory_space<hbm>> -> memref<1280xf32, #tpu.memory_space<hbm>>
      tpu.wait_dma2 semaphore(%run_scoped3A : memref<!tpu.dma_semaphore, #tpu.memory_space<semaphore_mem>>) src(%dma_wait3A_94 : memref<1280xf32, #tpu.memory_space<hbm>>) dst(%dma_wait3A_93 : memref<1280xf32, #tpu.memory_space<vmem>>)
      tpu.yield
    }) : () -> ()
    %add3A_9 = arith.constant 20480 : i32
    %add3A_10 = arith.addi %add3A_9, %mul3A_0 : i32
    "tpu.region"() ({
      %run_scoped3A = tpu.sem_alloc : memref<!tpu.dma_semaphore, #tpu.memory_space<semaphore_mem>>
      %dma_start3A = arith.constant 1280 : i32
      %dma_start3A_85 = tpu.memref_slice %arg7[%dma_start3A] : memref<5120xf32, #tpu.memory_space<vmem>> -> memref<1280xf32, #tpu.memory_space<vmem>>
      %dma_start3A_86 = tpu.memref_slice %arg3[%add3A_10] : memref<81920xf32, #tpu.memory_space<hbm>> -> memref<1280xf32, #tpu.memory_space<hbm>>
      %dma_start3A_87 = arith.constant 1280 : i32
      %dma_start3A_88 = tpu.memref_slice %arg7[%dma_start3A_87] : memref<5120xf32, #tpu.memory_space<vmem>> -> memref<1280xf32, #tpu.memory_space<vmem>>
      %dma_start3A_89 = tpu.memref_slice %arg3[%add3A_10] : memref<81920xf32, #tpu.memory_space<hbm>> -> memref<1280xf32, #tpu.memory_space<hbm>>
      tpu.enqueue_dma source(%dma_start3A_89 : memref<1280xf32, #tpu.memory_space<hbm>>) target(%dma_start3A_88 : memref<1280xf32, #tpu.memory_space<vmem>>) target_semaphore(%run_scoped3A : memref<!tpu.dma_semaphore, #tpu.memory_space<semaphore_mem>>)
      %dma_wait3A = arith.constant 1280 : i32
      %dma_wait3A_90 = tpu.memref_slice %arg7[%dma_wait3A] : memref<5120xf32, #tpu.memory_space<vmem>> -> memref<1280xf32, #tpu.memory_space<vmem>>
      %dma_wait3A_91 = tpu.memref_slice %arg3[%add3A_10] : memref<81920xf32, #tpu.memory_space<hbm>> -> memref<1280xf32, #tpu.memory_space<hbm>>
      %dma_wait3A_92 = arith.constant 1280 : i32
      %dma_wait3A_93 = tpu.memref_slice %arg7[%dma_wait3A_92] : memref<5120xf32, #tpu.memory_space<vmem>> -> memref<1280xf32, #tpu.memory_space<vmem>>
      %dma_wait3A_94 = tpu.memref_slice %arg3[%add3A_10] : memref<81920xf32, #tpu.memory_space<hbm>> -> memref<1280xf32, #tpu.memory_space<hbm>>
      tpu.wait_dma2 semaphore(%run_scoped3A : memref<!tpu.dma_semaphore, #tpu.memory_space<semaphore_mem>>) src(%dma_wait3A_94 : memref<1280xf32, #tpu.memory_space<hbm>>) dst(%dma_wait3A_93 : memref<1280xf32, #tpu.memory_space<vmem>>)
      tpu.yield
    }) : () -> ()
    %add3A_11 = arith.constant 40960 : i32
    %add3A_12 = arith.addi %add3A_11, %mul3A_0 : i32
    "tpu.region"() ({
      %run_scoped3A = tpu.sem_alloc : memref<!tpu.dma_semaphore, #tpu.memory_space<semaphore_mem>>
      %dma_start3A = arith.constant 2560 : i32
      %dma_start3A_85 = tpu.memref_slice %arg6[%dma_start3A] : memref<5120xf32, #tpu.memory_space<vmem>> -> memref<1280xf32, #tpu.memory_space<vmem>>
      %dma_start3A_86 = tpu.memref_slice %arg2[%add3A_12] : memref<81920xf32, #tpu.memory_space<hbm>> -> memref<1280xf32, #tpu.memory_space<hbm>>
      %dma_start3A_87 = arith.constant 2560 : i32
      %dma_start3A_88 = tpu.memref_slice %arg6[%dma_start3A_87] : memref<5120xf32, #tpu.memory_space<vmem>> -> memref<1280xf32, #tpu.memory_space<vmem>>
      %dma_start3A_89 = tpu.memref_slice %arg2[%add3A_12] : memref<81920xf32, #tpu.memory_space<hbm>> -> memref<1280xf32, #tpu.memory_space<hbm>>
      tpu.enqueue_dma source(%dma_start3A_89 : memref<1280xf32, #tpu.memory_space<hbm>>) target(%dma_start3A_88 : memref<1280xf32, #tpu.memory_space<vmem>>) target_semaphore(%run_scoped3A : memref<!tpu.dma_semaphore, #tpu.memory_space<semaphore_mem>>)
      %dma_wait3A = arith.constant 2560 : i32
      %dma_wait3A_90 = tpu.memref_slice %arg6[%dma_wait3A] : memref<5120xf32, #tpu.memory_space<vmem>> -> memref<1280xf32, #tpu.memory_space<vmem>>
      %dma_wait3A_91 = tpu.memref_slice %arg2[%add3A_12] : memref<81920xf32, #tpu.memory_space<hbm>> -> memref<1280xf32, #tpu.memory_space<hbm>>
      %dma_wait3A_92 = arith.constant 2560 : i32
      %dma_wait3A_93 = tpu.memref_slice %arg6[%dma_wait3A_92] : memref<5120xf32, #tpu.memory_space<vmem>> -> memref<1280xf32, #tpu.memory_space<vmem>>
      %dma_wait3A_94 = tpu.memref_slice %arg2[%add3A_12] : memref<81920xf32, #tpu.memory_space<hbm>> -> memref<1280xf32, #tpu.memory_space<hbm>>
      tpu.wait_dma2 semaphore(%run_scoped3A : memref<!tpu.dma_semaphore, #tpu.memory_space<semaphore_mem>>) src(%dma_wait3A_94 : memref<1280xf32, #tpu.memory_space<hbm>>) dst(%dma_wait3A_93 : memref<1280xf32, #tpu.memory_space<vmem>>)
      tpu.yield
    }) : () -> ()
    %add3A_13 = arith.constant 40960 : i32
    %add3A_14 = arith.addi %add3A_13, %mul3A_0 : i32
    "tpu.region"() ({
      %run_scoped3A = tpu.sem_alloc : memref<!tpu.dma_semaphore, #tpu.memory_space<semaphore_mem>>
      %dma_start3A = arith.constant 2560 : i32
      %dma_start3A_85 = tpu.memref_slice %arg7[%dma_start3A] : memref<5120xf32, #tpu.memory_space<vmem>> -> memref<1280xf32, #tpu.memory_space<vmem>>
      %dma_start3A_86 = tpu.memref_slice %arg3[%add3A_14] : memref<81920xf32, #tpu.memory_space<hbm>> -> memref<1280xf32, #tpu.memory_space<hbm>>
      %dma_start3A_87 = arith.constant 2560 : i32
      %dma_start3A_88 = tpu.memref_slice %arg7[%dma_start3A_87] : memref<5120xf32, #tpu.memory_space<vmem>> -> memref<1280xf32, #tpu.memory_space<vmem>>
      %dma_start3A_89 = tpu.memref_slice %arg3[%add3A_14] : memref<81920xf32, #tpu.memory_space<hbm>> -> memref<1280xf32, #tpu.memory_space<hbm>>
      tpu.enqueue_dma source(%dma_start3A_89 : memref<1280xf32, #tpu.memory_space<hbm>>) target(%dma_start3A_88 : memref<1280xf32, #tpu.memory_space<vmem>>) target_semaphore(%run_scoped3A : memref<!tpu.dma_semaphore, #tpu.memory_space<semaphore_mem>>)
      %dma_wait3A = arith.constant 2560 : i32
      %dma_wait3A_90 = tpu.memref_slice %arg7[%dma_wait3A] : memref<5120xf32, #tpu.memory_space<vmem>> -> memref<1280xf32, #tpu.memory_space<vmem>>
      %dma_wait3A_91 = tpu.memref_slice %arg3[%add3A_14] : memref<81920xf32, #tpu.memory_space<hbm>> -> memref<1280xf32, #tpu.memory_space<hbm>>
      %dma_wait3A_92 = arith.constant 2560 : i32
      %dma_wait3A_93 = tpu.memref_slice %arg7[%dma_wait3A_92] : memref<5120xf32, #tpu.memory_space<vmem>> -> memref<1280xf32, #tpu.memory_space<vmem>>
      %dma_wait3A_94 = tpu.memref_slice %arg3[%add3A_14] : memref<81920xf32, #tpu.memory_space<hbm>> -> memref<1280xf32, #tpu.memory_space<hbm>>
      tpu.wait_dma2 semaphore(%run_scoped3A : memref<!tpu.dma_semaphore, #tpu.memory_space<semaphore_mem>>) src(%dma_wait3A_94 : memref<1280xf32, #tpu.memory_space<hbm>>) dst(%dma_wait3A_93 : memref<1280xf32, #tpu.memory_space<vmem>>)
      tpu.yield
    }) : () -> ()
    %add3A_15 = arith.constant 61440 : i32
    %add3A_16 = arith.addi %add3A_15, %mul3A_0 : i32
    "tpu.region"() ({
      %run_scoped3A = tpu.sem_alloc : memref<!tpu.dma_semaphore, #tpu.memory_space<semaphore_mem>>
      %dma_start3A = arith.constant 3840 : i32
      %dma_start3A_85 = tpu.memref_slice %arg6[%dma_start3A] : memref<5120xf32, #tpu.memory_space<vmem>> -> memref<1280xf32, #tpu.memory_space<vmem>>
      %dma_start3A_86 = tpu.memref_slice %arg2[%add3A_16] : memref<81920xf32, #tpu.memory_space<hbm>> -> memref<1280xf32, #tpu.memory_space<hbm>>
      %dma_start3A_87 = arith.constant 3840 : i32
      %dma_start3A_88 = tpu.memref_slice %arg6[%dma_start3A_87] : memref<5120xf32, #tpu.memory_space<vmem>> -> memref<1280xf32, #tpu.memory_space<vmem>>
      %dma_start3A_89 = tpu.memref_slice %arg2[%add3A_16] : memref<81920xf32, #tpu.memory_space<hbm>> -> memref<1280xf32, #tpu.memory_space<hbm>>
      tpu.enqueue_dma source(%dma_start3A_89 : memref<1280xf32, #tpu.memory_space<hbm>>) target(%dma_start3A_88 : memref<1280xf32, #tpu.memory_space<vmem>>) target_semaphore(%run_scoped3A : memref<!tpu.dma_semaphore, #tpu.memory_space<semaphore_mem>>)
      %dma_wait3A = arith.constant 3840 : i32
      %dma_wait3A_90 = tpu.memref_slice %arg6[%dma_wait3A] : memref<5120xf32, #tpu.memory_space<vmem>> -> memref<1280xf32, #tpu.memory_space<vmem>>
      %dma_wait3A_91 = tpu.memref_slice %arg2[%add3A_16] : memref<81920xf32, #tpu.memory_space<hbm>> -> memref<1280xf32, #tpu.memory_space<hbm>>
      %dma_wait3A_92 = arith.constant 3840 : i32
      %dma_wait3A_93 = tpu.memref_slice %arg6[%dma_wait3A_92] : memref<5120xf32, #tpu.memory_space<vmem>> -> memref<1280xf32, #tpu.memory_space<vmem>>
      %dma_wait3A_94 = tpu.memref_slice %arg2[%add3A_16] : memref<81920xf32, #tpu.memory_space<hbm>> -> memref<1280xf32, #tpu.memory_space<hbm>>
      tpu.wait_dma2 semaphore(%run_scoped3A : memref<!tpu.dma_semaphore, #tpu.memory_space<semaphore_mem>>) src(%dma_wait3A_94 : memref<1280xf32, #tpu.memory_space<hbm>>) dst(%dma_wait3A_93 : memref<1280xf32, #tpu.memory_space<vmem>>)
      tpu.yield
    }) : () -> ()
    %add3A_17 = arith.constant 61440 : i32
    %add3A_18 = arith.addi %add3A_17, %mul3A_0 : i32
    "tpu.region"() ({
      %run_scoped3A = tpu.sem_alloc : memref<!tpu.dma_semaphore, #tpu.memory_space<semaphore_mem>>
      %dma_start3A = arith.constant 3840 : i32
      %dma_start3A_85 = tpu.memref_slice %arg7[%dma_start3A] : memref<5120xf32, #tpu.memory_space<vmem>> -> memref<1280xf32, #tpu.memory_space<vmem>>
      %dma_start3A_86 = tpu.memref_slice %arg3[%add3A_18] : memref<81920xf32, #tpu.memory_space<hbm>> -> memref<1280xf32, #tpu.memory_space<hbm>>
      %dma_start3A_87 = arith.constant 3840 : i32
      %dma_start3A_88 = tpu.memref_slice %arg7[%dma_start3A_87] : memref<5120xf32, #tpu.memory_space<vmem>> -> memref<1280xf32, #tpu.memory_space<vmem>>
      %dma_start3A_89 = tpu.memref_slice %arg3[%add3A_18] : memref<81920xf32, #tpu.memory_space<hbm>> -> memref<1280xf32, #tpu.memory_space<hbm>>
      tpu.enqueue_dma source(%dma_start3A_89 : memref<1280xf32, #tpu.memory_space<hbm>>) target(%dma_start3A_88 : memref<1280xf32, #tpu.memory_space<vmem>>) target_semaphore(%run_scoped3A : memref<!tpu.dma_semaphore, #tpu.memory_space<semaphore_mem>>)
      %dma_wait3A = arith.constant 3840 : i32
      %dma_wait3A_90 = tpu.memref_slice %arg7[%dma_wait3A] : memref<5120xf32, #tpu.memory_space<vmem>> -> memref<1280xf32, #tpu.memory_space<vmem>>
      %dma_wait3A_91 = tpu.memref_slice %arg3[%add3A_18] : memref<81920xf32, #tpu.memory_space<hbm>> -> memref<1280xf32, #tpu.memory_space<hbm>>
      %dma_wait3A_92 = arith.constant 3840 : i32
      %dma_wait3A_93 = tpu.memref_slice %arg7[%dma_wait3A_92] : memref<5120xf32, #tpu.memory_space<vmem>> -> memref<1280xf32, #tpu.memory_space<vmem>>
      %dma_wait3A_94 = tpu.memref_slice %arg3[%add3A_18] : memref<81920xf32, #tpu.memory_space<hbm>> -> memref<1280xf32, #tpu.memory_space<hbm>>
      tpu.wait_dma2 semaphore(%run_scoped3A : memref<!tpu.dma_semaphore, #tpu.memory_space<semaphore_mem>>) src(%dma_wait3A_94 : memref<1280xf32, #tpu.memory_space<hbm>>) dst(%dma_wait3A_93 : memref<1280xf32, #tpu.memory_space<vmem>>)
      tpu.yield
    }) : () -> ()
    "tpu.region"() ({
      %run_scoped3A = tpu.sem_alloc : memref<!tpu.dma_semaphore, #tpu.memory_space<semaphore_mem>>
      %dma_start3A = arith.constant 0 : i32
      %dma_start3A_85 = tpu.memref_slice %arg8[%dma_start3A] : memref<5120xf32, #tpu.memory_space<vmem>> -> memref<4096xf32, #tpu.memory_space<vmem>>
      %dma_start3A_86 = arith.constant 0 : i32
      %dma_start3A_87 = tpu.memref_slice %arg8[%dma_start3A_86] : memref<5120xf32, #tpu.memory_space<vmem>> -> memref<4096xf32, #tpu.memory_space<vmem>>
      tpu.enqueue_dma source(%arg4 : memref<4096xf32, #tpu.memory_space<hbm>>) target(%dma_start3A_87 : memref<4096xf32, #tpu.memory_space<vmem>>) target_semaphore(%run_scoped3A : memref<!tpu.dma_semaphore, #tpu.memory_space<semaphore_mem>>)
      %dma_wait3A = arith.constant 0 : i32
      %dma_wait3A_88 = tpu.memref_slice %arg8[%dma_wait3A] : memref<5120xf32, #tpu.memory_space<vmem>> -> memref<4096xf32, #tpu.memory_space<vmem>>
      %dma_wait3A_89 = arith.constant 0 : i32
      %dma_wait3A_90 = tpu.memref_slice %arg8[%dma_wait3A_89] : memref<5120xf32, #tpu.memory_space<vmem>> -> memref<4096xf32, #tpu.memory_space<vmem>>
      tpu.wait_dma2 semaphore(%run_scoped3A : memref<!tpu.dma_semaphore, #tpu.memory_space<semaphore_mem>>) src(%arg4 : memref<4096xf32, #tpu.memory_space<hbm>>) dst(%dma_wait3A_90 : memref<4096xf32, #tpu.memory_space<vmem>>)
      tpu.yield
    }) : () -> ()
    %scan3A = arith.constant 0 : i32
    %scan3A_19 = arith.constant 0 : i32
    %scan3A_20 = arith.constant 64 : i32
    %scan3A_21 = arith.addi %scan3A_19, %scan3A_20 : i32
    %scan3A_22 = arith.constant 1 : i32
    scf.for %scan3A_85 = %scan3A_19 to %scan3A_21 step %scan3A_22  : i32 {
      %mul3A_86 = arith.constant 16 : i32
      %mul3A_87 = arith.muli %scan3A_85, %mul3A_86 : i32
      %add3A_88 = arith.constant 2048 : i32
      %add3A_89 = arith.addi %add3A_88, %mul3A_87 : i32
      %get3A = arith.index_cast %add3A_89 : i32 to index
      %get3A_90 = tpu.vector_load %arg8[%get3A] {strides = array<i32>} : memref<5120xf32, #tpu.memory_space<vmem>>, vector<16xf32>,
      %add3A_91 = arith.constant 0 : i32
      %add3A_92 = arith.addi %add3A_91, %mul3A_87 : i32
      %get3A_93 = arith.index_cast %add3A_92 : i32 to index
      %get3A_94 = tpu.vector_load %arg8[%get3A_93] {strides = array<i32>} : memref<5120xf32, #tpu.memory_space<vmem>>, vector<16xf32>,
      %sub3A = arith.subf %get3A_90, %get3A_94 : vector<16xf32>
      %add3A_95 = arith.constant 3072 : i32
      %add3A_96 = arith.addi %add3A_95, %mul3A_87 : i32
      %get3A_97 = arith.index_cast %add3A_96 : i32 to index
      %get3A_98 = tpu.vector_load %arg8[%get3A_97] {strides = array<i32>} : memref<5120xf32, #tpu.memory_space<vmem>>, vector<16xf32>,
      %add3A_99 = arith.constant 1024 : i32
      %add3A_100 = arith.addi %add3A_99, %mul3A_87 : i32
      %get3A_101 = arith.index_cast %add3A_100 : i32 to index
      %get3A_102 = tpu.vector_load %arg8[%get3A_101] {strides = array<i32>} : memref<5120xf32, #tpu.memory_space<vmem>>, vector<16xf32>,
      %sub3A_103 = arith.subf %get3A_98, %get3A_102 : vector<16xf32>
      %mul3A_104 = arith.mulf %sub3A, %sub3A_103 : vector<16xf32>
      %add3A_105 = arith.constant 4096 : i32
      %add3A_106 = arith.addi %add3A_105, %mul3A_87 : i32
      %swap3A_107 = arith.index_cast %add3A_106 : i32 to index
      %swap3A_108 = tpu.vector_load %arg8[%swap3A_107] {strides = array<i32>} : memref<5120xf32, #tpu.memory_space<vmem>>, vector<16xf32>,
      tpu.vector_store %arg8[%swap3A_107], %mul3A_104 {strides = array<i32>} : memref<5120xf32, #tpu.memory_space<vmem>>, vector<16xf32>,
    }
    %scan3A_23 = arith.constant 64 : i32
    %scan3A_24 = arith.constant 0 : i32
    %scan3A_25 = arith.constant 0 : i32
    %scan3A_26 = arith.constant 64 : i32
    %scan3A_27 = arith.addi %scan3A_25, %scan3A_26 : i32
    %scan3A_28 = arith.constant 1 : i32
    scf.for %scan3A_85 = %scan3A_25 to %scan3A_27 step %scan3A_28  : i32 {
      %sub3A = arith.constant 1.000000e+00 : f32
      %sub3A_86 = vector.broadcast %sub3A : f32 to vector<16xf32>
      %sub3A_87 = arith.subf %mul3A_3, %sub3A_86 : vector<16xf32>
      %mul3A_88 = arith.constant 16 : i32
      %mul3A_89 = arith.muli %scan3A_85, %mul3A_88 : i32
      %swap3A_90 = arith.index_cast %mul3A_89 : i32 to index
      %swap3A_91 = tpu.vector_load %arg12[%swap3A_90] {strides = array<i32>} : memref<1024xf32, #tpu.memory_space<vmem>>, vector<16xf32>,
      tpu.vector_store %arg12[%swap3A_90], %sub3A_87 {strides = array<i32>} : memref<1024xf32, #tpu.memory_space<vmem>>, vector<16xf32>,
      %mul3A_92 = arith.constant 0 : i32
      %mul3A_93 = vector.broadcast %mul3A_92 : i32 to vector<16xi32>
      %mul3A_94 = arith.muli %iota3A, %mul3A_93 : vector<16xi32>
      %mul3A_95 = arith.constant 16 : i32
      %mul3A_96 = arith.muli %scan3A_85, %mul3A_95 : i32
      %swap3A_97 = arith.index_cast %mul3A_96 : i32 to index
      %swap3A_98 = tpu.vector_load %arg13[%swap3A_97] {strides = array<i32>} : memref<1024xi32, #tpu.memory_space<vmem>>, vector<16xi32>,
      tpu.vector_store %arg13[%swap3A_97], %mul3A_94 {strides = array<i32>} : memref<1024xi32, #tpu.memory_space<vmem>>, vector<16xi32>,
    }
    %scan3A_29 = arith.constant 64 : i32
    %scan3A_30 = arith.constant 0 : i32
    %scan3A_31 = arith.constant 0 : i32
    %scan3A_32 = arith.constant 20 : i32
    %scan3A_33 = arith.addi %scan3A_31, %scan3A_32 : i32
    %scan3A_34 = arith.constant 1 : i32
    scf.for %scan3A_85 = %scan3A_31 to %scan3A_33 step %scan3A_34  : i32 {
      %mul3A_86 = arith.constant 64 : i32
      %mul3A_87 = arith.muli %scan3A_85, %mul3A_86 : i32
      %add3A_88 = arith.constant 0 : i32
      %add3A_89 = arith.addi %mul3A_87, %add3A_88 : i32
      %mul3A_90 = arith.constant 64 : i32
      %mul3A_91 = arith.muli %scan3A_85, %mul3A_90 : i32
      %add3A_92 = arith.constant 16 : i32
      %add3A_93 = arith.addi %mul3A_91, %add3A_92 : i32
      %mul3A_94 = arith.constant 64 : i32
      %mul3A_95 = arith.muli %scan3A_85, %mul3A_94 : i32
      %add3A_96 = arith.constant 32 : i32
      %add3A_97 = arith.addi %mul3A_95, %add3A_96 : i32
      %mul3A_98 = arith.constant 64 : i32
      %mul3A_99 = arith.muli %scan3A_85, %mul3A_98 : i32
      %add3A_100 = arith.constant 48 : i32
      %add3A_101 = arith.addi %mul3A_99, %add3A_100 : i32
      %add3A_102 = arith.addi %mul3A_0, %add3A_89 : i32
      %add3A_103 = vector.broadcast %add3A_102 : i32 to vector<16xi32>
      %add3A_104 = arith.addi %add3A_103, %iota3A : vector<16xi32>
      %add3A_105 = arith.addi %mul3A_0, %add3A_93 : i32
      %add3A_106 = vector.broadcast %add3A_105 : i32 to vector<16xi32>
      %add3A_107 = arith.addi %add3A_106, %iota3A : vector<16xi32>
      %add3A_108 = arith.addi %mul3A_0, %add3A_97 : i32
      %add3A_109 = vector.broadcast %add3A_108 : i32 to vector<16xi32>
      %add3A_110 = arith.addi %add3A_109, %iota3A : vector<16xi32>
      %add3A_111 = arith.addi %mul3A_0, %add3A_101 : i32
      %add3A_112 = vector.broadcast %add3A_111 : i32 to vector<16xi32>
      %add3A_113 = arith.addi %add3A_112, %iota3A : vector<16xi32>
      %get3A = arith.index_cast %add3A_89 : i32 to index
      %get3A_114 = tpu.vector_load %arg6[%get3A] {strides = array<i32>} : memref<5120xf32, #tpu.memory_space<vmem>>, vector<16xf32>,
      %get3A_115 = arith.index_cast %add3A_93 : i32 to index
      %get3A_116 = tpu.vector_load %arg6[%get3A_115] {strides = array<i32>} : memref<5120xf32, #tpu.memory_space<vmem>>, vector<16xf32>,
      %get3A_117 = arith.index_cast %add3A_97 : i32 to index
      %get3A_118 = tpu.vector_load %arg6[%get3A_117] {strides = array<i32>} : memref<5120xf32, #tpu.memory_space<vmem>>, vector<16xf32>,
      %get3A_119 = arith.index_cast %add3A_101 : i32 to index
      %get3A_120 = tpu.vector_load %arg6[%get3A_119] {strides = array<i32>} : memref<5120xf32, #tpu.memory_space<vmem>>, vector<16xf32>,
      %add3A_121 = arith.constant 1280 : i32
      %add3A_122 = arith.addi %add3A_121, %add3A_89 : i32
      %get3A_123 = arith.index_cast %add3A_122 : i32 to index
      %get3A_124 = tpu.vector_load %arg6[%get3A_123] {strides = array<i32>} : memref<5120xf32, #tpu.memory_space<vmem>>, vector<16xf32>,
      %add3A_125 = arith.constant 1280 : i32
      %add3A_126 = arith.addi %add3A_125, %add3A_93 : i32
      %get3A_127 = arith.index_cast %add3A_126 : i32 to index
      %get3A_128 = tpu.vector_load %arg6[%get3A_127] {strides = array<i32>} : memref<5120xf32, #tpu.memory_space<vmem>>, vector<16xf32>,
      %add3A_129 = arith.constant 1280 : i32
      %add3A_130 = arith.addi %add3A_129, %add3A_97 : i32
      %get3A_131 = arith.index_cast %add3A_130 : i32 to index
      %get3A_132 = tpu.vector_load %arg6[%get3A_131] {strides = array<i32>} : memref<5120xf32, #tpu.memory_space<vmem>>, vector<16xf32>,
      %add3A_133 = arith.constant 1280 : i32
      %add3A_134 = arith.addi %add3A_133, %add3A_101 : i32
      %get3A_135 = arith.index_cast %add3A_134 : i32 to index
      %get3A_136 = tpu.vector_load %arg6[%get3A_135] {strides = array<i32>} : memref<5120xf32, #tpu.memory_space<vmem>>, vector<16xf32>,
      %add3A_137 = arith.constant 2560 : i32
      %add3A_138 = arith.addi %add3A_137, %add3A_89 : i32
      %get3A_139 = arith.index_cast %add3A_138 : i32 to index
      %get3A_140 = tpu.vector_load %arg6[%get3A_139] {strides = array<i32>} : memref<5120xf32, #tpu.memory_space<vmem>>, vector<16xf32>,
      %add3A_141 = arith.constant 2560 : i32
      %add3A_142 = arith.addi %add3A_141, %add3A_93 : i32
      %get3A_143 = arith.index_cast %add3A_142 : i32 to index
      %get3A_144 = tpu.vector_load %arg6[%get3A_143] {strides = array<i32>} : memref<5120xf32, #tpu.memory_space<vmem>>, vector<16xf32>,
      %add3A_145 = arith.constant 2560 : i32
      %add3A_146 = arith.addi %add3A_145, %add3A_97 : i32
      %get3A_147 = arith.index_cast %add3A_146 : i32 to index
      %get3A_148 = tpu.vector_load %arg6[%get3A_147] {strides = array<i32>} : memref<5120xf32, #tpu.memory_space<vmem>>, vector<16xf32>,
      %add3A_149 = arith.constant 2560 : i32
      %add3A_150 = arith.addi %add3A_149, %add3A_101 : i32
      %get3A_151 = arith.index_cast %add3A_150 : i32 to index
      %get3A_152 = tpu.vector_load %arg6[%get3A_151] {strides = array<i32>} : memref<5120xf32, #tpu.memory_space<vmem>>, vector<16xf32>,
      %add3A_153 = arith.constant 3840 : i32
      %add3A_154 = arith.addi %add3A_153, %add3A_89 : i32
      %get3A_155 = arith.index_cast %add3A_154 : i32 to index
      %get3A_156 = tpu.vector_load %arg6[%get3A_155] {strides = array<i32>} : memref<5120xf32, #tpu.memory_space<vmem>>, vector<16xf32>,
      %add3A_157 = arith.constant 3840 : i32
      %add3A_158 = arith.addi %add3A_157, %add3A_93 : i32
      %get3A_159 = arith.index_cast %add3A_158 : i32 to index
      %get3A_160 = tpu.vector_load %arg6[%get3A_159] {strides = array<i32>} : memref<5120xf32, #tpu.memory_space<vmem>>, vector<16xf32>,
      %add3A_161 = arith.constant 3840 : i32
      %add3A_162 = arith.addi %add3A_161, %add3A_97 : i32
      %get3A_163 = arith.index_cast %add3A_162 : i32 to index
      %get3A_164 = tpu.vector_load %arg6[%get3A_163] {strides = array<i32>} : memref<5120xf32, #tpu.memory_space<vmem>>, vector<16xf32>,
      %add3A_165 = arith.constant 3840 : i32
      %add3A_166 = arith.addi %add3A_165, %add3A_101 : i32
      %get3A_167 = arith.index_cast %add3A_166 : i32 to index
      %get3A_168 = tpu.vector_load %arg6[%get3A_167] {strides = array<i32>} : memref<5120xf32, #tpu.memory_space<vmem>>, vector<16xf32>,
      %sub3A = arith.subf %get3A_140, %get3A_114 : vector<16xf32>
      %sub3A_169 = arith.subf %get3A_156, %get3A_124 : vector<16xf32>
      %mul3A_170 = arith.mulf %sub3A, %sub3A_169 : vector<16xf32>
      %sub3A_171 = arith.subf %get3A_144, %get3A_116 : vector<16xf32>
      %sub3A_172 = arith.subf %get3A_160, %get3A_128 : vector<16xf32>
      %mul3A_173 = arith.mulf %sub3A_171, %sub3A_172 : vector<16xf32>
      %sub3A_174 = arith.subf %get3A_148, %get3A_118 : vector<16xf32>
      %sub3A_175 = arith.subf %get3A_164, %get3A_132 : vector<16xf32>
      %mul3A_176 = arith.mulf %sub3A_174, %sub3A_175 : vector<16xf32>
      %sub3A_177 = arith.subf %get3A_152, %get3A_120 : vector<16xf32>
      %sub3A_178 = arith.subf %get3A_168, %get3A_136 : vector<16xf32>
      %mul3A_179 = arith.mulf %sub3A_177, %sub3A_178 : vector<16xf32>
      %sub3A_180 = arith.constant 1.000000e+00 : f32
      %sub3A_181 = vector.broadcast %sub3A_180 : f32 to vector<16xf32>
      %sub3A_182 = arith.subf %mul3A_3, %sub3A_181 : vector<16xf32>
      %sub3A_183 = arith.constant 1.000000e+00 : f32
      %sub3A_184 = vector.broadcast %sub3A_183 : f32 to vector<16xf32>
      %sub3A_185 = arith.subf %mul3A_3, %sub3A_184 : vector<16xf32>
      %sub3A_186 = arith.constant 1.000000e+00 : f32
      %sub3A_187 = vector.broadcast %sub3A_186 : f32 to vector<16xf32>
      %sub3A_188 = arith.subf %mul3A_3, %sub3A_187 : vector<16xf32>
      %sub3A_189 = arith.constant 1.000000e+00 : f32
      %sub3A_190 = vector.broadcast %sub3A_189 : f32 to vector<16xf32>
      %sub3A_191 = arith.subf %mul3A_3, %sub3A_190 : vector<16xf32>
      %mul3A_192 = arith.constant 0 : i32
      %mul3A_193 = vector.broadcast %mul3A_192 : i32 to vector<16xi32>
      %mul3A_194 = arith.muli %iota3A, %mul3A_193 : vector<16xi32>
      %mul3A_195 = arith.constant 0 : i32
      %mul3A_196 = vector.broadcast %mul3A_195 : i32 to vector<16xi32>
      %mul3A_197 = arith.muli %iota3A, %mul3A_196 : vector<16xi32>
      %mul3A_198 = arith.constant 0 : i32
      %mul3A_199 = vector.broadcast %mul3A_198 : i32 to vector<16xi32>
      %mul3A_200 = arith.muli %iota3A, %mul3A_199 : vector<16xi32>
      %mul3A_201 = arith.constant 0 : i32
      %mul3A_202 = vector.broadcast %mul3A_201 : i32 to vector<16xi32>
      %mul3A_203 = arith.muli %iota3A, %mul3A_202 : vector<16xi32>
      %scan3A_204 = arith.constant 0 : i32
      %scan3A_205 = arith.constant 64 : i32
      %scan3A_206 = arith.addi %scan3A_204, %scan3A_205 : i32
      %scan3A_207 = arith.constant 2 : i32
      %scan3A_208:8 = scf.for %scan3A_226 = %scan3A_204 to %scan3A_206 step %scan3A_207 iter_args(%scan3A_227 = %sub3A_182, %scan3A_228 = %sub3A_185, %scan3A_229 = %sub3A_188, %scan3A_230 = %sub3A_191, %scan3A_231 = %mul3A_194, %scan3A_232 = %mul3A_197, %scan3A_233 = %mul3A_200, %scan3A_234 = %mul3A_203) -> (vector<16xf32>, vector<16xf32>, vector<16xf32>, vector<16xf32>, vector<16xi32>, vector<16xi32>, vector<16xi32>, vector<16xi32>)  : i32 {
        %mul3A_235 = arith.constant 16 : i32
        %mul3A_236 = arith.muli %scan3A_226, %mul3A_235 : i32
        %get3A_237 = arith.index_cast %mul3A_236 : i32 to index
        %get3A_238 = tpu.vector_load %arg8[%get3A_237] {strides = array<i32>} : memref<5120xf32, #tpu.memory_space<vmem>>, vector<16xf32>,
        %add3A_239 = arith.constant 1024 : i32
        %add3A_240 = arith.addi %add3A_239, %mul3A_236 : i32
        %get3A_241 = arith.index_cast %add3A_240 : i32 to index
        %get3A_242 = tpu.vector_load %arg8[%get3A_241] {strides = array<i32>} : memref<5120xf32, #tpu.memory_space<vmem>>, vector<16xf32>,
        %add3A_243 = arith.constant 2048 : i32
        %add3A_244 = arith.addi %add3A_243, %mul3A_236 : i32
        %get3A_245 = arith.index_cast %add3A_244 : i32 to index
        %get3A_246 = tpu.vector_load %arg8[%get3A_245] {strides = array<i32>} : memref<5120xf32, #tpu.memory_space<vmem>>, vector<16xf32>,
        %add3A_247 = arith.constant 3072 : i32
        %add3A_248 = arith.addi %add3A_247, %mul3A_236 : i32
        %get3A_249 = arith.index_cast %add3A_248 : i32 to index
        %get3A_250 = tpu.vector_load %arg8[%get3A_249] {strides = array<i32>} : memref<5120xf32, #tpu.memory_space<vmem>>, vector<16xf32>,
        %add3A_251 = arith.constant 4096 : i32
        %add3A_252 = arith.addi %add3A_251, %mul3A_236 : i32
        %get3A_253 = arith.index_cast %add3A_252 : i32 to index
        %get3A_254 = tpu.vector_load %arg8[%get3A_253] {strides = array<i32>} : memref<5120xf32, #tpu.memory_space<vmem>>, vector<16xf32>,
        %get3A_255 = arith.index_cast %mul3A_236 : i32 to index
        %get3A_256 = tpu.vector_load %arg12[%get3A_255] {strides = array<i32>} : memref<1024xf32, #tpu.memory_space<vmem>>, vector<16xf32>,
        %get3A_257 = arith.index_cast %mul3A_236 : i32 to index
        %get3A_258 = tpu.vector_load %arg13[%get3A_257] {strides = array<i32>} : memref<1024xi32, #tpu.memory_space<vmem>>, vector<16xi32>,
        %min3A = arith.minimumf %get3A_140, %get3A_246 : vector<16xf32>
        %max3A = arith.maximumf %get3A_114, %get3A_238 : vector<16xf32>
        %sub3A_259 = arith.subf %min3A, %max3A : vector<16xf32>
        %min3A_260 = arith.minimumf %get3A_156, %get3A_250 : vector<16xf32>
        %max3A_261 = arith.maximumf %get3A_124, %get3A_242 : vector<16xf32>
        %sub3A_262 = arith.subf %min3A_260, %max3A_261 : vector<16xf32>
        %max3A_263 = arith.constant 0.000000e+00 : f32
        %max3A_264 = vector.broadcast %max3A_263 : f32 to vector<16xf32>
        %max3A_265 = arith.maximumf %sub3A_259, %max3A_264 : vector<16xf32>
        %max3A_266 = arith.constant 0.000000e+00 : f32
        %max3A_267 = vector.broadcast %max3A_266 : f32 to vector<16xf32>
        %max3A_268 = arith.maximumf %sub3A_262, %max3A_267 : vector<16xf32>
        %mul3A_269 = arith.mulf %max3A_265, %max3A_268 : vector<16xf32>
        %add3A_270 = arith.addf %mul3A_170, %get3A_254 : vector<16xf32>
        %sub3A_271 = arith.subf %add3A_270, %mul3A_269 : vector<16xf32>
        %div3A = arith.divf %mul3A_269, %sub3A_271 : vector<16xf32>
        %gt3A = arith.cmpf ogt, %div3A, %scan3A_227 : vector<16xf32>
        %select_n3A = arith.select %gt3A, %div3A, %scan3A_227 : vector<16xi1>, vector<16xf32>
        %broadcast_in_dim3A = vector.broadcast %scan3A_226 : i32 to vector<16xi32>
        %select_n3A_272 = arith.select %gt3A, %broadcast_in_dim3A, %scan3A_231 : vector<16xi1>, vector<16xi32>
        %gt3A_273 = arith.cmpf ogt, %div3A, %get3A_256 : vector<16xf32>
        %select_n3A_274 = arith.select %gt3A_273, %div3A, %get3A_256 : vector<16xi1>, vector<16xf32>
        %select_n3A_275 = arith.select %gt3A_273, %add3A_104, %get3A_258 : vector<16xi1>, vector<16xi32>
        %min3A_276 = arith.minimumf %get3A_144, %get3A_246 : vector<16xf32>
        %max3A_277 = arith.maximumf %get3A_116, %get3A_238 : vector<16xf32>
        %sub3A_278 = arith.subf %min3A_276, %max3A_277 : vector<16xf32>
        %min3A_279 = arith.minimumf %get3A_160, %get3A_250 : vector<16xf32>
        %max3A_280 = arith.maximumf %get3A_128, %get3A_242 : vector<16xf32>
        %sub3A_281 = arith.subf %min3A_279, %max3A_280 : vector<16xf32>
        %max3A_282 = arith.constant 0.000000e+00 : f32
        %max3A_283 = vector.broadcast %max3A_282 : f32 to vector<16xf32>
        %max3A_284 = arith.maximumf %sub3A_278, %max3A_283 : vector<16xf32>
        %max3A_285 = arith.constant 0.000000e+00 : f32
        %max3A_286 = vector.broadcast %max3A_285 : f32 to vector<16xf32>
        %max3A_287 = arith.maximumf %sub3A_281, %max3A_286 : vector<16xf32>
        %mul3A_288 = arith.mulf %max3A_284, %max3A_287 : vector<16xf32>
        %add3A_289 = arith.addf %mul3A_173, %get3A_254 : vector<16xf32>
        %sub3A_290 = arith.subf %add3A_289, %mul3A_288 : vector<16xf32>
        %div3A_291 = arith.divf %mul3A_288, %sub3A_290 : vector<16xf32>
        %gt3A_292 = arith.cmpf ogt, %div3A_291, %scan3A_228 : vector<16xf32>
        %select_n3A_293 = arith.select %gt3A_292, %div3A_291, %scan3A_228 : vector<16xi1>, vector<16xf32>
        %broadcast_in_dim3A_294 = vector.broadcast %scan3A_226 : i32 to vector<16xi32>
        %select_n3A_295 = arith.select %gt3A_292, %broadcast_in_dim3A_294, %scan3A_232 : vector<16xi1>, vector<16xi32>
        %gt3A_296 = arith.cmpf ogt, %div3A_291, %select_n3A_274 : vector<16xf32>
        %select_n3A_297 = arith.select %gt3A_296, %div3A_291, %select_n3A_274 : vector<16xi1>, vector<16xf32>
        %select_n3A_298 = arith.select %gt3A_296, %add3A_107, %select_n3A_275 : vector<16xi1>, vector<16xi32>
        %min3A_299 = arith.minimumf %get3A_148, %get3A_246 : vector<16xf32>
        %max3A_300 = arith.maximumf %get3A_118, %get3A_238 : vector<16xf32>
        %sub3A_301 = arith.subf %min3A_299, %max3A_300 : vector<16xf32>
        %min3A_302 = arith.minimumf %get3A_164, %get3A_250 : vector<16xf32>
        %max3A_303 = arith.maximumf %get3A_132, %get3A_242 : vector<16xf32>
        %sub3A_304 = arith.subf %min3A_302, %max3A_303 : vector<16xf32>
        %max3A_305 = arith.constant 0.000000e+00 : f32
        %max3A_306 = vector.broadcast %max3A_305 : f32 to vector<16xf32>
        %max3A_307 = arith.maximumf %sub3A_301, %max3A_306 : vector<16xf32>
        %max3A_308 = arith.constant 0.000000e+00 : f32
        %max3A_309 = vector.broadcast %max3A_308 : f32 to vector<16xf32>
        %max3A_310 = arith.maximumf %sub3A_304, %max3A_309 : vector<16xf32>
        %mul3A_311 = arith.mulf %max3A_307, %max3A_310 : vector<16xf32>
        %add3A_312 = arith.addf %mul3A_176, %get3A_254 : vector<16xf32>
        %sub3A_313 = arith.subf %add3A_312, %mul3A_311 : vector<16xf32>
        %div3A_314 = arith.divf %mul3A_311, %sub3A_313 : vector<16xf32>
        %gt3A_315 = arith.cmpf ogt, %div3A_314, %scan3A_229 : vector<16xf32>
        %select_n3A_316 = arith.select %gt3A_315, %div3A_314, %scan3A_229 : vector<16xi1>, vector<16xf32>
        %broadcast_in_dim3A_317 = vector.broadcast %scan3A_226 : i32 to vector<16xi32>
        %select_n3A_318 = arith.select %gt3A_315, %broadcast_in_dim3A_317, %scan3A_233 : vector<16xi1>, vector<16xi32>
        %gt3A_319 = arith.cmpf ogt, %div3A_314, %select_n3A_297 : vector<16xf32>
        %select_n3A_320 = arith.select %gt3A_319, %div3A_314, %select_n3A_297 : vector<16xi1>, vector<16xf32>
        %select_n3A_321 = arith.select %gt3A_319, %add3A_110, %select_n3A_298 : vector<16xi1>, vector<16xi32>
        %min3A_322 = arith.minimumf %get3A_152, %get3A_246 : vector<16xf32>
        %max3A_323 = arith.maximumf %get3A_120, %get3A_238 : vector<16xf32>
        %sub3A_324 = arith.subf %min3A_322, %max3A_323 : vector<16xf32>
        %min3A_325 = arith.minimumf %get3A_168, %get3A_250 : vector<16xf32>
        %max3A_326 = arith.maximumf %get3A_136, %get3A_242 : vector<16xf32>
        %sub3A_327 = arith.subf %min3A_325, %max3A_326 : vector<16xf32>
        %max3A_328 = arith.constant 0.000000e+00 : f32
        %max3A_329 = vector.broadcast %max3A_328 : f32 to vector<16xf32>
        %max3A_330 = arith.maximumf %sub3A_324, %max3A_329 : vector<16xf32>
        %max3A_331 = arith.constant 0.000000e+00 : f32
        %max3A_332 = vector.broadcast %max3A_331 : f32 to vector<16xf32>
        %max3A_333 = arith.maximumf %sub3A_327, %max3A_332 : vector<16xf32>
        %mul3A_334 = arith.mulf %max3A_330, %max3A_333 : vector<16xf32>
        %add3A_335 = arith.addf %mul3A_179, %get3A_254 : vector<16xf32>
        %sub3A_336 = arith.subf %add3A_335, %mul3A_334 : vector<16xf32>
        %div3A_337 = arith.divf %mul3A_334, %sub3A_336 : vector<16xf32>
        %gt3A_338 = arith.cmpf ogt, %div3A_337, %scan3A_230 : vector<16xf32>
        %select_n3A_339 = arith.select %gt3A_338, %div3A_337, %scan3A_230 : vector<16xi1>, vector<16xf32>
        %broadcast_in_dim3A_340 = vector.broadcast %scan3A_226 : i32 to vector<16xi32>
        %select_n3A_341 = arith.select %gt3A_338, %broadcast_in_dim3A_340, %scan3A_234 : vector<16xi1>, vector<16xi32>
        %gt3A_342 = arith.cmpf ogt, %div3A_337, %select_n3A_320 : vector<16xf32>
        %select_n3A_343 = arith.select %gt3A_342, %div3A_337, %select_n3A_320 : vector<16xi1>, vector<16xf32>
        %select_n3A_344 = arith.select %gt3A_342, %add3A_113, %select_n3A_321 : vector<16xi1>, vector<16xi32>
        %swap3A_345 = arith.index_cast %mul3A_236 : i32 to index
        %swap3A_346 = tpu.vector_load %arg12[%swap3A_345] {strides = array<i32>} : memref<1024xf32, #tpu.memory_space<vmem>>, vector<16xf32>,
        tpu.vector_store %arg12[%swap3A_345], %select_n3A_343 {strides = array<i32>} : memref<1024xf32, #tpu.memory_space<vmem>>, vector<16xf32>,
        %swap3A_347 = arith.index_cast %mul3A_236 : i32 to index
        %swap3A_348 = tpu.vector_load %arg13[%swap3A_347] {strides = array<i32>} : memref<1024xi32, #tpu.memory_space<vmem>>, vector<16xi32>,
        tpu.vector_store %arg13[%swap3A_347], %select_n3A_344 {strides = array<i32>} : memref<1024xi32, #tpu.memory_space<vmem>>, vector<16xi32>,
        %scan3A_349 = arith.constant 1 : i32
        %scan3A_350 = arith.addi %scan3A_226, %scan3A_349 : i32
        %mul3A_351 = arith.constant 16 : i32
        %mul3A_352 = arith.muli %scan3A_350, %mul3A_351 : i32
        %get3A_353 = arith.index_cast %mul3A_352 : i32 to index
        %get3A_354 = tpu.vector_load %arg8[%get3A_353] {strides = array<i32>} : memref<5120xf32, #tpu.memory_space<vmem>>, vector<16xf32>,
        %add3A_355 = arith.constant 1024 : i32
        %add3A_356 = arith.addi %add3A_355, %mul3A_352 : i32
        %get3A_357 = arith.index_cast %add3A_356 : i32 to index
        %get3A_358 = tpu.vector_load %arg8[%get3A_357] {strides = array<i32>} : memref<5120xf32, #tpu.memory_space<vmem>>, vector<16xf32>,
        %add3A_359 = arith.constant 2048 : i32
        %add3A_360 = arith.addi %add3A_359, %mul3A_352 : i32
        %get3A_361 = arith.index_cast %add3A_360 : i32 to index
        %get3A_362 = tpu.vector_load %arg8[%get3A_361] {strides = array<i32>} : memref<5120xf32, #tpu.memory_space<vmem>>, vector<16xf32>,
        %add3A_363 = arith.constant 3072 : i32
        %add3A_364 = arith.addi %add3A_363, %mul3A_352 : i32
        %get3A_365 = arith.index_cast %add3A_364 : i32 to index
        %get3A_366 = tpu.vector_load %arg8[%get3A_365] {strides = array<i32>} : memref<5120xf32, #tpu.memory_space<vmem>>, vector<16xf32>,
        %add3A_367 = arith.constant 4096 : i32
        %add3A_368 = arith.addi %add3A_367, %mul3A_352 : i32
        %get3A_369 = arith.index_cast %add3A_368 : i32 to index
        %get3A_370 = tpu.vector_load %arg8[%get3A_369] {strides = array<i32>} : memref<5120xf32, #tpu.memory_space<vmem>>, vector<16xf32>,
        %get3A_371 = arith.index_cast %mul3A_352 : i32 to index
        %get3A_372 = tpu.vector_load %arg12[%get3A_371] {strides = array<i32>} : memref<1024xf32, #tpu.memory_space<vmem>>, vector<16xf32>,
        %get3A_373 = arith.index_cast %mul3A_352 : i32 to index
        %get3A_374 = tpu.vector_load %arg13[%get3A_373] {strides = array<i32>} : memref<1024xi32, #tpu.memory_space<vmem>>, vector<16xi32>,
        %min3A_375 = arith.minimumf %get3A_140, %get3A_362 : vector<16xf32>
        %max3A_376 = arith.maximumf %get3A_114, %get3A_354 : vector<16xf32>
        %sub3A_377 = arith.subf %min3A_375, %max3A_376 : vector<16xf32>
        %min3A_378 = arith.minimumf %get3A_156, %get3A_366 : vector<16xf32>
        %max3A_379 = arith.maximumf %get3A_124, %get3A_358 : vector<16xf32>
        %sub3A_380 = arith.subf %min3A_378, %max3A_379 : vector<16xf32>
        %max3A_381 = arith.constant 0.000000e+00 : f32
        %max3A_382 = vector.broadcast %max3A_381 : f32 to vector<16xf32>
        %max3A_383 = arith.maximumf %sub3A_377, %max3A_382 : vector<16xf32>
        %max3A_384 = arith.constant 0.000000e+00 : f32
        %max3A_385 = vector.broadcast %max3A_384 : f32 to vector<16xf32>
        %max3A_386 = arith.maximumf %sub3A_380, %max3A_385 : vector<16xf32>
        %mul3A_387 = arith.mulf %max3A_383, %max3A_386 : vector<16xf32>
        %add3A_388 = arith.addf %mul3A_170, %get3A_370 : vector<16xf32>
        %sub3A_389 = arith.subf %add3A_388, %mul3A_387 : vector<16xf32>
        %div3A_390 = arith.divf %mul3A_387, %sub3A_389 : vector<16xf32>
        %gt3A_391 = arith.cmpf ogt, %div3A_390, %select_n3A : vector<16xf32>
        %select_n3A_392 = arith.select %gt3A_391, %div3A_390, %select_n3A : vector<16xi1>, vector<16xf32>
        %broadcast_in_dim3A_393 = vector.broadcast %scan3A_350 : i32 to vector<16xi32>
        %select_n3A_394 = arith.select %gt3A_391, %broadcast_in_dim3A_393, %select_n3A_272 : vector<16xi1>, vector<16xi32>
        %gt3A_395 = arith.cmpf ogt, %div3A_390, %get3A_372 : vector<16xf32>
        %select_n3A_396 = arith.select %gt3A_395, %div3A_390, %get3A_372 : vector<16xi1>, vector<16xf32>
        %select_n3A_397 = arith.select %gt3A_395, %add3A_104, %get3A_374 : vector<16xi1>, vector<16xi32>
        %min3A_398 = arith.minimumf %get3A_144, %get3A_362 : vector<16xf32>
        %max3A_399 = arith.maximumf %get3A_116, %get3A_354 : vector<16xf32>
        %sub3A_400 = arith.subf %min3A_398, %max3A_399 : vector<16xf32>
        %min3A_401 = arith.minimumf %get3A_160, %get3A_366 : vector<16xf32>
        %max3A_402 = arith.maximumf %get3A_128, %get3A_358 : vector<16xf32>
        %sub3A_403 = arith.subf %min3A_401, %max3A_402 : vector<16xf32>
        %max3A_404 = arith.constant 0.000000e+00 : f32
        %max3A_405 = vector.broadcast %max3A_404 : f32 to vector<16xf32>
        %max3A_406 = arith.maximumf %sub3A_400, %max3A_405 : vector<16xf32>
        %max3A_407 = arith.constant 0.000000e+00 : f32
        %max3A_408 = vector.broadcast %max3A_407 : f32 to vector<16xf32>
        %max3A_409 = arith.maximumf %sub3A_403, %max3A_408 : vector<16xf32>
        %mul3A_410 = arith.mulf %max3A_406, %max3A_409 : vector<16xf32>
        %add3A_411 = arith.addf %mul3A_173, %get3A_370 : vector<16xf32>
        %sub3A_412 = arith.subf %add3A_411, %mul3A_410 : vector<16xf32>
        %div3A_413 = arith.divf %mul3A_410, %sub3A_412 : vector<16xf32>
        %gt3A_414 = arith.cmpf ogt, %div3A_413, %select_n3A_293 : vector<16xf32>
        %select_n3A_415 = arith.select %gt3A_414, %div3A_413, %select_n3A_293 : vector<16xi1>, vector<16xf32>
        %broadcast_in_dim3A_416 = vector.broadcast %scan3A_350 : i32 to vector<16xi32>
        %select_n3A_417 = arith.select %gt3A_414, %broadcast_in_dim3A_416, %select_n3A_295 : vector<16xi1>, vector<16xi32>
        %gt3A_418 = arith.cmpf ogt, %div3A_413, %select_n3A_396 : vector<16xf32>
        %select_n3A_419 = arith.select %gt3A_418, %div3A_413, %select_n3A_396 : vector<16xi1>, vector<16xf32>
        %select_n3A_420 = arith.select %gt3A_418, %add3A_107, %select_n3A_397 : vector<16xi1>, vector<16xi32>
        %min3A_421 = arith.minimumf %get3A_148, %get3A_362 : vector<16xf32>
        %max3A_422 = arith.maximumf %get3A_118, %get3A_354 : vector<16xf32>
        %sub3A_423 = arith.subf %min3A_421, %max3A_422 : vector<16xf32>
        %min3A_424 = arith.minimumf %get3A_164, %get3A_366 : vector<16xf32>
        %max3A_425 = arith.maximumf %get3A_132, %get3A_358 : vector<16xf32>
        %sub3A_426 = arith.subf %min3A_424, %max3A_425 : vector<16xf32>
        %max3A_427 = arith.constant 0.000000e+00 : f32
        %max3A_428 = vector.broadcast %max3A_427 : f32 to vector<16xf32>
        %max3A_429 = arith.maximumf %sub3A_423, %max3A_428 : vector<16xf32>
        %max3A_430 = arith.constant 0.000000e+00 : f32
        %max3A_431 = vector.broadcast %max3A_430 : f32 to vector<16xf32>
        %max3A_432 = arith.maximumf %sub3A_426, %max3A_431 : vector<16xf32>
        %mul3A_433 = arith.mulf %max3A_429, %max3A_432 : vector<16xf32>
        %add3A_434 = arith.addf %mul3A_176, %get3A_370 : vector<16xf32>
        %sub3A_435 = arith.subf %add3A_434, %mul3A_433 : vector<16xf32>
        %div3A_436 = arith.divf %mul3A_433, %sub3A_435 : vector<16xf32>
        %gt3A_437 = arith.cmpf ogt, %div3A_436, %select_n3A_316 : vector<16xf32>
        %select_n3A_438 = arith.select %gt3A_437, %div3A_436, %select_n3A_316 : vector<16xi1>, vector<16xf32>
        %broadcast_in_dim3A_439 = vector.broadcast %scan3A_350 : i32 to vector<16xi32>
        %select_n3A_440 = arith.select %gt3A_437, %broadcast_in_dim3A_439, %select_n3A_318 : vector<16xi1>, vector<16xi32>
        %gt3A_441 = arith.cmpf ogt, %div3A_436, %select_n3A_419 : vector<16xf32>
        %select_n3A_442 = arith.select %gt3A_441, %div3A_436, %select_n3A_419 : vector<16xi1>, vector<16xf32>
        %select_n3A_443 = arith.select %gt3A_441, %add3A_110, %select_n3A_420 : vector<16xi1>, vector<16xi32>
        %min3A_444 = arith.minimumf %get3A_152, %get3A_362 : vector<16xf32>
        %max3A_445 = arith.maximumf %get3A_120, %get3A_354 : vector<16xf32>
        %sub3A_446 = arith.subf %min3A_444, %max3A_445 : vector<16xf32>
        %min3A_447 = arith.minimumf %get3A_168, %get3A_366 : vector<16xf32>
        %max3A_448 = arith.maximumf %get3A_136, %get3A_358 : vector<16xf32>
        %sub3A_449 = arith.subf %min3A_447, %max3A_448 : vector<16xf32>
        %max3A_450 = arith.constant 0.000000e+00 : f32
        %max3A_451 = vector.broadcast %max3A_450 : f32 to vector<16xf32>
        %max3A_452 = arith.maximumf %sub3A_446, %max3A_451 : vector<16xf32>
        %max3A_453 = arith.constant 0.000000e+00 : f32
        %max3A_454 = vector.broadcast %max3A_453 : f32 to vector<16xf32>
        %max3A_455 = arith.maximumf %sub3A_449, %max3A_454 : vector<16xf32>
        %mul3A_456 = arith.mulf %max3A_452, %max3A_455 : vector<16xf32>
        %add3A_457 = arith.addf %mul3A_179, %get3A_370 : vector<16xf32>
        %sub3A_458 = arith.subf %add3A_457, %mul3A_456 : vector<16xf32>
        %div3A_459 = arith.divf %mul3A_456, %sub3A_458 : vector<16xf32>
        %gt3A_460 = arith.cmpf ogt, %div3A_459, %select_n3A_339 : vector<16xf32>
        %select_n3A_461 = arith.select %gt3A_460, %div3A_459, %select_n3A_339 : vector<16xi1>, vector<16xf32>
        %broadcast_in_dim3A_462 = vector.broadcast %scan3A_350 : i32 to vector<16xi32>
        %select_n3A_463 = arith.select %gt3A_460, %broadcast_in_dim3A_462, %select_n3A_341 : vector<16xi1>, vector<16xi32>
        %gt3A_464 = arith.cmpf ogt, %div3A_459, %select_n3A_442 : vector<16xf32>
        %select_n3A_465 = arith.select %gt3A_464, %div3A_459, %select_n3A_442 : vector<16xi1>, vector<16xf32>
        %select_n3A_466 = arith.select %gt3A_464, %add3A_113, %select_n3A_443 : vector<16xi1>, vector<16xi32>
        %swap3A_467 = arith.index_cast %mul3A_352 : i32 to index
        %swap3A_468 = tpu.vector_load %arg12[%swap3A_467] {strides = array<i32>} : memref<1024xf32, #tpu.memory_space<vmem>>, vector<16xf32>,
        tpu.vector_store %arg12[%swap3A_467], %select_n3A_465 {strides = array<i32>} : memref<1024xf32, #tpu.memory_space<vmem>>, vector<16xf32>,
        %swap3A_469 = arith.index_cast %mul3A_352 : i32 to index
        %swap3A_470 = tpu.vector_load %arg13[%swap3A_469] {strides = array<i32>} : memref<1024xi32, #tpu.memory_space<vmem>>, vector<16xi32>,
        tpu.vector_store %arg13[%swap3A_469], %select_n3A_466 {strides = array<i32>} : memref<1024xi32, #tpu.memory_space<vmem>>, vector<16xi32>,
        scf.yield %select_n3A_392, %select_n3A_415, %select_n3A_438, %select_n3A_461, %select_n3A_394, %select_n3A_417, %select_n3A_440, %select_n3A_463 : vector<16xf32>, vector<16xf32>, vector<16xf32>, vector<16xf32>, vector<16xi32>, vector<16xi32>, vector<16xi32>, vector<16xi32>
      }
      %scan3A_209 = arith.constant 64 : i32
      %swap3A_210 = arith.index_cast %add3A_89 : i32 to index
      %swap3A_211 = tpu.vector_load %arg9[%swap3A_210] {strides = array<i32>} : memref<1280xf32, #tpu.memory_space<vmem>>, vector<16xf32>,
      tpu.vector_store %arg9[%swap3A_210], %scan3A_208#0 {strides = array<i32>} : memref<1280xf32, #tpu.memory_space<vmem>>, vector<16xf32>,
      %swap3A_212 = arith.index_cast %add3A_89 : i32 to index
      %swap3A_213 = tpu.vector_load %arg10[%swap3A_212] {strides = array<i32>} : memref<1280xi32, #tpu.memory_space<vmem>>, vector<16xi32>,
      tpu.vector_store %arg10[%swap3A_212], %scan3A_208#4 {strides = array<i32>} : memref<1280xi32, #tpu.memory_space<vmem>>, vector<16xi32>,
      %swap3A_214 = arith.index_cast %add3A_93 : i32 to index
      %swap3A_215 = tpu.vector_load %arg9[%swap3A_214] {strides = array<i32>} : memref<1280xf32, #tpu.memory_space<vmem>>, vector<16xf32>,
      tpu.vector_store %arg9[%swap3A_214], %scan3A_208#1 {strides = array<i32>} : memref<1280xf32, #tpu.memory_space<vmem>>, vector<16xf32>,
      %swap3A_216 = arith.index_cast %add3A_93 : i32 to index
      %swap3A_217 = tpu.vector_load %arg10[%swap3A_216] {strides = array<i32>} : memref<1280xi32, #tpu.memory_space<vmem>>, vector<16xi32>,
      tpu.vector_store %arg10[%swap3A_216], %scan3A_208#5 {strides = array<i32>} : memref<1280xi32, #tpu.memory_space<vmem>>, vector<16xi32>,
      %swap3A_218 = arith.index_cast %add3A_97 : i32 to index
      %swap3A_219 = tpu.vector_load %arg9[%swap3A_218] {strides = array<i32>} : memref<1280xf32, #tpu.memory_space<vmem>>, vector<16xf32>,
      tpu.vector_store %arg9[%swap3A_218], %scan3A_208#2 {strides = array<i32>} : memref<1280xf32, #tpu.memory_space<vmem>>, vector<16xf32>,
      %swap3A_220 = arith.index_cast %add3A_97 : i32 to index
      %swap3A_221 = tpu.vector_load %arg10[%swap3A_220] {strides = array<i32>} : memref<1280xi32, #tpu.memory_space<vmem>>, vector<16xi32>,
      tpu.vector_store %arg10[%swap3A_220], %scan3A_208#6 {strides = array<i32>} : memref<1280xi32, #tpu.memory_space<vmem>>, vector<16xi32>,
      %swap3A_222 = arith.index_cast %add3A_101 : i32 to index
      %swap3A_223 = tpu.vector_load %arg9[%swap3A_222] {strides = array<i32>} : memref<1280xf32, #tpu.memory_space<vmem>>, vector<16xf32>,
      tpu.vector_store %arg9[%swap3A_222], %scan3A_208#3 {strides = array<i32>} : memref<1280xf32, #tpu.memory_space<vmem>>, vector<16xf32>,
      %swap3A_224 = arith.index_cast %add3A_101 : i32 to index
      %swap3A_225 = tpu.vector_load %arg10[%swap3A_224] {strides = array<i32>} : memref<1280xi32, #tpu.memory_space<vmem>>, vector<16xi32>,
      tpu.vector_store %arg10[%swap3A_224], %scan3A_208#7 {strides = array<i32>} : memref<1280xi32, #tpu.memory_space<vmem>>, vector<16xi32>,
    }
    %scan3A_35 = arith.constant 20 : i32
    %mul3A_36 = arith.constant 64 : i32
    %mul3A_37 = arith.muli %arg1, %mul3A_36 : i32
    %mul3A_38 = arith.constant 16 : i32
    %mul3A_39 = arith.muli %mul3A_37, %mul3A_38 : i32
    "tpu.region"() ({
      %run_scoped3A = tpu.sem_alloc : memref<!tpu.dma_semaphore, #tpu.memory_space<semaphore_mem>>
      %dma_start3A = tpu.memref_slice %arg18[%mul3A_39] : memref<16384xf32, #tpu.memory_space<vmem_shared>> -> memref<1024xf32, #tpu.memory_space<vmem_shared>>
      %dma_start3A_85 = tpu.memref_slice %arg18[%mul3A_39] : memref<16384xf32, #tpu.memory_space<vmem_shared>> -> memref<1024xf32, #tpu.memory_space<vmem_shared>>
      tpu.enqueue_dma source(%arg12 : memref<1024xf32, #tpu.memory_space<vmem>>) target(%dma_start3A_85 : memref<1024xf32, #tpu.memory_space<vmem_shared>>) target_semaphore(%run_scoped3A : memref<!tpu.dma_semaphore, #tpu.memory_space<semaphore_mem>>)
      %dma_wait3A = tpu.memref_slice %arg18[%mul3A_39] : memref<16384xf32, #tpu.memory_space<vmem_shared>> -> memref<1024xf32, #tpu.memory_space<vmem_shared>>
      %dma_wait3A_86 = tpu.memref_slice %arg18[%mul3A_39] : memref<16384xf32, #tpu.memory_space<vmem_shared>> -> memref<1024xf32, #tpu.memory_space<vmem_shared>>
      tpu.wait_dma2 semaphore(%run_scoped3A : memref<!tpu.dma_semaphore, #tpu.memory_space<semaphore_mem>>) src(%arg12 : memref<1024xf32, #tpu.memory_space<vmem>>) dst(%dma_wait3A_86 : memref<1024xf32, #tpu.memory_space<vmem_shared>>)
      tpu.yield
    }) : () -> ()
    %mul3A_40 = arith.constant 64 : i32
    %mul3A_41 = arith.muli %arg1, %mul3A_40 : i32
    %mul3A_42 = arith.constant 16 : i32
    %mul3A_43 = arith.muli %mul3A_41, %mul3A_42 : i32
    "tpu.region"() ({
      %run_scoped3A = tpu.sem_alloc : memref<!tpu.dma_semaphore, #tpu.memory_space<semaphore_mem>>
      %dma_start3A = tpu.memref_slice %arg19[%mul3A_43] : memref<16384xi32, #tpu.memory_space<vmem_shared>> -> memref<1024xi32, #tpu.memory_space<vmem_shared>>
      %dma_start3A_85 = tpu.memref_slice %arg19[%mul3A_43] : memref<16384xi32, #tpu.memory_space<vmem_shared>> -> memref<1024xi32, #tpu.memory_space<vmem_shared>>
      tpu.enqueue_dma source(%arg13 : memref<1024xi32, #tpu.memory_space<vmem>>) target(%dma_start3A_85 : memref<1024xi32, #tpu.memory_space<vmem_shared>>) target_semaphore(%run_scoped3A : memref<!tpu.dma_semaphore, #tpu.memory_space<semaphore_mem>>)
      %dma_wait3A = tpu.memref_slice %arg19[%mul3A_43] : memref<16384xi32, #tpu.memory_space<vmem_shared>> -> memref<1024xi32, #tpu.memory_space<vmem_shared>>
      %dma_wait3A_86 = tpu.memref_slice %arg19[%mul3A_43] : memref<16384xi32, #tpu.memory_space<vmem_shared>> -> memref<1024xi32, #tpu.memory_space<vmem_shared>>
      tpu.wait_dma2 semaphore(%run_scoped3A : memref<!tpu.dma_semaphore, #tpu.memory_space<semaphore_mem>>) src(%arg13 : memref<1024xi32, #tpu.memory_space<vmem>>) dst(%dma_wait3A_86 : memref<1024xi32, #tpu.memory_space<vmem_shared>>)
      tpu.yield
    }) : () -> ()
    %barrier3A = arith.constant 0 : index
    tpu.barrier barrier_id(%barrier3A)
    "tpu.region"() ({
      %run_scoped3A = tpu.sem_alloc : memref<!tpu.dma_semaphore, #tpu.memory_space<semaphore_mem>>
      tpu.enqueue_dma source(%arg18 : memref<16384xf32, #tpu.memory_space<vmem_shared>>) target(%arg14 : memref<16384xf32, #tpu.memory_space<vmem>>) target_semaphore(%run_scoped3A : memref<!tpu.dma_semaphore, #tpu.memory_space<semaphore_mem>>)
      tpu.wait_dma2 semaphore(%run_scoped3A : memref<!tpu.dma_semaphore, #tpu.memory_space<semaphore_mem>>) src(%arg18 : memref<16384xf32, #tpu.memory_space<vmem_shared>>) dst(%arg14 : memref<16384xf32, #tpu.memory_space<vmem>>)
      tpu.yield
    }) : () -> ()
    "tpu.region"() ({
      %run_scoped3A = tpu.sem_alloc : memref<!tpu.dma_semaphore, #tpu.memory_space<semaphore_mem>>
      tpu.enqueue_dma source(%arg19 : memref<16384xi32, #tpu.memory_space<vmem_shared>>) target(%arg15 : memref<16384xi32, #tpu.memory_space<vmem>>) target_semaphore(%run_scoped3A : memref<!tpu.dma_semaphore, #tpu.memory_space<semaphore_mem>>)
      tpu.wait_dma2 semaphore(%run_scoped3A : memref<!tpu.dma_semaphore, #tpu.memory_space<semaphore_mem>>) src(%arg19 : memref<16384xi32, #tpu.memory_space<vmem_shared>>) dst(%arg15 : memref<16384xi32, #tpu.memory_space<vmem>>)
      tpu.yield
    }) : () -> ()
    %scan3A_44 = arith.constant 0 : i32
    %scan3A_45 = arith.constant 0 : i32
    %scan3A_46 = arith.constant 64 : i32
    %scan3A_47 = arith.addi %scan3A_45, %scan3A_46 : i32
    %scan3A_48 = arith.constant 1 : i32
    scf.for %scan3A_85 = %scan3A_45 to %scan3A_47 step %scan3A_48  : i32 {
      %mul3A_86 = arith.constant 16 : i32
      %mul3A_87 = arith.muli %scan3A_85, %mul3A_86 : i32
      %get3A = arith.index_cast %mul3A_87 : i32 to index
      %get3A_88 = tpu.vector_load %arg14[%get3A] {strides = array<i32>} : memref<16384xf32, #tpu.memory_space<vmem>>, vector<16xf32>,
      %mul3A_89 = arith.constant 16 : i32
      %mul3A_90 = arith.muli %scan3A_85, %mul3A_89 : i32
      %get3A_91 = arith.index_cast %mul3A_90 : i32 to index
      %get3A_92 = tpu.vector_load %arg15[%get3A_91] {strides = array<i32>} : memref<16384xi32, #tpu.memory_space<vmem>>, vector<16xi32>,
      %scan3A_93 = arith.constant 1 : i32
      %scan3A_94 = arith.constant 15 : i32
      %scan3A_95 = arith.addi %scan3A_93, %scan3A_94 : i32
      %scan3A_96 = arith.constant 5 : i32
      %scan3A_97:2 = scf.for %scan3A_211 = %scan3A_93 to %scan3A_95 step %scan3A_96 iter_args(%scan3A_212 = %get3A_88, %scan3A_213 = %get3A_92) -> (vector<16xf32>, vector<16xi32>)  : i32 {
        %mul3A_214 = arith.constant 64 : i32
        %mul3A_215 = arith.muli %scan3A_211, %mul3A_214 : i32
        %mul3A_216 = arith.constant 16 : i32
        %mul3A_217 = arith.muli %mul3A_215, %mul3A_216 : i32
        %mul3A_218 = arith.constant 16 : i32
        %mul3A_219 = arith.muli %scan3A_85, %mul3A_218 : i32
        %add3A_220 = arith.addi %mul3A_217, %mul3A_219 : i32
        %get3A_221 = arith.index_cast %add3A_220 : i32 to index
        %get3A_222 = tpu.vector_load %arg14[%get3A_221] {strides = array<i32>} : memref<16384xf32, #tpu.memory_space<vmem>>, vector<16xf32>,
        %mul3A_223 = arith.constant 64 : i32
        %mul3A_224 = arith.muli %scan3A_211, %mul3A_223 : i32
        %mul3A_225 = arith.constant 16 : i32
        %mul3A_226 = arith.muli %mul3A_224, %mul3A_225 : i32
        %mul3A_227 = arith.constant 16 : i32
        %mul3A_228 = arith.muli %scan3A_85, %mul3A_227 : i32
        %add3A_229 = arith.addi %mul3A_226, %mul3A_228 : i32
        %get3A_230 = arith.index_cast %add3A_229 : i32 to index
        %get3A_231 = tpu.vector_load %arg15[%get3A_230] {strides = array<i32>} : memref<16384xi32, #tpu.memory_space<vmem>>, vector<16xi32>,
        %gt3A = arith.cmpf ogt, %get3A_222, %scan3A_212 : vector<16xf32>
        %eq3A_232 = arith.cmpf oeq, %get3A_222, %scan3A_212 : vector<16xf32>
        %lt3A_233 = arith.cmpi slt, %get3A_231, %scan3A_213 : vector<16xi32>
        %and3A = arith.andi %eq3A_232, %lt3A_233 : vector<16xi1>
        %or3A = arith.ori %gt3A, %and3A : vector<16xi1>
        %select_n3A_234 = arith.select %or3A, %get3A_222, %scan3A_212 : vector<16xi1>, vector<16xf32>
        %select_n3A_235 = arith.select %or3A, %get3A_231, %scan3A_213 : vector<16xi1>, vector<16xi32>
        %scan3A_236 = arith.constant 1 : i32
        %scan3A_237 = arith.addi %scan3A_211, %scan3A_236 : i32
        %mul3A_238 = arith.constant 64 : i32
        %mul3A_239 = arith.muli %scan3A_237, %mul3A_238 : i32
        %mul3A_240 = arith.constant 16 : i32
        %mul3A_241 = arith.muli %mul3A_239, %mul3A_240 : i32
        %mul3A_242 = arith.constant 16 : i32
        %mul3A_243 = arith.muli %scan3A_85, %mul3A_242 : i32
        %add3A_244 = arith.addi %mul3A_241, %mul3A_243 : i32
        %get3A_245 = arith.index_cast %add3A_244 : i32 to index
        %get3A_246 = tpu.vector_load %arg14[%get3A_245] {strides = array<i32>} : memref<16384xf32, #tpu.memory_space<vmem>>, vector<16xf32>,
        %mul3A_247 = arith.constant 64 : i32
        %mul3A_248 = arith.muli %scan3A_237, %mul3A_247 : i32
        %mul3A_249 = arith.constant 16 : i32
        %mul3A_250 = arith.muli %mul3A_248, %mul3A_249 : i32
        %mul3A_251 = arith.constant 16 : i32
        %mul3A_252 = arith.muli %scan3A_85, %mul3A_251 : i32
        %add3A_253 = arith.addi %mul3A_250, %mul3A_252 : i32
        %get3A_254 = arith.index_cast %add3A_253 : i32 to index
        %get3A_255 = tpu.vector_load %arg15[%get3A_254] {strides = array<i32>} : memref<16384xi32, #tpu.memory_space<vmem>>, vector<16xi32>,
        %gt3A_256 = arith.cmpf ogt, %get3A_246, %select_n3A_234 : vector<16xf32>
        %eq3A_257 = arith.cmpf oeq, %get3A_246, %select_n3A_234 : vector<16xf32>
        %lt3A_258 = arith.cmpi slt, %get3A_255, %select_n3A_235 : vector<16xi32>
        %and3A_259 = arith.andi %eq3A_257, %lt3A_258 : vector<16xi1>
        %or3A_260 = arith.ori %gt3A_256, %and3A_259 : vector<16xi1>
        %select_n3A_261 = arith.select %or3A_260, %get3A_246, %select_n3A_234 : vector<16xi1>, vector<16xf32>
        %select_n3A_262 = arith.select %or3A_260, %get3A_255, %select_n3A_235 : vector<16xi1>, vector<16xi32>
        %scan3A_263 = arith.constant 2 : i32
        %scan3A_264 = arith.addi %scan3A_211, %scan3A_263 : i32
        %mul3A_265 = arith.constant 64 : i32
        %mul3A_266 = arith.muli %scan3A_264, %mul3A_265 : i32
        %mul3A_267 = arith.constant 16 : i32
        %mul3A_268 = arith.muli %mul3A_266, %mul3A_267 : i32
        %mul3A_269 = arith.constant 16 : i32
        %mul3A_270 = arith.muli %scan3A_85, %mul3A_269 : i32
        %add3A_271 = arith.addi %mul3A_268, %mul3A_270 : i32
        %get3A_272 = arith.index_cast %add3A_271 : i32 to index
        %get3A_273 = tpu.vector_load %arg14[%get3A_272] {strides = array<i32>} : memref<16384xf32, #tpu.memory_space<vmem>>, vector<16xf32>,
        %mul3A_274 = arith.constant 64 : i32
        %mul3A_275 = arith.muli %scan3A_264, %mul3A_274 : i32
        %mul3A_276 = arith.constant 16 : i32
        %mul3A_277 = arith.muli %mul3A_275, %mul3A_276 : i32
        %mul3A_278 = arith.constant 16 : i32
        %mul3A_279 = arith.muli %scan3A_85, %mul3A_278 : i32
        %add3A_280 = arith.addi %mul3A_277, %mul3A_279 : i32
        %get3A_281 = arith.index_cast %add3A_280 : i32 to index
        %get3A_282 = tpu.vector_load %arg15[%get3A_281] {strides = array<i32>} : memref<16384xi32, #tpu.memory_space<vmem>>, vector<16xi32>,
        %gt3A_283 = arith.cmpf ogt, %get3A_273, %select_n3A_261 : vector<16xf32>
        %eq3A_284 = arith.cmpf oeq, %get3A_273, %select_n3A_261 : vector<16xf32>
        %lt3A_285 = arith.cmpi slt, %get3A_282, %select_n3A_262 : vector<16xi32>
        %and3A_286 = arith.andi %eq3A_284, %lt3A_285 : vector<16xi1>
        %or3A_287 = arith.ori %gt3A_283, %and3A_286 : vector<16xi1>
        %select_n3A_288 = arith.select %or3A_287, %get3A_273, %select_n3A_261 : vector<16xi1>, vector<16xf32>
        %select_n3A_289 = arith.select %or3A_287, %get3A_282, %select_n3A_262 : vector<16xi1>, vector<16xi32>
        %scan3A_290 = arith.constant 3 : i32
        %scan3A_291 = arith.addi %scan3A_211, %scan3A_290 : i32
        %mul3A_292 = arith.constant 64 : i32
        %mul3A_293 = arith.muli %scan3A_291, %mul3A_292 : i32
        %mul3A_294 = arith.constant 16 : i32
        %mul3A_295 = arith.muli %mul3A_293, %mul3A_294 : i32
        %mul3A_296 = arith.constant 16 : i32
        %mul3A_297 = arith.muli %scan3A_85, %mul3A_296 : i32
        %add3A_298 = arith.addi %mul3A_295, %mul3A_297 : i32
        %get3A_299 = arith.index_cast %add3A_298 : i32 to index
        %get3A_300 = tpu.vector_load %arg14[%get3A_299] {strides = array<i32>} : memref<16384xf32, #tpu.memory_space<vmem>>, vector<16xf32>,
        %mul3A_301 = arith.constant 64 : i32
        %mul3A_302 = arith.muli %scan3A_291, %mul3A_301 : i32
        %mul3A_303 = arith.constant 16 : i32
        %mul3A_304 = arith.muli %mul3A_302, %mul3A_303 : i32
        %mul3A_305 = arith.constant 16 : i32
        %mul3A_306 = arith.muli %scan3A_85, %mul3A_305 : i32
        %add3A_307 = arith.addi %mul3A_304, %mul3A_306 : i32
        %get3A_308 = arith.index_cast %add3A_307 : i32 to index
        %get3A_309 = tpu.vector_load %arg15[%get3A_308] {strides = array<i32>} : memref<16384xi32, #tpu.memory_space<vmem>>, vector<16xi32>,
        %gt3A_310 = arith.cmpf ogt, %get3A_300, %select_n3A_288 : vector<16xf32>
        %eq3A_311 = arith.cmpf oeq, %get3A_300, %select_n3A_288 : vector<16xf32>
        %lt3A_312 = arith.cmpi slt, %get3A_309, %select_n3A_289 : vector<16xi32>
        %and3A_313 = arith.andi %eq3A_311, %lt3A_312 : vector<16xi1>
        %or3A_314 = arith.ori %gt3A_310, %and3A_313 : vector<16xi1>
        %select_n3A_315 = arith.select %or3A_314, %get3A_300, %select_n3A_288 : vector<16xi1>, vector<16xf32>
        %select_n3A_316 = arith.select %or3A_314, %get3A_309, %select_n3A_289 : vector<16xi1>, vector<16xi32>
        %scan3A_317 = arith.constant 4 : i32
        %scan3A_318 = arith.addi %scan3A_211, %scan3A_317 : i32
        %mul3A_319 = arith.constant 64 : i32
        %mul3A_320 = arith.muli %scan3A_318, %mul3A_319 : i32
        %mul3A_321 = arith.constant 16 : i32
        %mul3A_322 = arith.muli %mul3A_320, %mul3A_321 : i32
        %mul3A_323 = arith.constant 16 : i32
        %mul3A_324 = arith.muli %scan3A_85, %mul3A_323 : i32
        %add3A_325 = arith.addi %mul3A_322, %mul3A_324 : i32
        %get3A_326 = arith.index_cast %add3A_325 : i32 to index
        %get3A_327 = tpu.vector_load %arg14[%get3A_326] {strides = array<i32>} : memref<16384xf32, #tpu.memory_space<vmem>>, vector<16xf32>,
        %mul3A_328 = arith.constant 64 : i32
        %mul3A_329 = arith.muli %scan3A_318, %mul3A_328 : i32
        %mul3A_330 = arith.constant 16 : i32
        %mul3A_331 = arith.muli %mul3A_329, %mul3A_330 : i32
        %mul3A_332 = arith.constant 16 : i32
        %mul3A_333 = arith.muli %scan3A_85, %mul3A_332 : i32
        %add3A_334 = arith.addi %mul3A_331, %mul3A_333 : i32
        %get3A_335 = arith.index_cast %add3A_334 : i32 to index
        %get3A_336 = tpu.vector_load %arg15[%get3A_335] {strides = array<i32>} : memref<16384xi32, #tpu.memory_space<vmem>>, vector<16xi32>,
        %gt3A_337 = arith.cmpf ogt, %get3A_327, %select_n3A_315 : vector<16xf32>
        %eq3A_338 = arith.cmpf oeq, %get3A_327, %select_n3A_315 : vector<16xf32>
        %lt3A_339 = arith.cmpi slt, %get3A_336, %select_n3A_316 : vector<16xi32>
        %and3A_340 = arith.andi %eq3A_338, %lt3A_339 : vector<16xi1>
        %or3A_341 = arith.ori %gt3A_337, %and3A_340 : vector<16xi1>
        %select_n3A_342 = arith.select %or3A_341, %get3A_327, %select_n3A_315 : vector<16xi1>, vector<16xf32>
        %select_n3A_343 = arith.select %or3A_341, %get3A_336, %select_n3A_316 : vector<16xi1>, vector<16xi32>
        scf.yield %select_n3A_342, %select_n3A_343 : vector<16xf32>, vector<16xi32>
      }
      %scan3A_98 = arith.constant 15 : i32
      %xor3A = arith.constant 1 : i32
      %xor3A_99 = vector.broadcast %xor3A : i32 to vector<16xi32>
      %xor3A_100 = arith.xori %iota3A, %xor3A_99 : vector<16xi32>
      %lt3A = arith.constant 0 : i32
      %lt3A_101 = vector.broadcast %lt3A : i32 to vector<16xi32>
      %lt3A_102 = arith.cmpi slt, %xor3A_100, %lt3A_101 : vector<16xi32>
      %add3A_103 = arith.constant 16 : i32
      %add3A_104 = vector.broadcast %add3A_103 : i32 to vector<16xi32>
      %add3A_105 = arith.addi %xor3A_100, %add3A_104 : vector<16xi32>
      %select_n3A = arith.select %lt3A_102, %add3A_105, %xor3A_100 : vector<16xi1>, vector<16xi32>
      %broadcast_in_dim3A = vector.shape_cast %select_n3A : vector<16xi32> to vector<16x1xi32>
      %gather3A = vector.shape_cast %broadcast_in_dim3A : vector<16x1xi32> to vector<16xi32>
      %gather3A_106 = tpu.dynamic_gather %scan3A_97#0[%gather3A] in [0] : vector<16xf32>, vector<16xi32> -> vector<16xf32>
      %max3A = arith.maximumf %scan3A_97#0, %gather3A_106 : vector<16xf32>
      %xor3A_107 = arith.constant 2 : i32
      %xor3A_108 = vector.broadcast %xor3A_107 : i32 to vector<16xi32>
      %xor3A_109 = arith.xori %iota3A, %xor3A_108 : vector<16xi32>
      %lt3A_110 = arith.constant 0 : i32
      %lt3A_111 = vector.broadcast %lt3A_110 : i32 to vector<16xi32>
      %lt3A_112 = arith.cmpi slt, %xor3A_109, %lt3A_111 : vector<16xi32>
      %add3A_113 = arith.constant 16 : i32
      %add3A_114 = vector.broadcast %add3A_113 : i32 to vector<16xi32>
      %add3A_115 = arith.addi %xor3A_109, %add3A_114 : vector<16xi32>
      %select_n3A_116 = arith.select %lt3A_112, %add3A_115, %xor3A_109 : vector<16xi1>, vector<16xi32>
      %broadcast_in_dim3A_117 = vector.shape_cast %select_n3A_116 : vector<16xi32> to vector<16x1xi32>
      %gather3A_118 = vector.shape_cast %broadcast_in_dim3A_117 : vector<16x1xi32> to vector<16xi32>
      %gather3A_119 = tpu.dynamic_gather %max3A[%gather3A_118] in [0] : vector<16xf32>, vector<16xi32> -> vector<16xf32>
      %max3A_120 = arith.maximumf %max3A, %gather3A_119 : vector<16xf32>
      %xor3A_121 = arith.constant 4 : i32
      %xor3A_122 = vector.broadcast %xor3A_121 : i32 to vector<16xi32>
      %xor3A_123 = arith.xori %iota3A, %xor3A_122 : vector<16xi32>
      %lt3A_124 = arith.constant 0 : i32
      %lt3A_125 = vector.broadcast %lt3A_124 : i32 to vector<16xi32>
      %lt3A_126 = arith.cmpi slt, %xor3A_123, %lt3A_125 : vector<16xi32>
      %add3A_127 = arith.constant 16 : i32
      %add3A_128 = vector.broadcast %add3A_127 : i32 to vector<16xi32>
      %add3A_129 = arith.addi %xor3A_123, %add3A_128 : vector<16xi32>
      %select_n3A_130 = arith.select %lt3A_126, %add3A_129, %xor3A_123 : vector<16xi1>, vector<16xi32>
      %broadcast_in_dim3A_131 = vector.shape_cast %select_n3A_130 : vector<16xi32> to vector<16x1xi32>
      %gather3A_132 = vector.shape_cast %broadcast_in_dim3A_131 : vector<16x1xi32> to vector<16xi32>
      %gather3A_133 = tpu.dynamic_gather %max3A_120[%gather3A_132] in [0] : vector<16xf32>, vector<16xi32> -> vector<16xf32>
      %max3A_134 = arith.maximumf %max3A_120, %gather3A_133 : vector<16xf32>
      %xor3A_135 = arith.constant 8 : i32
      %xor3A_136 = vector.broadcast %xor3A_135 : i32 to vector<16xi32>
      %xor3A_137 = arith.xori %iota3A, %xor3A_136 : vector<16xi32>
      %lt3A_138 = arith.constant 0 : i32
      %lt3A_139 = vector.broadcast %lt3A_138 : i32 to vector<16xi32>
      %lt3A_140 = arith.cmpi slt, %xor3A_137, %lt3A_139 : vector<16xi32>
      %add3A_141 = arith.constant 16 : i32
      %add3A_142 = vector.broadcast %add3A_141 : i32 to vector<16xi32>
      %add3A_143 = arith.addi %xor3A_137, %add3A_142 : vector<16xi32>
      %select_n3A_144 = arith.select %lt3A_140, %add3A_143, %xor3A_137 : vector<16xi1>, vector<16xi32>
      %broadcast_in_dim3A_145 = vector.shape_cast %select_n3A_144 : vector<16xi32> to vector<16x1xi32>
      %gather3A_146 = vector.shape_cast %broadcast_in_dim3A_145 : vector<16x1xi32> to vector<16xi32>
      %gather3A_147 = tpu.dynamic_gather %max3A_134[%gather3A_146] in [0] : vector<16xf32>, vector<16xi32> -> vector<16xf32>
      %max3A_148 = arith.maximumf %max3A_134, %gather3A_147 : vector<16xf32>
      %eq3A_149 = arith.cmpf oeq, %scan3A_97#0, %max3A_148 : vector<16xf32>
      %jit3A = arith.constant 2147483647 : i32
      %broadcast_in_dim3A_150 = vector.broadcast %jit3A : i32 to vector<16xi32>
      %select_n3A_151 = arith.select %eq3A_149, %scan3A_97#1, %broadcast_in_dim3A_150 : vector<16xi1>, vector<16xi32>
      %xor3A_152 = arith.constant 1 : i32
      %xor3A_153 = vector.broadcast %xor3A_152 : i32 to vector<16xi32>
      %xor3A_154 = arith.xori %iota3A, %xor3A_153 : vector<16xi32>
      %lt3A_155 = arith.constant 0 : i32
      %lt3A_156 = vector.broadcast %lt3A_155 : i32 to vector<16xi32>
      %lt3A_157 = arith.cmpi slt, %xor3A_154, %lt3A_156 : vector<16xi32>
      %add3A_158 = arith.constant 16 : i32
      %add3A_159 = vector.broadcast %add3A_158 : i32 to vector<16xi32>
      %add3A_160 = arith.addi %xor3A_154, %add3A_159 : vector<16xi32>
      %select_n3A_161 = arith.select %lt3A_157, %add3A_160, %xor3A_154 : vector<16xi1>, vector<16xi32>
      %broadcast_in_dim3A_162 = vector.shape_cast %select_n3A_161 : vector<16xi32> to vector<16x1xi32>
      %gather3A_163 = vector.shape_cast %broadcast_in_dim3A_162 : vector<16x1xi32> to vector<16xi32>
      %gather3A_164 = tpu.dynamic_gather %select_n3A_151[%gather3A_163] in [0] : vector<16xi32>, vector<16xi32> -> vector<16xi32>
      %min3A = arith.minsi %select_n3A_151, %gather3A_164 : vector<16xi32>
      %xor3A_165 = arith.constant 2 : i32
      %xor3A_166 = vector.broadcast %xor3A_165 : i32 to vector<16xi32>
      %xor3A_167 = arith.xori %iota3A, %xor3A_166 : vector<16xi32>
      %lt3A_168 = arith.constant 0 : i32
      %lt3A_169 = vector.broadcast %lt3A_168 : i32 to vector<16xi32>
      %lt3A_170 = arith.cmpi slt, %xor3A_167, %lt3A_169 : vector<16xi32>
      %add3A_171 = arith.constant 16 : i32
      %add3A_172 = vector.broadcast %add3A_171 : i32 to vector<16xi32>
      %add3A_173 = arith.addi %xor3A_167, %add3A_172 : vector<16xi32>
      %select_n3A_174 = arith.select %lt3A_170, %add3A_173, %xor3A_167 : vector<16xi1>, vector<16xi32>
      %broadcast_in_dim3A_175 = vector.shape_cast %select_n3A_174 : vector<16xi32> to vector<16x1xi32>
      %gather3A_176 = vector.shape_cast %broadcast_in_dim3A_175 : vector<16x1xi32> to vector<16xi32>
      %gather3A_177 = tpu.dynamic_gather %min3A[%gather3A_176] in [0] : vector<16xi32>, vector<16xi32> -> vector<16xi32>
      %min3A_178 = arith.minsi %min3A, %gather3A_177 : vector<16xi32>
      %xor3A_179 = arith.constant 4 : i32
      %xor3A_180 = vector.broadcast %xor3A_179 : i32 to vector<16xi32>
      %xor3A_181 = arith.xori %iota3A, %xor3A_180 : vector<16xi32>
      %lt3A_182 = arith.constant 0 : i32
      %lt3A_183 = vector.broadcast %lt3A_182 : i32 to vector<16xi32>
      %lt3A_184 = arith.cmpi slt, %xor3A_181, %lt3A_183 : vector<16xi32>
      %add3A_185 = arith.constant 16 : i32
      %add3A_186 = vector.broadcast %add3A_185 : i32 to vector<16xi32>
      %add3A_187 = arith.addi %xor3A_181, %add3A_186 : vector<16xi32>
      %select_n3A_188 = arith.select %lt3A_184, %add3A_187, %xor3A_181 : vector<16xi1>, vector<16xi32>
      %broadcast_in_dim3A_189 = vector.shape_cast %select_n3A_188 : vector<16xi32> to vector<16x1xi32>
      %gather3A_190 = vector.shape_cast %broadcast_in_dim3A_189 : vector<16x1xi32> to vector<16xi32>
      %gather3A_191 = tpu.dynamic_gather %min3A_178[%gather3A_190] in [0] : vector<16xi32>, vector<16xi32> -> vector<16xi32>
      %min3A_192 = arith.minsi %min3A_178, %gather3A_191 : vector<16xi32>
      %xor3A_193 = arith.constant 8 : i32
      %xor3A_194 = vector.broadcast %xor3A_193 : i32 to vector<16xi32>
      %xor3A_195 = arith.xori %iota3A, %xor3A_194 : vector<16xi32>
      %lt3A_196 = arith.constant 0 : i32
      %lt3A_197 = vector.broadcast %lt3A_196 : i32 to vector<16xi32>
      %lt3A_198 = arith.cmpi slt, %xor3A_195, %lt3A_197 : vector<16xi32>
      %add3A_199 = arith.constant 16 : i32
      %add3A_200 = vector.broadcast %add3A_199 : i32 to vector<16xi32>
      %add3A_201 = arith.addi %xor3A_195, %add3A_200 : vector<16xi32>
      %select_n3A_202 = arith.select %lt3A_198, %add3A_201, %xor3A_195 : vector<16xi1>, vector<16xi32>
      %broadcast_in_dim3A_203 = vector.shape_cast %select_n3A_202 : vector<16xi32> to vector<16x1xi32>
      %gather3A_204 = vector.shape_cast %broadcast_in_dim3A_203 : vector<16x1xi32> to vector<16xi32>
      %gather3A_205 = tpu.dynamic_gather %min3A_192[%gather3A_204] in [0] : vector<16xi32>, vector<16xi32> -> vector<16xi32>
      %min3A_206 = arith.minsi %min3A_192, %gather3A_205 : vector<16xi32>
      %mul3A_207 = arith.constant 16 : i32
      %mul3A_208 = arith.muli %scan3A_85, %mul3A_207 : i32
      %swap3A_209 = arith.index_cast %mul3A_208 : i32 to index
      %swap3A_210 = tpu.vector_load %arg13[%swap3A_209] {strides = array<i32>} : memref<1024xi32, #tpu.memory_space<vmem>>, vector<16xi32>,
      tpu.vector_store %arg13[%swap3A_209], %min3A_206 {strides = array<i32>} : memref<1024xi32, #tpu.memory_space<vmem>>, vector<16xi32>,
    }
    %scan3A_49 = arith.constant 64 : i32
    %scan3A_50 = arith.constant 0 : i32
    %scan3A_51 = arith.constant 0 : i32
    %scan3A_52 = arith.constant 80 : i32
    %scan3A_53 = arith.addi %scan3A_51, %scan3A_52 : i32
    %scan3A_54 = arith.constant 1 : i32
    scf.for %scan3A_85 = %scan3A_51 to %scan3A_53 step %scan3A_54  : i32 {
      %mul3A_86 = arith.constant 16 : i32
      %mul3A_87 = arith.muli %scan3A_85, %mul3A_86 : i32
      %swap3A_88 = arith.index_cast %mul3A_87 : i32 to index
      %swap3A_89 = tpu.vector_load %arg11[%swap3A_88] {strides = array<i32>} : memref<1280xf32, #tpu.memory_space<vmem>>, vector<16xf32>,
      tpu.vector_store %arg11[%swap3A_88], %mul3A_3 {strides = array<i32>} : memref<1280xf32, #tpu.memory_space<vmem>>, vector<16xf32>,
    }
    %scan3A_55 = arith.constant 80 : i32
    %eq3A = arith.constant 0 : i32
    %eq3A_56 = vector.broadcast %eq3A : i32 to vector<16xi32>
    %eq3A_57 = arith.cmpi eq, %iota3A, %eq3A_56 : vector<16xi32>
    %add3A_58 = arith.constant 1.000000e+00 : f32
    %add3A_59 = vector.broadcast %add3A_58 : f32 to vector<16xf32>
    %add3A_60 = arith.addf %mul3A_3, %add3A_59 : vector<16xf32>
    %scan3A_61 = arith.constant 0 : i32
    %scan3A_62 = arith.constant 0 : i32
    %scan3A_63 = arith.constant 64 : i32
    %scan3A_64 = arith.addi %scan3A_62, %scan3A_63 : i32
    %scan3A_65 = arith.constant 1 : i32
    scf.for %scan3A_85 = %scan3A_62 to %scan3A_64 step %scan3A_65  : i32 {
      %mul3A_86 = arith.constant 16 : i32
      %mul3A_87 = arith.muli %scan3A_85, %mul3A_86 : i32
      %get3A = arith.index_cast %mul3A_87 : i32 to index
      %get3A_88 = tpu.vector_load %arg13[%get3A] {strides = array<i32>} : memref<1024xi32, #tpu.memory_space<vmem>>, vector<16xi32>,
      %sub3A = vector.broadcast %mul3A_0 : i32 to vector<16xi32>
      %sub3A_89 = arith.subi %get3A_88, %sub3A : vector<16xi32>
      %ge3A = arith.constant 0 : i32
      %ge3A_90 = vector.broadcast %ge3A : i32 to vector<16xi32>
      %ge3A_91 = arith.cmpi sge, %sub3A_89, %ge3A_90 : vector<16xi32>
      %and3A = arith.andi %eq3A_57, %ge3A_91 : vector<16xi1>
      %lt3A = arith.constant 1280 : i32
      %lt3A_92 = vector.broadcast %lt3A : i32 to vector<16xi32>
      %lt3A_93 = arith.cmpi slt, %sub3A_89, %lt3A_92 : vector<16xi32>
      %and3A_94 = arith.andi %and3A, %lt3A_93 : vector<16xi1>
      %mul3A_95 = arith.constant 0 : i32
      %mul3A_96 = vector.broadcast %mul3A_95 : i32 to vector<16xi32>
      %mul3A_97 = arith.muli %iota3A, %mul3A_96 : vector<16xi32>
      %add3A_98 = vector.broadcast %scan3A_85 : i32 to vector<16xi32>
      %add3A_99 = arith.addi %mul3A_97, %add3A_98 : vector<16xi32>
      tpu.vector_store_idx %arg10[%sub3A_89], %add3A_99 masked %and3A_94 : memref<1280xi32, #tpu.memory_space<vmem>>[vector<16xi32>], vector<16xi32>, vector<16xi1>
      tpu.vector_store_idx %arg11[%sub3A_89], %add3A_60 masked %and3A_94 : memref<1280xf32, #tpu.memory_space<vmem>>[vector<16xi32>], vector<16xf32>, vector<16xi1>
    }
    %scan3A_66 = arith.constant 64 : i32
    %scan3A_67 = arith.constant 0 : i32
    %scan3A_68 = arith.constant 80 : i32
    %scan3A_69 = arith.addi %scan3A_67, %scan3A_68 : i32
    %scan3A_70 = arith.constant 2 : i32
    %scan3A_71:2 = scf.for %scan3A_85 = %scan3A_67 to %scan3A_69 step %scan3A_70 iter_args(%scan3A_86 = %mul3A_3, %scan3A_87 = %mul3A_3) -> (vector<16xf32>, vector<16xf32>)  : i32 {
      %mul3A_88 = arith.constant 16 : i32
      %mul3A_89 = arith.muli %scan3A_85, %mul3A_88 : i32
      %get3A = arith.index_cast %mul3A_89 : i32 to index
      %get3A_90 = tpu.vector_load %arg9[%get3A] {strides = array<i32>} : memref<1280xf32, #tpu.memory_space<vmem>>, vector<16xf32>,
      %get3A_91 = arith.index_cast %mul3A_89 : i32 to index
      %get3A_92 = tpu.vector_load %arg10[%get3A_91] {strides = array<i32>} : memref<1280xi32, #tpu.memory_space<vmem>>, vector<16xi32>,
      %get3A_93 = arith.index_cast %mul3A_89 : i32 to index
      %get3A_94 = tpu.vector_load %arg11[%get3A_93] {strides = array<i32>} : memref<1280xf32, #tpu.memory_space<vmem>>, vector<16xf32>,
      %ge3A = arith.constant 0.699999988 : f32
      %ge3A_95 = vector.broadcast %ge3A : f32 to vector<16xf32>
      %ge3A_96 = arith.cmpf oge, %get3A_90, %ge3A_95 : vector<16xf32>
      %jit3A = arith.constant 1.000000e+00 : f32
      %broadcast_in_dim3A = vector.broadcast %jit3A : f32 to vector<16xf32>
      %select_n3A = arith.select %ge3A_96, %broadcast_in_dim3A, %get3A_94 : vector<16xi1>, vector<16xf32>
      %mul3A_97 = arith.constant 16 : i32
      %mul3A_98 = vector.broadcast %mul3A_97 : i32 to vector<16xi32>
      %mul3A_99 = arith.muli %get3A_92, %mul3A_98 : vector<16xi32>
      %add3A_100 = arith.addi %mul3A_99, %iota3A : vector<16xi32>
      %gather3A = tpu.vector_load_idx %arg8[%add3A_100] : memref<5120xf32, #tpu.memory_space<vmem>>[vector<16xi32>], vector<16xf32>,
      %add3A_101 = arith.constant 1024 : i32
      %add3A_102 = vector.broadcast %add3A_101 : i32 to vector<16xi32>
      %add3A_103 = arith.addi %add3A_100, %add3A_102 : vector<16xi32>
      %gather3A_104 = tpu.vector_load_idx %arg8[%add3A_103] : memref<5120xf32, #tpu.memory_space<vmem>>[vector<16xi32>], vector<16xf32>,
      %add3A_105 = arith.constant 2048 : i32
      %add3A_106 = vector.broadcast %add3A_105 : i32 to vector<16xi32>
      %add3A_107 = arith.addi %add3A_100, %add3A_106 : vector<16xi32>
      %gather3A_108 = tpu.vector_load_idx %arg8[%add3A_107] : memref<5120xf32, #tpu.memory_space<vmem>>[vector<16xi32>], vector<16xf32>,
      %add3A_109 = arith.constant 3072 : i32
      %add3A_110 = vector.broadcast %add3A_109 : i32 to vector<16xi32>
      %add3A_111 = arith.addi %add3A_100, %add3A_110 : vector<16xi32>
      %gather3A_112 = tpu.vector_load_idx %arg8[%add3A_111] : memref<5120xf32, #tpu.memory_space<vmem>>[vector<16xi32>], vector<16xf32>,
      %get3A_113 = arith.index_cast %mul3A_89 : i32 to index
      %get3A_114 = tpu.vector_load %arg6[%get3A_113] {strides = array<i32>} : memref<5120xf32, #tpu.memory_space<vmem>>, vector<16xf32>,
      %add3A_115 = arith.constant 1280 : i32
      %add3A_116 = arith.addi %add3A_115, %mul3A_89 : i32
      %get3A_117 = arith.index_cast %add3A_116 : i32 to index
      %get3A_118 = tpu.vector_load %arg6[%get3A_117] {strides = array<i32>} : memref<5120xf32, #tpu.memory_space<vmem>>, vector<16xf32>,
      %add3A_119 = arith.constant 2560 : i32
      %add3A_120 = arith.addi %add3A_119, %mul3A_89 : i32
      %get3A_121 = arith.index_cast %add3A_120 : i32 to index
      %get3A_122 = tpu.vector_load %arg6[%get3A_121] {strides = array<i32>} : memref<5120xf32, #tpu.memory_space<vmem>>, vector<16xf32>,
      %add3A_123 = arith.constant 3840 : i32
      %add3A_124 = arith.addi %add3A_123, %mul3A_89 : i32
      %get3A_125 = arith.index_cast %add3A_124 : i32 to index
      %get3A_126 = tpu.vector_load %arg6[%get3A_125] {strides = array<i32>} : memref<5120xf32, #tpu.memory_space<vmem>>, vector<16xf32>,
      %sub3A = arith.subf %get3A_122, %get3A_114 : vector<16xf32>
      %sub3A_127 = arith.subf %get3A_126, %get3A_118 : vector<16xf32>
      %mul3A_128 = arith.constant 5.000000e-01 : f32
      %mul3A_129 = vector.broadcast %mul3A_128 : f32 to vector<16xf32>
      %mul3A_130 = arith.mulf %mul3A_129, %sub3A : vector<16xf32>
      %add3A_131 = arith.addf %get3A_114, %mul3A_130 : vector<16xf32>
      %mul3A_132 = arith.constant 5.000000e-01 : f32
      %mul3A_133 = vector.broadcast %mul3A_132 : f32 to vector<16xf32>
      %mul3A_134 = arith.mulf %mul3A_133, %sub3A_127 : vector<16xf32>
      %add3A_135 = arith.addf %get3A_118, %mul3A_134 : vector<16xf32>
      %max3A = arith.constant 1.1920929E-7 : f32
      %max3A_136 = vector.broadcast %max3A : f32 to vector<16xf32>
      %max3A_137 = arith.maximumf %sub3A, %max3A_136 : vector<16xf32>
      %max3A_138 = arith.constant 1.1920929E-7 : f32
      %max3A_139 = vector.broadcast %max3A_138 : f32 to vector<16xf32>
      %max3A_140 = arith.maximumf %sub3A_127, %max3A_139 : vector<16xf32>
      %sub3A_141 = arith.subf %gather3A_108, %gather3A : vector<16xf32>
      %sub3A_142 = arith.subf %gather3A_112, %gather3A_104 : vector<16xf32>
      %mul3A_143 = arith.constant 5.000000e-01 : f32
      %mul3A_144 = vector.broadcast %mul3A_143 : f32 to vector<16xf32>
      %mul3A_145 = arith.mulf %mul3A_144, %sub3A_141 : vector<16xf32>
      %add3A_146 = arith.addf %gather3A, %mul3A_145 : vector<16xf32>
      %mul3A_147 = arith.constant 5.000000e-01 : f32
      %mul3A_148 = vector.broadcast %mul3A_147 : f32 to vector<16xf32>
      %mul3A_149 = arith.mulf %mul3A_148, %sub3A_142 : vector<16xf32>
      %add3A_150 = arith.addf %gather3A_104, %mul3A_149 : vector<16xf32>
      %sub3A_151 = arith.subf %add3A_146, %add3A_131 : vector<16xf32>
      %div3A = arith.divf %sub3A_151, %max3A_137 : vector<16xf32>
      %sub3A_152 = arith.subf %add3A_150, %add3A_135 : vector<16xf32>
      %div3A_153 = arith.divf %sub3A_152, %max3A_140 : vector<16xf32>
      %div3A_154 = arith.divf %sub3A_141, %max3A_137 : vector<16xf32>
      %bitcast3A = vector.bitcast %div3A_154 : vector<16xf32> to vector<16xi32>
      %shift_right_arithmetic3A = arith.constant 23 : i32
      %shift_right_arithmetic3A_155 = vector.broadcast %shift_right_arithmetic3A : i32 to vector<16xi32>
      %shift_right_arithmetic3A_156 = arith.shrsi %bitcast3A, %shift_right_arithmetic3A_155 : vector<16xi32>
      %and3A = arith.constant 255 : i32
      %and3A_157 = vector.broadcast %and3A : i32 to vector<16xi32>
      %and3A_158 = arith.andi %shift_right_arithmetic3A_156, %and3A_157 : vector<16xi32>
      %sub3A_159 = arith.constant 127 : i32
      %sub3A_160 = vector.broadcast %sub3A_159 : i32 to vector<16xi32>
      %sub3A_161 = arith.subi %and3A_158, %sub3A_160 : vector<16xi32>
      %and3A_162 = arith.constant 8388607 : i32
      %and3A_163 = vector.broadcast %and3A_162 : i32 to vector<16xi32>
      %and3A_164 = arith.andi %bitcast3A, %and3A_163 : vector<16xi32>
      %or3A = arith.constant 1065353216 : i32
      %or3A_165 = vector.broadcast %or3A : i32 to vector<16xi32>
      %or3A_166 = arith.ori %and3A_164, %or3A_165 : vector<16xi32>
      %bitcast3A_167 = vector.bitcast %or3A_166 : vector<16xi32> to vector<16xf32>
      %gt3A = arith.constant 1.41421354 : f32
      %gt3A_168 = vector.broadcast %gt3A : f32 to vector<16xf32>
      %gt3A_169 = arith.cmpf ogt, %bitcast3A_167, %gt3A_168 : vector<16xf32>
      %mul3A_170 = arith.constant 5.000000e-01 : f32
      %mul3A_171 = vector.broadcast %mul3A_170 : f32 to vector<16xf32>
      %mul3A_172 = arith.mulf %bitcast3A_167, %mul3A_171 : vector<16xf32>
      %select_n3A_173 = arith.select %gt3A_169, %mul3A_172, %bitcast3A_167 : vector<16xi1>, vector<16xf32>
      %add3A_174 = arith.constant 1 : i32
      %add3A_175 = vector.broadcast %add3A_174 : i32 to vector<16xi32>
      %add3A_176 = arith.addi %sub3A_161, %add3A_175 : vector<16xi32>
      %select_n3A_177 = arith.select %gt3A_169, %add3A_176, %sub3A_161 : vector<16xi1>, vector<16xi32>
      %sub3A_178 = arith.constant 1.000000e+00 : f32
      %sub3A_179 = vector.broadcast %sub3A_178 : f32 to vector<16xf32>
      %sub3A_180 = arith.subf %select_n3A_173, %sub3A_179 : vector<16xf32>
      %add3A_181 = arith.constant 1.000000e+00 : f32
      %add3A_182 = vector.broadcast %add3A_181 : f32 to vector<16xf32>
      %add3A_183 = arith.addf %select_n3A_173, %add3A_182 : vector<16xf32>
      %div3A_184 = arith.divf %sub3A_180, %add3A_183 : vector<16xf32>
      %mul3A_185 = arith.mulf %div3A_184, %div3A_184 : vector<16xf32>
      %mul3A_186 = arith.constant 2.000000e+00 : f32
      %mul3A_187 = vector.broadcast %mul3A_186 : f32 to vector<16xf32>
      %mul3A_188 = arith.mulf %mul3A_187, %div3A_184 : vector<16xf32>
      %mul3A_189 = arith.constant 0.142857149 : f32
      %mul3A_190 = vector.broadcast %mul3A_189 : f32 to vector<16xf32>
      %mul3A_191 = arith.mulf %mul3A_185, %mul3A_190 : vector<16xf32>
      %add3A_192 = arith.constant 2.000000e-01 : f32
      %add3A_193 = vector.broadcast %add3A_192 : f32 to vector<16xf32>
      %add3A_194 = arith.addf %add3A_193, %mul3A_191 : vector<16xf32>
      %mul3A_195 = arith.mulf %mul3A_185, %add3A_194 : vector<16xf32>
      %add3A_196 = arith.constant 0.333333343 : f32
      %add3A_197 = vector.broadcast %add3A_196 : f32 to vector<16xf32>
      %add3A_198 = arith.addf %add3A_197, %mul3A_195 : vector<16xf32>
      %mul3A_199 = arith.mulf %mul3A_185, %add3A_198 : vector<16xf32>
      %add3A_200 = arith.constant 1.000000e+00 : f32
      %add3A_201 = vector.broadcast %add3A_200 : f32 to vector<16xf32>
      %add3A_202 = arith.addf %add3A_201, %mul3A_199 : vector<16xf32>
      %mul3A_203 = arith.mulf %mul3A_188, %add3A_202 : vector<16xf32>
      %convert_element_type3A_204 = arith.sitofp %select_n3A_177 : vector<16xi32> to vector<16xf32>
      %mul3A_205 = arith.constant 0.693147182 : f32
      %mul3A_206 = vector.broadcast %mul3A_205 : f32 to vector<16xf32>
      %mul3A_207 = arith.mulf %convert_element_type3A_204, %mul3A_206 : vector<16xf32>
      %add3A_208 = arith.addf %mul3A_207, %mul3A_203 : vector<16xf32>
      %div3A_209 = arith.divf %sub3A_142, %max3A_140 : vector<16xf32>
      %bitcast3A_210 = vector.bitcast %div3A_209 : vector<16xf32> to vector<16xi32>
      %shift_right_arithmetic3A_211 = arith.constant 23 : i32
      %shift_right_arithmetic3A_212 = vector.broadcast %shift_right_arithmetic3A_211 : i32 to vector<16xi32>
      %shift_right_arithmetic3A_213 = arith.shrsi %bitcast3A_210, %shift_right_arithmetic3A_212 : vector<16xi32>
      %and3A_214 = arith.constant 255 : i32
      %and3A_215 = vector.broadcast %and3A_214 : i32 to vector<16xi32>
      %and3A_216 = arith.andi %shift_right_arithmetic3A_213, %and3A_215 : vector<16xi32>
      %sub3A_217 = arith.constant 127 : i32
      %sub3A_218 = vector.broadcast %sub3A_217 : i32 to vector<16xi32>
      %sub3A_219 = arith.subi %and3A_216, %sub3A_218 : vector<16xi32>
      %and3A_220 = arith.constant 8388607 : i32
      %and3A_221 = vector.broadcast %and3A_220 : i32 to vector<16xi32>
      %and3A_222 = arith.andi %bitcast3A_210, %and3A_221 : vector<16xi32>
      %or3A_223 = arith.constant 1065353216 : i32
      %or3A_224 = vector.broadcast %or3A_223 : i32 to vector<16xi32>
      %or3A_225 = arith.ori %and3A_222, %or3A_224 : vector<16xi32>
      %bitcast3A_226 = vector.bitcast %or3A_225 : vector<16xi32> to vector<16xf32>
      %gt3A_227 = arith.constant 1.41421354 : f32
      %gt3A_228 = vector.broadcast %gt3A_227 : f32 to vector<16xf32>
      %gt3A_229 = arith.cmpf ogt, %bitcast3A_226, %gt3A_228 : vector<16xf32>
      %mul3A_230 = arith.constant 5.000000e-01 : f32
      %mul3A_231 = vector.broadcast %mul3A_230 : f32 to vector<16xf32>
      %mul3A_232 = arith.mulf %bitcast3A_226, %mul3A_231 : vector<16xf32>
      %select_n3A_233 = arith.select %gt3A_229, %mul3A_232, %bitcast3A_226 : vector<16xi1>, vector<16xf32>
      %add3A_234 = arith.constant 1 : i32
      %add3A_235 = vector.broadcast %add3A_234 : i32 to vector<16xi32>
      %add3A_236 = arith.addi %sub3A_219, %add3A_235 : vector<16xi32>
      %select_n3A_237 = arith.select %gt3A_229, %add3A_236, %sub3A_219 : vector<16xi1>, vector<16xi32>
      %sub3A_238 = arith.constant 1.000000e+00 : f32
      %sub3A_239 = vector.broadcast %sub3A_238 : f32 to vector<16xf32>
      %sub3A_240 = arith.subf %select_n3A_233, %sub3A_239 : vector<16xf32>
      %add3A_241 = arith.constant 1.000000e+00 : f32
      %add3A_242 = vector.broadcast %add3A_241 : f32 to vector<16xf32>
      %add3A_243 = arith.addf %select_n3A_233, %add3A_242 : vector<16xf32>
      %div3A_244 = arith.divf %sub3A_240, %add3A_243 : vector<16xf32>
      %mul3A_245 = arith.mulf %div3A_244, %div3A_244 : vector<16xf32>
      %mul3A_246 = arith.constant 2.000000e+00 : f32
      %mul3A_247 = vector.broadcast %mul3A_246 : f32 to vector<16xf32>
      %mul3A_248 = arith.mulf %mul3A_247, %div3A_244 : vector<16xf32>
      %mul3A_249 = arith.constant 0.142857149 : f32
      %mul3A_250 = vector.broadcast %mul3A_249 : f32 to vector<16xf32>
      %mul3A_251 = arith.mulf %mul3A_245, %mul3A_250 : vector<16xf32>
      %add3A_252 = arith.constant 2.000000e-01 : f32
      %add3A_253 = vector.broadcast %add3A_252 : f32 to vector<16xf32>
      %add3A_254 = arith.addf %add3A_253, %mul3A_251 : vector<16xf32>
      %mul3A_255 = arith.mulf %mul3A_245, %add3A_254 : vector<16xf32>
      %add3A_256 = arith.constant 0.333333343 : f32
      %add3A_257 = vector.broadcast %add3A_256 : f32 to vector<16xf32>
      %add3A_258 = arith.addf %add3A_257, %mul3A_255 : vector<16xf32>
      %mul3A_259 = arith.mulf %mul3A_245, %add3A_258 : vector<16xf32>
      %add3A_260 = arith.constant 1.000000e+00 : f32
      %add3A_261 = vector.broadcast %add3A_260 : f32 to vector<16xf32>
      %add3A_262 = arith.addf %add3A_261, %mul3A_259 : vector<16xf32>
      %mul3A_263 = arith.mulf %mul3A_248, %add3A_262 : vector<16xf32>
      %convert_element_type3A_264 = arith.sitofp %select_n3A_237 : vector<16xi32> to vector<16xf32>
      %mul3A_265 = arith.constant 0.693147182 : f32
      %mul3A_266 = vector.broadcast %mul3A_265 : f32 to vector<16xf32>
      %mul3A_267 = arith.mulf %convert_element_type3A_264, %mul3A_266 : vector<16xf32>
      %add3A_268 = arith.addf %mul3A_267, %mul3A_263 : vector<16xf32>
      %get3A_269 = arith.index_cast %mul3A_89 : i32 to index
      %get3A_270 = tpu.vector_load %arg7[%get3A_269] {strides = array<i32>} : memref<5120xf32, #tpu.memory_space<vmem>>, vector<16xf32>,
      %add3A_271 = arith.constant 1280 : i32
      %add3A_272 = arith.addi %add3A_271, %mul3A_89 : i32
      %get3A_273 = arith.index_cast %add3A_272 : i32 to index
      %get3A_274 = tpu.vector_load %arg7[%get3A_273] {strides = array<i32>} : memref<5120xf32, #tpu.memory_space<vmem>>, vector<16xf32>,
      %add3A_275 = arith.constant 2560 : i32
      %add3A_276 = arith.addi %add3A_275, %mul3A_89 : i32
      %get3A_277 = arith.index_cast %add3A_276 : i32 to index
      %get3A_278 = tpu.vector_load %arg7[%get3A_277] {strides = array<i32>} : memref<5120xf32, #tpu.memory_space<vmem>>, vector<16xf32>,
      %add3A_279 = arith.constant 3840 : i32
      %add3A_280 = arith.addi %add3A_279, %mul3A_89 : i32
      %get3A_281 = arith.index_cast %add3A_280 : i32 to index
      %get3A_282 = tpu.vector_load %arg7[%get3A_281] {strides = array<i32>} : memref<5120xf32, #tpu.memory_space<vmem>>, vector<16xf32>,
      %sub3A_283 = arith.subf %div3A, %get3A_270 : vector<16xf32>
      %abs3A = math.absf %sub3A_283 : vector<16xf32>
      %lt3A = arith.constant 1.000000e+00 : f32
      %lt3A_284 = vector.broadcast %lt3A : f32 to vector<16xf32>
      %lt3A_285 = arith.cmpf olt, %abs3A, %lt3A_284 : vector<16xf32>
      %mul3A_286 = arith.constant 5.000000e-01 : f32
      %mul3A_287 = vector.broadcast %mul3A_286 : f32 to vector<16xf32>
      %mul3A_288 = arith.mulf %mul3A_287, %abs3A : vector<16xf32>
      %mul3A_289 = arith.mulf %mul3A_288, %abs3A : vector<16xf32>
      %sub3A_290 = arith.constant 5.000000e-01 : f32
      %sub3A_291 = vector.broadcast %sub3A_290 : f32 to vector<16xf32>
      %sub3A_292 = arith.subf %abs3A, %sub3A_291 : vector<16xf32>
      %select_n3A_293 = arith.select %lt3A_285, %mul3A_289, %sub3A_292 : vector<16xi1>, vector<16xf32>
      %sub3A_294 = arith.subf %div3A_153, %get3A_274 : vector<16xf32>
      %abs3A_295 = math.absf %sub3A_294 : vector<16xf32>
      %lt3A_296 = arith.constant 1.000000e+00 : f32
      %lt3A_297 = vector.broadcast %lt3A_296 : f32 to vector<16xf32>
      %lt3A_298 = arith.cmpf olt, %abs3A_295, %lt3A_297 : vector<16xf32>
      %mul3A_299 = arith.constant 5.000000e-01 : f32
      %mul3A_300 = vector.broadcast %mul3A_299 : f32 to vector<16xf32>
      %mul3A_301 = arith.mulf %mul3A_300, %abs3A_295 : vector<16xf32>
      %mul3A_302 = arith.mulf %mul3A_301, %abs3A_295 : vector<16xf32>
      %sub3A_303 = arith.constant 5.000000e-01 : f32
      %sub3A_304 = vector.broadcast %sub3A_303 : f32 to vector<16xf32>
      %sub3A_305 = arith.subf %abs3A_295, %sub3A_304 : vector<16xf32>
      %select_n3A_306 = arith.select %lt3A_298, %mul3A_302, %sub3A_305 : vector<16xi1>, vector<16xf32>
      %add3A_307 = arith.addf %select_n3A_293, %select_n3A_306 : vector<16xf32>
      %sub3A_308 = arith.subf %add3A_208, %get3A_278 : vector<16xf32>
      %abs3A_309 = math.absf %sub3A_308 : vector<16xf32>
      %lt3A_310 = arith.constant 1.000000e+00 : f32
      %lt3A_311 = vector.broadcast %lt3A_310 : f32 to vector<16xf32>
      %lt3A_312 = arith.cmpf olt, %abs3A_309, %lt3A_311 : vector<16xf32>
      %mul3A_313 = arith.constant 5.000000e-01 : f32
      %mul3A_314 = vector.broadcast %mul3A_313 : f32 to vector<16xf32>
      %mul3A_315 = arith.mulf %mul3A_314, %abs3A_309 : vector<16xf32>
      %mul3A_316 = arith.mulf %mul3A_315, %abs3A_309 : vector<16xf32>
      %sub3A_317 = arith.constant 5.000000e-01 : f32
      %sub3A_318 = vector.broadcast %sub3A_317 : f32 to vector<16xf32>
      %sub3A_319 = arith.subf %abs3A_309, %sub3A_318 : vector<16xf32>
      %select_n3A_320 = arith.select %lt3A_312, %mul3A_316, %sub3A_319 : vector<16xi1>, vector<16xf32>
      %add3A_321 = arith.addf %add3A_307, %select_n3A_320 : vector<16xf32>
      %sub3A_322 = arith.subf %add3A_268, %get3A_282 : vector<16xf32>
      %abs3A_323 = math.absf %sub3A_322 : vector<16xf32>
      %lt3A_324 = arith.constant 1.000000e+00 : f32
      %lt3A_325 = vector.broadcast %lt3A_324 : f32 to vector<16xf32>
      %lt3A_326 = arith.cmpf olt, %abs3A_323, %lt3A_325 : vector<16xf32>
      %mul3A_327 = arith.constant 5.000000e-01 : f32
      %mul3A_328 = vector.broadcast %mul3A_327 : f32 to vector<16xf32>
      %mul3A_329 = arith.mulf %mul3A_328, %abs3A_323 : vector<16xf32>
      %mul3A_330 = arith.mulf %mul3A_329, %abs3A_323 : vector<16xf32>
      %sub3A_331 = arith.constant 5.000000e-01 : f32
      %sub3A_332 = vector.broadcast %sub3A_331 : f32 to vector<16xf32>
      %sub3A_333 = arith.subf %abs3A_323, %sub3A_332 : vector<16xf32>
      %select_n3A_334 = arith.select %lt3A_326, %mul3A_330, %sub3A_333 : vector<16xi1>, vector<16xf32>
      %add3A_335 = arith.addf %add3A_321, %select_n3A_334 : vector<16xf32>
      %mul3A_336 = arith.mulf %add3A_335, %select_n3A : vector<16xf32>
      %add3A_337 = arith.addf %scan3A_86, %mul3A_336 : vector<16xf32>
      %add3A_338 = arith.addf %scan3A_87, %select_n3A : vector<16xf32>
      %scan3A_339 = arith.constant 1 : i32
      %scan3A_340 = arith.addi %scan3A_85, %scan3A_339 : i32
      %mul3A_341 = arith.constant 16 : i32
      %mul3A_342 = arith.muli %scan3A_340, %mul3A_341 : i32
      %get3A_343 = arith.index_cast %mul3A_342 : i32 to index
      %get3A_344 = tpu.vector_load %arg9[%get3A_343] {strides = array<i32>} : memref<1280xf32, #tpu.memory_space<vmem>>, vector<16xf32>,
      %get3A_345 = arith.index_cast %mul3A_342 : i32 to index
      %get3A_346 = tpu.vector_load %arg10[%get3A_345] {strides = array<i32>} : memref<1280xi32, #tpu.memory_space<vmem>>, vector<16xi32>,
      %get3A_347 = arith.index_cast %mul3A_342 : i32 to index
      %get3A_348 = tpu.vector_load %arg11[%get3A_347] {strides = array<i32>} : memref<1280xf32, #tpu.memory_space<vmem>>, vector<16xf32>,
      %ge3A_349 = arith.constant 0.699999988 : f32
      %ge3A_350 = vector.broadcast %ge3A_349 : f32 to vector<16xf32>
      %ge3A_351 = arith.cmpf oge, %get3A_344, %ge3A_350 : vector<16xf32>
      %jit3A_352 = arith.constant 1.000000e+00 : f32
      %broadcast_in_dim3A_353 = vector.broadcast %jit3A_352 : f32 to vector<16xf32>
      %select_n3A_354 = arith.select %ge3A_351, %broadcast_in_dim3A_353, %get3A_348 : vector<16xi1>, vector<16xf32>
      %mul3A_355 = arith.constant 16 : i32
      %mul3A_356 = vector.broadcast %mul3A_355 : i32 to vector<16xi32>
      %mul3A_357 = arith.muli %get3A_346, %mul3A_356 : vector<16xi32>
      %add3A_358 = arith.addi %mul3A_357, %iota3A : vector<16xi32>
      %gather3A_359 = tpu.vector_load_idx %arg8[%add3A_358] : memref<5120xf32, #tpu.memory_space<vmem>>[vector<16xi32>], vector<16xf32>,
      %add3A_360 = arith.constant 1024 : i32
      %add3A_361 = vector.broadcast %add3A_360 : i32 to vector<16xi32>
      %add3A_362 = arith.addi %add3A_358, %add3A_361 : vector<16xi32>
      %gather3A_363 = tpu.vector_load_idx %arg8[%add3A_362] : memref<5120xf32, #tpu.memory_space<vmem>>[vector<16xi32>], vector<16xf32>,
      %add3A_364 = arith.constant 2048 : i32
      %add3A_365 = vector.broadcast %add3A_364 : i32 to vector<16xi32>
      %add3A_366 = arith.addi %add3A_358, %add3A_365 : vector<16xi32>
      %gather3A_367 = tpu.vector_load_idx %arg8[%add3A_366] : memref<5120xf32, #tpu.memory_space<vmem>>[vector<16xi32>], vector<16xf32>,
      %add3A_368 = arith.constant 3072 : i32
      %add3A_369 = vector.broadcast %add3A_368 : i32 to vector<16xi32>
      %add3A_370 = arith.addi %add3A_358, %add3A_369 : vector<16xi32>
      %gather3A_371 = tpu.vector_load_idx %arg8[%add3A_370] : memref<5120xf32, #tpu.memory_space<vmem>>[vector<16xi32>], vector<16xf32>,
      %get3A_372 = arith.index_cast %mul3A_342 : i32 to index
      %get3A_373 = tpu.vector_load %arg6[%get3A_372] {strides = array<i32>} : memref<5120xf32, #tpu.memory_space<vmem>>, vector<16xf32>,
      %add3A_374 = arith.constant 1280 : i32
      %add3A_375 = arith.addi %add3A_374, %mul3A_342 : i32
      %get3A_376 = arith.index_cast %add3A_375 : i32 to index
      %get3A_377 = tpu.vector_load %arg6[%get3A_376] {strides = array<i32>} : memref<5120xf32, #tpu.memory_space<vmem>>, vector<16xf32>,
      %add3A_378 = arith.constant 2560 : i32
      %add3A_379 = arith.addi %add3A_378, %mul3A_342 : i32
      %get3A_380 = arith.index_cast %add3A_379 : i32 to index
      %get3A_381 = tpu.vector_load %arg6[%get3A_380] {strides = array<i32>} : memref<5120xf32, #tpu.memory_space<vmem>>, vector<16xf32>,
      %add3A_382 = arith.constant 3840 : i32
      %add3A_383 = arith.addi %add3A_382, %mul3A_342 : i32
      %get3A_384 = arith.index_cast %add3A_383 : i32 to index
      %get3A_385 = tpu.vector_load %arg6[%get3A_384] {strides = array<i32>} : memref<5120xf32, #tpu.memory_space<vmem>>, vector<16xf32>,
      %sub3A_386 = arith.subf %get3A_381, %get3A_373 : vector<16xf32>
      %sub3A_387 = arith.subf %get3A_385, %get3A_377 : vector<16xf32>
      %mul3A_388 = arith.constant 5.000000e-01 : f32
      %mul3A_389 = vector.broadcast %mul3A_388 : f32 to vector<16xf32>
      %mul3A_390 = arith.mulf %mul3A_389, %sub3A_386 : vector<16xf32>
      %add3A_391 = arith.addf %get3A_373, %mul3A_390 : vector<16xf32>
      %mul3A_392 = arith.constant 5.000000e-01 : f32
      %mul3A_393 = vector.broadcast %mul3A_392 : f32 to vector<16xf32>
      %mul3A_394 = arith.mulf %mul3A_393, %sub3A_387 : vector<16xf32>
      %add3A_395 = arith.addf %get3A_377, %mul3A_394 : vector<16xf32>
      %max3A_396 = arith.constant 1.1920929E-7 : f32
      %max3A_397 = vector.broadcast %max3A_396 : f32 to vector<16xf32>
      %max3A_398 = arith.maximumf %sub3A_386, %max3A_397 : vector<16xf32>
      %max3A_399 = arith.constant 1.1920929E-7 : f32
      %max3A_400 = vector.broadcast %max3A_399 : f32 to vector<16xf32>
      %max3A_401 = arith.maximumf %sub3A_387, %max3A_400 : vector<16xf32>
      %sub3A_402 = arith.subf %gather3A_367, %gather3A_359 : vector<16xf32>
      %sub3A_403 = arith.subf %gather3A_371, %gather3A_363 : vector<16xf32>
      %mul3A_404 = arith.constant 5.000000e-01 : f32
      %mul3A_405 = vector.broadcast %mul3A_404 : f32 to vector<16xf32>
      %mul3A_406 = arith.mulf %mul3A_405, %sub3A_402 : vector<16xf32>
      %add3A_407 = arith.addf %gather3A_359, %mul3A_406 : vector<16xf32>
      %mul3A_408 = arith.constant 5.000000e-01 : f32
      %mul3A_409 = vector.broadcast %mul3A_408 : f32 to vector<16xf32>
      %mul3A_410 = arith.mulf %mul3A_409, %sub3A_403 : vector<16xf32>
      %add3A_411 = arith.addf %gather3A_363, %mul3A_410 : vector<16xf32>
      %sub3A_412 = arith.subf %add3A_407, %add3A_391 : vector<16xf32>
      %div3A_413 = arith.divf %sub3A_412, %max3A_398 : vector<16xf32>
      %sub3A_414 = arith.subf %add3A_411, %add3A_395 : vector<16xf32>
      %div3A_415 = arith.divf %sub3A_414, %max3A_401 : vector<16xf32>
      %div3A_416 = arith.divf %sub3A_402, %max3A_398 : vector<16xf32>
      %bitcast3A_417 = vector.bitcast %div3A_416 : vector<16xf32> to vector<16xi32>
      %shift_right_arithmetic3A_418 = arith.constant 23 : i32
      %shift_right_arithmetic3A_419 = vector.broadcast %shift_right_arithmetic3A_418 : i32 to vector<16xi32>
      %shift_right_arithmetic3A_420 = arith.shrsi %bitcast3A_417, %shift_right_arithmetic3A_419 : vector<16xi32>
      %and3A_421 = arith.constant 255 : i32
      %and3A_422 = vector.broadcast %and3A_421 : i32 to vector<16xi32>
      %and3A_423 = arith.andi %shift_right_arithmetic3A_420, %and3A_422 : vector<16xi32>
      %sub3A_424 = arith.constant 127 : i32
      %sub3A_425 = vector.broadcast %sub3A_424 : i32 to vector<16xi32>
      %sub3A_426 = arith.subi %and3A_423, %sub3A_425 : vector<16xi32>
      %and3A_427 = arith.constant 8388607 : i32
      %and3A_428 = vector.broadcast %and3A_427 : i32 to vector<16xi32>
      %and3A_429 = arith.andi %bitcast3A_417, %and3A_428 : vector<16xi32>
      %or3A_430 = arith.constant 1065353216 : i32
      %or3A_431 = vector.broadcast %or3A_430 : i32 to vector<16xi32>
      %or3A_432 = arith.ori %and3A_429, %or3A_431 : vector<16xi32>
      %bitcast3A_433 = vector.bitcast %or3A_432 : vector<16xi32> to vector<16xf32>
      %gt3A_434 = arith.constant 1.41421354 : f32
      %gt3A_435 = vector.broadcast %gt3A_434 : f32 to vector<16xf32>
      %gt3A_436 = arith.cmpf ogt, %bitcast3A_433, %gt3A_435 : vector<16xf32>
      %mul3A_437 = arith.constant 5.000000e-01 : f32
      %mul3A_438 = vector.broadcast %mul3A_437 : f32 to vector<16xf32>
      %mul3A_439 = arith.mulf %bitcast3A_433, %mul3A_438 : vector<16xf32>
      %select_n3A_440 = arith.select %gt3A_436, %mul3A_439, %bitcast3A_433 : vector<16xi1>, vector<16xf32>
      %add3A_441 = arith.constant 1 : i32
      %add3A_442 = vector.broadcast %add3A_441 : i32 to vector<16xi32>
      %add3A_443 = arith.addi %sub3A_426, %add3A_442 : vector<16xi32>
      %select_n3A_444 = arith.select %gt3A_436, %add3A_443, %sub3A_426 : vector<16xi1>, vector<16xi32>
      %sub3A_445 = arith.constant 1.000000e+00 : f32
      %sub3A_446 = vector.broadcast %sub3A_445 : f32 to vector<16xf32>
      %sub3A_447 = arith.subf %select_n3A_440, %sub3A_446 : vector<16xf32>
      %add3A_448 = arith.constant 1.000000e+00 : f32
      %add3A_449 = vector.broadcast %add3A_448 : f32 to vector<16xf32>
      %add3A_450 = arith.addf %select_n3A_440, %add3A_449 : vector<16xf32>
      %div3A_451 = arith.divf %sub3A_447, %add3A_450 : vector<16xf32>
      %mul3A_452 = arith.mulf %div3A_451, %div3A_451 : vector<16xf32>
      %mul3A_453 = arith.constant 2.000000e+00 : f32
      %mul3A_454 = vector.broadcast %mul3A_453 : f32 to vector<16xf32>
      %mul3A_455 = arith.mulf %mul3A_454, %div3A_451 : vector<16xf32>
      %mul3A_456 = arith.constant 0.142857149 : f32
      %mul3A_457 = vector.broadcast %mul3A_456 : f32 to vector<16xf32>
      %mul3A_458 = arith.mulf %mul3A_452, %mul3A_457 : vector<16xf32>
      %add3A_459 = arith.constant 2.000000e-01 : f32
      %add3A_460 = vector.broadcast %add3A_459 : f32 to vector<16xf32>
      %add3A_461 = arith.addf %add3A_460, %mul3A_458 : vector<16xf32>
      %mul3A_462 = arith.mulf %mul3A_452, %add3A_461 : vector<16xf32>
      %add3A_463 = arith.constant 0.333333343 : f32
      %add3A_464 = vector.broadcast %add3A_463 : f32 to vector<16xf32>
      %add3A_465 = arith.addf %add3A_464, %mul3A_462 : vector<16xf32>
      %mul3A_466 = arith.mulf %mul3A_452, %add3A_465 : vector<16xf32>
      %add3A_467 = arith.constant 1.000000e+00 : f32
      %add3A_468 = vector.broadcast %add3A_467 : f32 to vector<16xf32>
      %add3A_469 = arith.addf %add3A_468, %mul3A_466 : vector<16xf32>
      %mul3A_470 = arith.mulf %mul3A_455, %add3A_469 : vector<16xf32>
      %convert_element_type3A_471 = arith.sitofp %select_n3A_444 : vector<16xi32> to vector<16xf32>
      %mul3A_472 = arith.constant 0.693147182 : f32
      %mul3A_473 = vector.broadcast %mul3A_472 : f32 to vector<16xf32>
      %mul3A_474 = arith.mulf %convert_element_type3A_471, %mul3A_473 : vector<16xf32>
      %add3A_475 = arith.addf %mul3A_474, %mul3A_470 : vector<16xf32>
      %div3A_476 = arith.divf %sub3A_403, %max3A_401 : vector<16xf32>
      %bitcast3A_477 = vector.bitcast %div3A_476 : vector<16xf32> to vector<16xi32>
      %shift_right_arithmetic3A_478 = arith.constant 23 : i32
      %shift_right_arithmetic3A_479 = vector.broadcast %shift_right_arithmetic3A_478 : i32 to vector<16xi32>
      %shift_right_arithmetic3A_480 = arith.shrsi %bitcast3A_477, %shift_right_arithmetic3A_479 : vector<16xi32>
      %and3A_481 = arith.constant 255 : i32
      %and3A_482 = vector.broadcast %and3A_481 : i32 to vector<16xi32>
      %and3A_483 = arith.andi %shift_right_arithmetic3A_480, %and3A_482 : vector<16xi32>
      %sub3A_484 = arith.constant 127 : i32
      %sub3A_485 = vector.broadcast %sub3A_484 : i32 to vector<16xi32>
      %sub3A_486 = arith.subi %and3A_483, %sub3A_485 : vector<16xi32>
      %and3A_487 = arith.constant 8388607 : i32
      %and3A_488 = vector.broadcast %and3A_487 : i32 to vector<16xi32>
      %and3A_489 = arith.andi %bitcast3A_477, %and3A_488 : vector<16xi32>
      %or3A_490 = arith.constant 1065353216 : i32
      %or3A_491 = vector.broadcast %or3A_490 : i32 to vector<16xi32>
      %or3A_492 = arith.ori %and3A_489, %or3A_491 : vector<16xi32>
      %bitcast3A_493 = vector.bitcast %or3A_492 : vector<16xi32> to vector<16xf32>
      %gt3A_494 = arith.constant 1.41421354 : f32
      %gt3A_495 = vector.broadcast %gt3A_494 : f32 to vector<16xf32>
      %gt3A_496 = arith.cmpf ogt, %bitcast3A_493, %gt3A_495 : vector<16xf32>
      %mul3A_497 = arith.constant 5.000000e-01 : f32
      %mul3A_498 = vector.broadcast %mul3A_497 : f32 to vector<16xf32>
      %mul3A_499 = arith.mulf %bitcast3A_493, %mul3A_498 : vector<16xf32>
      %select_n3A_500 = arith.select %gt3A_496, %mul3A_499, %bitcast3A_493 : vector<16xi1>, vector<16xf32>
      %add3A_501 = arith.constant 1 : i32
      %add3A_502 = vector.broadcast %add3A_501 : i32 to vector<16xi32>
      %add3A_503 = arith.addi %sub3A_486, %add3A_502 : vector<16xi32>
      %select_n3A_504 = arith.select %gt3A_496, %add3A_503, %sub3A_486 : vector<16xi1>, vector<16xi32>
      %sub3A_505 = arith.constant 1.000000e+00 : f32
      %sub3A_506 = vector.broadcast %sub3A_505 : f32 to vector<16xf32>
      %sub3A_507 = arith.subf %select_n3A_500, %sub3A_506 : vector<16xf32>
      %add3A_508 = arith.constant 1.000000e+00 : f32
      %add3A_509 = vector.broadcast %add3A_508 : f32 to vector<16xf32>
      %add3A_510 = arith.addf %select_n3A_500, %add3A_509 : vector<16xf32>
      %div3A_511 = arith.divf %sub3A_507, %add3A_510 : vector<16xf32>
      %mul3A_512 = arith.mulf %div3A_511, %div3A_511 : vector<16xf32>
      %mul3A_513 = arith.constant 2.000000e+00 : f32
      %mul3A_514 = vector.broadcast %mul3A_513 : f32 to vector<16xf32>
      %mul3A_515 = arith.mulf %mul3A_514, %div3A_511 : vector<16xf32>
      %mul3A_516 = arith.constant 0.142857149 : f32
      %mul3A_517 = vector.broadcast %mul3A_516 : f32 to vector<16xf32>
      %mul3A_518 = arith.mulf %mul3A_512, %mul3A_517 : vector<16xf32>
      %add3A_519 = arith.constant 2.000000e-01 : f32
      %add3A_520 = vector.broadcast %add3A_519 : f32 to vector<16xf32>
      %add3A_521 = arith.addf %add3A_520, %mul3A_518 : vector<16xf32>
      %mul3A_522 = arith.mulf %mul3A_512, %add3A_521 : vector<16xf32>
      %add3A_523 = arith.constant 0.333333343 : f32
      %add3A_524 = vector.broadcast %add3A_523 : f32 to vector<16xf32>
      %add3A_525 = arith.addf %add3A_524, %mul3A_522 : vector<16xf32>
      %mul3A_526 = arith.mulf %mul3A_512, %add3A_525 : vector<16xf32>
      %add3A_527 = arith.constant 1.000000e+00 : f32
      %add3A_528 = vector.broadcast %add3A_527 : f32 to vector<16xf32>
      %add3A_529 = arith.addf %add3A_528, %mul3A_526 : vector<16xf32>
      %mul3A_530 = arith.mulf %mul3A_515, %add3A_529 : vector<16xf32>
      %convert_element_type3A_531 = arith.sitofp %select_n3A_504 : vector<16xi32> to vector<16xf32>
      %mul3A_532 = arith.constant 0.693147182 : f32
      %mul3A_533 = vector.broadcast %mul3A_532 : f32 to vector<16xf32>
      %mul3A_534 = arith.mulf %convert_element_type3A_531, %mul3A_533 : vector<16xf32>
      %add3A_535 = arith.addf %mul3A_534, %mul3A_530 : vector<16xf32>
      %get3A_536 = arith.index_cast %mul3A_342 : i32 to index
      %get3A_537 = tpu.vector_load %arg7[%get3A_536] {strides = array<i32>} : memref<5120xf32, #tpu.memory_space<vmem>>, vector<16xf32>,
      %add3A_538 = arith.constant 1280 : i32
      %add3A_539 = arith.addi %add3A_538, %mul3A_342 : i32
      %get3A_540 = arith.index_cast %add3A_539 : i32 to index
      %get3A_541 = tpu.vector_load %arg7[%get3A_540] {strides = array<i32>} : memref<5120xf32, #tpu.memory_space<vmem>>, vector<16xf32>,
      %add3A_542 = arith.constant 2560 : i32
      %add3A_543 = arith.addi %add3A_542, %mul3A_342 : i32
      %get3A_544 = arith.index_cast %add3A_543 : i32 to index
      %get3A_545 = tpu.vector_load %arg7[%get3A_544] {strides = array<i32>} : memref<5120xf32, #tpu.memory_space<vmem>>, vector<16xf32>,
      %add3A_546 = arith.constant 3840 : i32
      %add3A_547 = arith.addi %add3A_546, %mul3A_342 : i32
      %get3A_548 = arith.index_cast %add3A_547 : i32 to index
      %get3A_549 = tpu.vector_load %arg7[%get3A_548] {strides = array<i32>} : memref<5120xf32, #tpu.memory_space<vmem>>, vector<16xf32>,
      %sub3A_550 = arith.subf %div3A_413, %get3A_537 : vector<16xf32>
      %abs3A_551 = math.absf %sub3A_550 : vector<16xf32>
      %lt3A_552 = arith.constant 1.000000e+00 : f32
      %lt3A_553 = vector.broadcast %lt3A_552 : f32 to vector<16xf32>
      %lt3A_554 = arith.cmpf olt, %abs3A_551, %lt3A_553 : vector<16xf32>
      %mul3A_555 = arith.constant 5.000000e-01 : f32
      %mul3A_556 = vector.broadcast %mul3A_555 : f32 to vector<16xf32>
      %mul3A_557 = arith.mulf %mul3A_556, %abs3A_551 : vector<16xf32>
      %mul3A_558 = arith.mulf %mul3A_557, %abs3A_551 : vector<16xf32>
      %sub3A_559 = arith.constant 5.000000e-01 : f32
      %sub3A_560 = vector.broadcast %sub3A_559 : f32 to vector<16xf32>
      %sub3A_561 = arith.subf %abs3A_551, %sub3A_560 : vector<16xf32>
      %select_n3A_562 = arith.select %lt3A_554, %mul3A_558, %sub3A_561 : vector<16xi1>, vector<16xf32>
      %sub3A_563 = arith.subf %div3A_415, %get3A_541 : vector<16xf32>
      %abs3A_564 = math.absf %sub3A_563 : vector<16xf32>
      %lt3A_565 = arith.constant 1.000000e+00 : f32
      %lt3A_566 = vector.broadcast %lt3A_565 : f32 to vector<16xf32>
      %lt3A_567 = arith.cmpf olt, %abs3A_564, %lt3A_566 : vector<16xf32>
      %mul3A_568 = arith.constant 5.000000e-01 : f32
      %mul3A_569 = vector.broadcast %mul3A_568 : f32 to vector<16xf32>
      %mul3A_570 = arith.mulf %mul3A_569, %abs3A_564 : vector<16xf32>
      %mul3A_571 = arith.mulf %mul3A_570, %abs3A_564 : vector<16xf32>
      %sub3A_572 = arith.constant 5.000000e-01 : f32
      %sub3A_573 = vector.broadcast %sub3A_572 : f32 to vector<16xf32>
      %sub3A_574 = arith.subf %abs3A_564, %sub3A_573 : vector<16xf32>
      %select_n3A_575 = arith.select %lt3A_567, %mul3A_571, %sub3A_574 : vector<16xi1>, vector<16xf32>
      %add3A_576 = arith.addf %select_n3A_562, %select_n3A_575 : vector<16xf32>
      %sub3A_577 = arith.subf %add3A_475, %get3A_545 : vector<16xf32>
      %abs3A_578 = math.absf %sub3A_577 : vector<16xf32>
      %lt3A_579 = arith.constant 1.000000e+00 : f32
      %lt3A_580 = vector.broadcast %lt3A_579 : f32 to vector<16xf32>
      %lt3A_581 = arith.cmpf olt, %abs3A_578, %lt3A_580 : vector<16xf32>
      %mul3A_582 = arith.constant 5.000000e-01 : f32
      %mul3A_583 = vector.broadcast %mul3A_582 : f32 to vector<16xf32>
      %mul3A_584 = arith.mulf %mul3A_583, %abs3A_578 : vector<16xf32>
      %mul3A_585 = arith.mulf %mul3A_584, %abs3A_578 : vector<16xf32>
      %sub3A_586 = arith.constant 5.000000e-01 : f32
      %sub3A_587 = vector.broadcast %sub3A_586 : f32 to vector<16xf32>
      %sub3A_588 = arith.subf %abs3A_578, %sub3A_587 : vector<16xf32>
      %select_n3A_589 = arith.select %lt3A_581, %mul3A_585, %sub3A_588 : vector<16xi1>, vector<16xf32>
      %add3A_590 = arith.addf %add3A_576, %select_n3A_589 : vector<16xf32>
      %sub3A_591 = arith.subf %add3A_535, %get3A_549 : vector<16xf32>
      %abs3A_592 = math.absf %sub3A_591 : vector<16xf32>
      %lt3A_593 = arith.constant 1.000000e+00 : f32
      %lt3A_594 = vector.broadcast %lt3A_593 : f32 to vector<16xf32>
      %lt3A_595 = arith.cmpf olt, %abs3A_592, %lt3A_594 : vector<16xf32>
      %mul3A_596 = arith.constant 5.000000e-01 : f32
      %mul3A_597 = vector.broadcast %mul3A_596 : f32 to vector<16xf32>
      %mul3A_598 = arith.mulf %mul3A_597, %abs3A_592 : vector<16xf32>
      %mul3A_599 = arith.mulf %mul3A_598, %abs3A_592 : vector<16xf32>
      %sub3A_600 = arith.constant 5.000000e-01 : f32
      %sub3A_601 = vector.broadcast %sub3A_600 : f32 to vector<16xf32>
      %sub3A_602 = arith.subf %abs3A_592, %sub3A_601 : vector<16xf32>
      %select_n3A_603 = arith.select %lt3A_595, %mul3A_599, %sub3A_602 : vector<16xi1>, vector<16xf32>
      %add3A_604 = arith.addf %add3A_590, %select_n3A_603 : vector<16xf32>
      %mul3A_605 = arith.mulf %add3A_604, %select_n3A_354 : vector<16xf32>
      %add3A_606 = arith.addf %add3A_337, %mul3A_605 : vector<16xf32>
      %add3A_607 = arith.addf %add3A_338, %select_n3A_354 : vector<16xf32>
      scf.yield %add3A_606, %add3A_607 : vector<16xf32>, vector<16xf32>
    }
    %scan3A_72 = arith.constant 80 : i32
    %swap3A = arith.constant 0 : index
    %swap3A_73 = tpu.vector_load %arg16[%swap3A] {strides = array<i32>} : memref<32xf32, #tpu.memory_space<vmem>>, vector<16xf32>,
    tpu.vector_store %arg16[%swap3A], %scan3A_71#0 {strides = array<i32>} : memref<32xf32, #tpu.memory_space<vmem>>, vector<16xf32>,
    %swap3A_74 = arith.constant 16 : index
    %swap3A_75 = tpu.vector_load %arg16[%swap3A_74] {strides = array<i32>} : memref<32xf32, #tpu.memory_space<vmem>>, vector<16xf32>,
    tpu.vector_store %arg16[%swap3A_74], %scan3A_71#1 {strides = array<i32>} : memref<32xf32, #tpu.memory_space<vmem>>, vector<16xf32>,
    %mul3A_76 = arith.constant 2 : i32
    %mul3A_77 = arith.muli %arg1, %mul3A_76 : i32
    %mul3A_78 = arith.constant 16 : i32
    %mul3A_79 = arith.muli %mul3A_77, %mul3A_78 : i32
    "tpu.region"() ({
      %run_scoped3A = tpu.sem_alloc : memref<!tpu.dma_semaphore, #tpu.memory_space<semaphore_mem>>
      %dma_start3A = tpu.memref_slice %arg20[%mul3A_79] : memref<512xf32, #tpu.memory_space<vmem_shared>> -> memref<32xf32, #tpu.memory_space<vmem_shared>>
      %dma_start3A_85 = tpu.memref_slice %arg20[%mul3A_79] : memref<512xf32, #tpu.memory_space<vmem_shared>> -> memref<32xf32, #tpu.memory_space<vmem_shared>>
      tpu.enqueue_dma source(%arg16 : memref<32xf32, #tpu.memory_space<vmem>>) target(%dma_start3A_85 : memref<32xf32, #tpu.memory_space<vmem_shared>>) target_semaphore(%run_scoped3A : memref<!tpu.dma_semaphore, #tpu.memory_space<semaphore_mem>>)
      %dma_wait3A = tpu.memref_slice %arg20[%mul3A_79] : memref<512xf32, #tpu.memory_space<vmem_shared>> -> memref<32xf32, #tpu.memory_space<vmem_shared>>
      %dma_wait3A_86 = tpu.memref_slice %arg20[%mul3A_79] : memref<512xf32, #tpu.memory_space<vmem_shared>> -> memref<32xf32, #tpu.memory_space<vmem_shared>>
      tpu.wait_dma2 semaphore(%run_scoped3A : memref<!tpu.dma_semaphore, #tpu.memory_space<semaphore_mem>>) src(%arg16 : memref<32xf32, #tpu.memory_space<vmem>>) dst(%dma_wait3A_86 : memref<32xf32, #tpu.memory_space<vmem_shared>>)
      tpu.yield
    }) : () -> ()
    %barrier3A_80 = arith.constant 0 : index
    tpu.barrier barrier_id(%barrier3A_80)
    %eq3A_81 = arith.constant 0 : i32
    %eq3A_82 = arith.cmpi eq, %arg1, %eq3A_81 : i32
    %convert_element_type3A_83 = arith.extui %eq3A_82 : i1 to i32
    %cond3A = arith.constant 0 : i32
    %cond3A_84 = arith.cmpi ne, %convert_element_type3A_83, %cond3A : i32
    scf.if %cond3A_84 {
      "tpu.region"() ({
        %run_scoped3A = tpu.sem_alloc : memref<!tpu.dma_semaphore, #tpu.memory_space<semaphore_mem>>
        %dma_start3A = arith.constant 0 : i32
        %dma_start3A_202 = tpu.memref_slice %arg14[%dma_start3A] : memref<16384xf32, #tpu.memory_space<vmem>> -> memref<512xf32, #tpu.memory_space<vmem>>
        %dma_start3A_203 = arith.constant 0 : i32
        %dma_start3A_204 = tpu.memref_slice %arg14[%dma_start3A_203] : memref<16384xf32, #tpu.memory_space<vmem>> -> memref<512xf32, #tpu.memory_space<vmem>>
        tpu.enqueue_dma source(%arg20 : memref<512xf32, #tpu.memory_space<vmem_shared>>) target(%dma_start3A_204 : memref<512xf32, #tpu.memory_space<vmem>>) target_semaphore(%run_scoped3A : memref<!tpu.dma_semaphore, #tpu.memory_space<semaphore_mem>>)
        %dma_wait3A = arith.constant 0 : i32
        %dma_wait3A_205 = tpu.memref_slice %arg14[%dma_wait3A] : memref<16384xf32, #tpu.memory_space<vmem>> -> memref<512xf32, #tpu.memory_space<vmem>>
        %dma_wait3A_206 = arith.constant 0 : i32
        %dma_wait3A_207 = tpu.memref_slice %arg14[%dma_wait3A_206] : memref<16384xf32, #tpu.memory_space<vmem>> -> memref<512xf32, #tpu.memory_space<vmem>>
        tpu.wait_dma2 semaphore(%run_scoped3A : memref<!tpu.dma_semaphore, #tpu.memory_space<semaphore_mem>>) src(%arg20 : memref<512xf32, #tpu.memory_space<vmem_shared>>) dst(%dma_wait3A_207 : memref<512xf32, #tpu.memory_space<vmem>>)
        tpu.yield
      }) : () -> ()
      %scan3A_85 = arith.constant 0 : i32
      %scan3A_86 = arith.constant 16 : i32
      %scan3A_87 = arith.addi %scan3A_85, %scan3A_86 : i32
      %scan3A_88 = arith.constant 1 : i32
      %scan3A_89:2 = scf.for %scan3A_202 = %scan3A_85 to %scan3A_87 step %scan3A_88 iter_args(%scan3A_203 = %mul3A_3, %scan3A_204 = %mul3A_3) -> (vector<16xf32>, vector<16xf32>)  : i32 {
        %mul3A_205 = arith.constant 2 : i32
        %mul3A_206 = arith.muli %scan3A_202, %mul3A_205 : i32
        %mul3A_207 = arith.constant 16 : i32
        %mul3A_208 = arith.muli %mul3A_206, %mul3A_207 : i32
        %get3A = arith.index_cast %mul3A_208 : i32 to index
        %get3A_209 = tpu.vector_load %arg14[%get3A] {strides = array<i32>} : memref<16384xf32, #tpu.memory_space<vmem>>, vector<16xf32>,
        %add3A_210 = arith.addf %scan3A_203, %get3A_209 : vector<16xf32>
        %mul3A_211 = arith.constant 2 : i32
        %mul3A_212 = arith.muli %scan3A_202, %mul3A_211 : i32
        %mul3A_213 = arith.constant 16 : i32
        %mul3A_214 = arith.muli %mul3A_212, %mul3A_213 : i32
        %add3A_215 = arith.constant 16 : i32
        %add3A_216 = arith.addi %mul3A_214, %add3A_215 : i32
        %get3A_217 = arith.index_cast %add3A_216 : i32 to index
        %get3A_218 = tpu.vector_load %arg14[%get3A_217] {strides = array<i32>} : memref<16384xf32, #tpu.memory_space<vmem>>, vector<16xf32>,
        %add3A_219 = arith.addf %scan3A_204, %get3A_218 : vector<16xf32>
        scf.yield %add3A_210, %add3A_219 : vector<16xf32>, vector<16xf32>
      }
      %scan3A_90 = arith.constant 16 : i32
      %xor3A = arith.constant 1 : i32
      %xor3A_91 = vector.broadcast %xor3A : i32 to vector<16xi32>
      %xor3A_92 = arith.xori %iota3A, %xor3A_91 : vector<16xi32>
      %lt3A = arith.constant 0 : i32
      %lt3A_93 = vector.broadcast %lt3A : i32 to vector<16xi32>
      %lt3A_94 = arith.cmpi slt, %xor3A_92, %lt3A_93 : vector<16xi32>
      %add3A_95 = arith.constant 16 : i32
      %add3A_96 = vector.broadcast %add3A_95 : i32 to vector<16xi32>
      %add3A_97 = arith.addi %xor3A_92, %add3A_96 : vector<16xi32>
      %select_n3A = arith.select %lt3A_94, %add3A_97, %xor3A_92 : vector<16xi1>, vector<16xi32>
      %broadcast_in_dim3A = vector.shape_cast %select_n3A : vector<16xi32> to vector<16x1xi32>
      %gather3A = vector.shape_cast %broadcast_in_dim3A : vector<16x1xi32> to vector<16xi32>
      %gather3A_98 = tpu.dynamic_gather %scan3A_89#0[%gather3A] in [0] : vector<16xf32>, vector<16xi32> -> vector<16xf32>
      %add3A_99 = arith.addf %scan3A_89#0, %gather3A_98 : vector<16xf32>
      %xor3A_100 = arith.constant 2 : i32
      %xor3A_101 = vector.broadcast %xor3A_100 : i32 to vector<16xi32>
      %xor3A_102 = arith.xori %iota3A, %xor3A_101 : vector<16xi32>
      %lt3A_103 = arith.constant 0 : i32
      %lt3A_104 = vector.broadcast %lt3A_103 : i32 to vector<16xi32>
      %lt3A_105 = arith.cmpi slt, %xor3A_102, %lt3A_104 : vector<16xi32>
      %add3A_106 = arith.constant 16 : i32
      %add3A_107 = vector.broadcast %add3A_106 : i32 to vector<16xi32>
      %add3A_108 = arith.addi %xor3A_102, %add3A_107 : vector<16xi32>
      %select_n3A_109 = arith.select %lt3A_105, %add3A_108, %xor3A_102 : vector<16xi1>, vector<16xi32>
      %broadcast_in_dim3A_110 = vector.shape_cast %select_n3A_109 : vector<16xi32> to vector<16x1xi32>
      %gather3A_111 = vector.shape_cast %broadcast_in_dim3A_110 : vector<16x1xi32> to vector<16xi32>
      %gather3A_112 = tpu.dynamic_gather %add3A_99[%gather3A_111] in [0] : vector<16xf32>, vector<16xi32> -> vector<16xf32>
      %add3A_113 = arith.addf %add3A_99, %gather3A_112 : vector<16xf32>
      %xor3A_114 = arith.constant 4 : i32
      %xor3A_115 = vector.broadcast %xor3A_114 : i32 to vector<16xi32>
      %xor3A_116 = arith.xori %iota3A, %xor3A_115 : vector<16xi32>
      %lt3A_117 = arith.constant 0 : i32
      %lt3A_118 = vector.broadcast %lt3A_117 : i32 to vector<16xi32>
      %lt3A_119 = arith.cmpi slt, %xor3A_116, %lt3A_118 : vector<16xi32>
      %add3A_120 = arith.constant 16 : i32
      %add3A_121 = vector.broadcast %add3A_120 : i32 to vector<16xi32>
      %add3A_122 = arith.addi %xor3A_116, %add3A_121 : vector<16xi32>
      %select_n3A_123 = arith.select %lt3A_119, %add3A_122, %xor3A_116 : vector<16xi1>, vector<16xi32>
      %broadcast_in_dim3A_124 = vector.shape_cast %select_n3A_123 : vector<16xi32> to vector<16x1xi32>
      %gather3A_125 = vector.shape_cast %broadcast_in_dim3A_124 : vector<16x1xi32> to vector<16xi32>
      %gather3A_126 = tpu.dynamic_gather %add3A_113[%gather3A_125] in [0] : vector<16xf32>, vector<16xi32> -> vector<16xf32>
      %add3A_127 = arith.addf %add3A_113, %gather3A_126 : vector<16xf32>
      %xor3A_128 = arith.constant 8 : i32
      %xor3A_129 = vector.broadcast %xor3A_128 : i32 to vector<16xi32>
      %xor3A_130 = arith.xori %iota3A, %xor3A_129 : vector<16xi32>
      %lt3A_131 = arith.constant 0 : i32
      %lt3A_132 = vector.broadcast %lt3A_131 : i32 to vector<16xi32>
      %lt3A_133 = arith.cmpi slt, %xor3A_130, %lt3A_132 : vector<16xi32>
      %add3A_134 = arith.constant 16 : i32
      %add3A_135 = vector.broadcast %add3A_134 : i32 to vector<16xi32>
      %add3A_136 = arith.addi %xor3A_130, %add3A_135 : vector<16xi32>
      %select_n3A_137 = arith.select %lt3A_133, %add3A_136, %xor3A_130 : vector<16xi1>, vector<16xi32>
      %broadcast_in_dim3A_138 = vector.shape_cast %select_n3A_137 : vector<16xi32> to vector<16x1xi32>
      %gather3A_139 = vector.shape_cast %broadcast_in_dim3A_138 : vector<16x1xi32> to vector<16xi32>
      %gather3A_140 = tpu.dynamic_gather %add3A_127[%gather3A_139] in [0] : vector<16xf32>, vector<16xi32> -> vector<16xf32>
      %add3A_141 = arith.addf %add3A_127, %gather3A_140 : vector<16xf32>
      %xor3A_142 = arith.constant 1 : i32
      %xor3A_143 = vector.broadcast %xor3A_142 : i32 to vector<16xi32>
      %xor3A_144 = arith.xori %iota3A, %xor3A_143 : vector<16xi32>
      %lt3A_145 = arith.constant 0 : i32
      %lt3A_146 = vector.broadcast %lt3A_145 : i32 to vector<16xi32>
      %lt3A_147 = arith.cmpi slt, %xor3A_144, %lt3A_146 : vector<16xi32>
      %add3A_148 = arith.constant 16 : i32
      %add3A_149 = vector.broadcast %add3A_148 : i32 to vector<16xi32>
      %add3A_150 = arith.addi %xor3A_144, %add3A_149 : vector<16xi32>
      %select_n3A_151 = arith.select %lt3A_147, %add3A_150, %xor3A_144 : vector<16xi1>, vector<16xi32>
      %broadcast_in_dim3A_152 = vector.shape_cast %select_n3A_151 : vector<16xi32> to vector<16x1xi32>
      %gather3A_153 = vector.shape_cast %broadcast_in_dim3A_152 : vector<16x1xi32> to vector<16xi32>
      %gather3A_154 = tpu.dynamic_gather %scan3A_89#1[%gather3A_153] in [0] : vector<16xf32>, vector<16xi32> -> vector<16xf32>
      %add3A_155 = arith.addf %scan3A_89#1, %gather3A_154 : vector<16xf32>
      %xor3A_156 = arith.constant 2 : i32
      %xor3A_157 = vector.broadcast %xor3A_156 : i32 to vector<16xi32>
      %xor3A_158 = arith.xori %iota3A, %xor3A_157 : vector<16xi32>
      %lt3A_159 = arith.constant 0 : i32
      %lt3A_160 = vector.broadcast %lt3A_159 : i32 to vector<16xi32>
      %lt3A_161 = arith.cmpi slt, %xor3A_158, %lt3A_160 : vector<16xi32>
      %add3A_162 = arith.constant 16 : i32
      %add3A_163 = vector.broadcast %add3A_162 : i32 to vector<16xi32>
      %add3A_164 = arith.addi %xor3A_158, %add3A_163 : vector<16xi32>
      %select_n3A_165 = arith.select %lt3A_161, %add3A_164, %xor3A_158 : vector<16xi1>, vector<16xi32>
      %broadcast_in_dim3A_166 = vector.shape_cast %select_n3A_165 : vector<16xi32> to vector<16x1xi32>
      %gather3A_167 = vector.shape_cast %broadcast_in_dim3A_166 : vector<16x1xi32> to vector<16xi32>
      %gather3A_168 = tpu.dynamic_gather %add3A_155[%gather3A_167] in [0] : vector<16xf32>, vector<16xi32> -> vector<16xf32>
      %add3A_169 = arith.addf %add3A_155, %gather3A_168 : vector<16xf32>
      %xor3A_170 = arith.constant 4 : i32
      %xor3A_171 = vector.broadcast %xor3A_170 : i32 to vector<16xi32>
      %xor3A_172 = arith.xori %iota3A, %xor3A_171 : vector<16xi32>
      %lt3A_173 = arith.constant 0 : i32
      %lt3A_174 = vector.broadcast %lt3A_173 : i32 to vector<16xi32>
      %lt3A_175 = arith.cmpi slt, %xor3A_172, %lt3A_174 : vector<16xi32>
      %add3A_176 = arith.constant 16 : i32
      %add3A_177 = vector.broadcast %add3A_176 : i32 to vector<16xi32>
      %add3A_178 = arith.addi %xor3A_172, %add3A_177 : vector<16xi32>
      %select_n3A_179 = arith.select %lt3A_175, %add3A_178, %xor3A_172 : vector<16xi1>, vector<16xi32>
      %broadcast_in_dim3A_180 = vector.shape_cast %select_n3A_179 : vector<16xi32> to vector<16x1xi32>
      %gather3A_181 = vector.shape_cast %broadcast_in_dim3A_180 : vector<16x1xi32> to vector<16xi32>
      %gather3A_182 = tpu.dynamic_gather %add3A_169[%gather3A_181] in [0] : vector<16xf32>, vector<16xi32> -> vector<16xf32>
      %add3A_183 = arith.addf %add3A_169, %gather3A_182 : vector<16xf32>
      %xor3A_184 = arith.constant 8 : i32
      %xor3A_185 = vector.broadcast %xor3A_184 : i32 to vector<16xi32>
      %xor3A_186 = arith.xori %iota3A, %xor3A_185 : vector<16xi32>
      %lt3A_187 = arith.constant 0 : i32
      %lt3A_188 = vector.broadcast %lt3A_187 : i32 to vector<16xi32>
      %lt3A_189 = arith.cmpi slt, %xor3A_186, %lt3A_188 : vector<16xi32>
      %add3A_190 = arith.constant 16 : i32
      %add3A_191 = vector.broadcast %add3A_190 : i32 to vector<16xi32>
      %add3A_192 = arith.addi %xor3A_186, %add3A_191 : vector<16xi32>
      %select_n3A_193 = arith.select %lt3A_189, %add3A_192, %xor3A_186 : vector<16xi1>, vector<16xi32>
      %broadcast_in_dim3A_194 = vector.shape_cast %select_n3A_193 : vector<16xi32> to vector<16x1xi32>
      %gather3A_195 = vector.shape_cast %broadcast_in_dim3A_194 : vector<16x1xi32> to vector<16xi32>
      %gather3A_196 = tpu.dynamic_gather %add3A_183[%gather3A_195] in [0] : vector<16xf32>, vector<16xi32> -> vector<16xf32>
      %add3A_197 = arith.addf %add3A_183, %gather3A_196 : vector<16xf32>
      %max3A = arith.constant 1.000000e+00 : f32
      %max3A_198 = vector.broadcast %max3A : f32 to vector<16xf32>
      %max3A_199 = arith.maximumf %add3A_197, %max3A_198 : vector<16xf32>
      %div3A = arith.divf %add3A_141, %max3A_199 : vector<16xf32>
      %swap3A_200 = arith.constant 0 : index
      %swap3A_201 = tpu.vector_load %arg17[%swap3A_200] {strides = array<i32>} : memref<16xf32, #tpu.memory_space<vmem>>, vector<16xf32>,
      tpu.vector_store %arg17[%swap3A_200], %div3A {strides = array<i32>} : memref<16xf32, #tpu.memory_space<vmem>>, vector<16xf32>,
      "tpu.region"() ({
        %run_scoped3A = tpu.sem_alloc : memref<!tpu.dma_semaphore, #tpu.memory_space<semaphore_mem>>
        tpu.enqueue_dma source(%arg17 : memref<16xf32, #tpu.memory_space<vmem>>) target(%arg5 : memref<16xf32, #tpu.memory_space<hbm>>) target_semaphore(%run_scoped3A : memref<!tpu.dma_semaphore, #tpu.memory_space<semaphore_mem>>)
        tpu.wait_dma2 semaphore(%run_scoped3A : memref<!tpu.dma_semaphore, #tpu.memory_space<semaphore_mem>>) src(%arg17 : memref<16xf32, #tpu.memory_space<vmem>>) dst(%arg5 : memref<16xf32, #tpu.memory_space<hbm>>)
        tpu.yield
      }) : () -> ()
    } else {
    }
    return
  }
}

</mosaic_0001>

<sc_bundles>
// kernel: kernel.3.cloned.1.call-start
scs
__scs_entry_jumppad:
0x0: {  	(pc) =	sbr.rel $0x88, $3  }
0x1: {  	(tag) =	ssettag $0x0;
	lr =	simm.s32 $0x1  }
0x2: {  	[smem:$0x3F9E] =	sst lr;
	_ =	strace $0xD0000000  }
0x3: {  	_ = 	snop  }
0x4: {  	_ = 	snop  }
0x5: {  	_ = 	snop  }
0x6: {  	_ = 	snop  }
0x7: {  	_ = 	snop  }
__scs_overlays_trampoline_lowered:
0x8: {  	[smem:$0x3FAD] =	sst s0  }
0x9: {  	[smem:$0x3FAE] =	sst s1  }
0xa: {  	[smem:$0x3FAF] =	sst s2  }
0xb: {  	[smem:$0x3FB0] =	sst s3  }
0xc: {  	[smem:$0x3FB1] =	sst s4  }
0xd: {  	[smem:$0x3FB2] =	sst s5  }
0xe: {  	[smem:$0x3FB3] =	sst s6  }
0xf: {  	[smem:$0x3FB4] =	sst s7  }
0x10: {  	[smem:$0x3FB5] =	sst s8  }
0x11: {  	[smem:$0x3FB6] =	sst s9;
	s0 =	simm.s32 @!p0 $0x0  }
0x12: {  	s1 =	sld [smem:$0x3F9C];
	s0 =	simm.s32 @p0 $0x1  }
0x13: {  	[smem:$0x3FB7] =	sst s0;
	s0 =	simm.s32 @!p1 $0x0  }
0x14: {  	s2 =	sld [smem:$0x3F9B];
	s0 =	simm.s32 @p1 $0x1  }
0x15: {  	[smem:$0x3FB8] =	sst s0;
	s0 =	simm.s32 @!p2 $0x0  }
0x16: {  	s3 =	sld [smem:$0x3FDB];
	s0 =	simm.s32 @p2 $0x1  }
0x17: {  	s4 =	simm.s32 $0x1BF5;
	[smem:$0x3FBA] =	sst s0  }
0x18: {  	s0 =	sld [smem:$0x3F9D];
	_ =	swait.ge [sflag:s4], $0x0  }
0x19: {  	s7 =	sld [smem:$0x3F9E]  }
0x1a: {  	s8 =	sadd.s32 $0xFFFFE003, lr  }
0x1b: {  	s9 =	sadd.s32 $0xFFFFFEF7, lr;
	s5 =	simm.s32 $0xFFFFFFFF;
	p2 =	slt.u32 s8, $0xFFFFF086  }
0x1c: {  	p1 =	slt.u32 s9, $0xF7A;
	s5 =	simm.s32 @!p2 $0x0  }
0x1d: {  	s5 =	simm.s32 @p1 $0x1;
	p0 =	seq.s32 s7, s2  }
0x1e: {  	s7 =	smul.u32 @!p0 $0xF7A, s2;
	p2 =	seq.s32 @!p0 s5, $0x0  }
0x1f: {  	s9 =	smul.u32 $0xF7A, s1;
	s8 =	simm.s32 @!p0 $0x1BF5;
	p2 =	por !p2, p0  }
0x20: {  	[sflag:s8] =	ssyncset.s32 @!p0 $0xFFFFF086;
	s6 =	sadd.s32 @!p0 s3, s7;
	s7 =	simm.s32 @!p0 $0x108  }
0x21: {  	s3 =	sadd.s32 s3, s9;
	s6 =	sadd.s32 @!p0 $0x88, s6;
	s7 =	simm.s32 @p2 $0x1082  }
0x22: {  	[simem:s7], [sflag:s8] =	dma.local @!p0 [hbm:s6], $0xF7A  }
0x23: {  	s9 =	sor.u32 $0xD0000000, s2;
	s6 =	simm.s32 $0x108;
	_ =	swait.ge @!p0 [sflag:s8], $0x0  }
0x24: {  	s3 =	sadd.s32 $0x88, s3;
	s6 =	simm.s32 @!p1 $0x1082;
	[sflag:s4] =	ssyncset.s32 $0xFFFFF086  }
0x25: {  	[simem:s6], [sflag:s4] =	dma.local [hbm:s3], $0xF7A  }
0x26: {  	[smem:$0x3F9E] =	sst s1;
	(tag) =	ssettag s2;
	_ =	strace s9  }
0x27: {  	s1 =	sld [smem:$0x3FAE]  }
0x28: {  	s2 =	sld [smem:$0x3FAF]  }
0x29: {  	s4 =	sld [smem:$0x3FB1]  }
0x2a: {  	p0 =	seq.s32 s5, $0x0;
	s5 =	sld [smem:$0x3FB2]  }
0x2b: {  	s6 =	sld [smem:$0x3FB3]  }
0x2c: {  	s7 =	sld [smem:$0x3FB4]  }
0x2d: {  	s3 =	simm.s32 $0x108;
	s8 =	sld [smem:$0x3FB5]  }
0x2e: {  	s3 =	simm.s32 @!p0 $0x1082;
	s9 =	sld [smem:$0x3FB6]  }
0x2f: {  	lr =	sadd.s32 s0, s3;
	s0 =	sld [smem:$0x3FAD]  }
0x30: {  	s3 =	sld [smem:$0x3FB0]  }
0x31: {  	[smem:$0x3FB9] =	sst s10  }
0x32: {  	s10 =	sld [smem:$0x3FB7];
	_ =	sdelay $0x3  }
0x33: {  	p0 =	seq.s32 s10, $0x1;
	s10 =	sld [smem:$0x3FB9];
	_ =	sdelay $0x3  }
0x34: {  	[smem:$0x3FB9] =	sst s10  }
0x35: {  	s10 =	sld [smem:$0x3FB8];
	_ =	sdelay $0x3  }
0x36: {  	p1 =	seq.s32 s10, $0x1;
	s10 =	sld [smem:$0x3FB9];
	_ =	sdelay $0x3  }
0x37: {  	[smem:$0x3FB9] =	sst s10  }
0x38: {  	s10 =	sld [smem:$0x3FBA]  }
0x39: {  	_ = 	snop;
	(pc) =	sbr.ind lr, $3  }
0x3a: {  	_ = 	snop  }
0x3b: {  	_ = 	snop  }
0x3c: {  	p2 =	seq.s32 s10, $0x1;
	s10 =	sld [smem:$0x3FB9]  }
0x3d: {  	_ =	shalt  }
0x3e: {  	_ =	shalt  }
0x3f: {  	_ =	shalt  }
0x40: {  	_ =	shalt  }
0x41: {  	_ =	shalt  }
0x42: {  	_ =	shalt  }
0x43: {  	_ =	shalt  }
0x44: {  	_ =	shalt  }
0x45: {  	_ =	shalt  }
0x46: {  	_ =	shalt  }
0x47: {  	_ =	shalt  }
0x48: {  	_ =	shalt  }
0x49: {  	_ =	shalt  }
0x4a: {  	_ =	shalt  }
0x4b: {  	_ =	shalt  }
0x4c: {  	_ =	shalt  }
0x4d: {  	_ =	shalt  }
0x4e: {  	_ =	shalt  }
0x4f: {  	_ =	shalt  }
0x50: {  	_ =	shalt  }
0x51: {  	_ =	shalt  }
0x52: {  	_ =	shalt  }
0x53: {  	_ =	shalt  }
0x54: {  	_ =	shalt  }
0x55: {  	_ =	shalt  }
0x56: {  	_ =	shalt  }
0x57: {  	_ =	shalt  }
0x58: {  	_ =	shalt  }
0x59: {  	_ =	shalt  }
0x5a: {  	_ =	shalt  }
0x5b: {  	_ =	shalt  }
0x5c: {  	_ =	shalt  }
0x5d: {  	_ =	shalt  }
0x5e: {  	_ =	shalt  }
0x5f: {  	_ =	shalt  }
0x60: {  	_ =	shalt  }
0x61: {  	_ =	shalt  }
0x62: {  	_ =	shalt  }
0x63: {  	_ =	shalt  }
0x64: {  	_ =	shalt  }
0x65: {  	_ =	shalt  }
0x66: {  	_ =	shalt  }
0x67: {  	_ =	shalt  }
0x68: {  	_ =	shalt  }
0x69: {  	_ =	shalt  }
0x6a: {  	_ =	shalt  }
0x6b: {  	_ =	shalt  }
0x6c: {  	_ =	shalt  }
0x6d: {  	_ =	shalt  }
0x6e: {  	_ =	shalt  }
0x6f: {  	_ =	shalt  }
0x70: {  	_ =	shalt  }
0x71: {  	_ =	shalt  }
0x72: {  	_ =	shalt  }
0x73: {  	_ =	shalt  }
0x74: {  	_ =	shalt  }
0x75: {  	_ =	shalt  }
0x76: {  	_ =	shalt  }
0x77: {  	_ =	shalt  }
0x78: {  	_ =	shalt  }
0x79: {  	_ =	shalt  }
0x7a: {  	_ =	shalt  }
0x7b: {  	_ =	shalt  }
0x7c: {  	_ =	shalt  }
0x7d: {  	_ =	shalt  }
0x7e: {  	_ =	shalt  }
0x7f: {  	_ =	shalt  }
0x80: {  	_ =	shalt  }
0x81: {  	_ =	shalt  }
0x82: {  	_ =	shalt  }
0x83: {  	_ =	shalt  }
0x84: {  	_ =	shalt  }
0x85: {  	_ =	shalt  }
0x86: {  	_ =	shalt  }
0x87: {  	_ =	shalt  }
.Lfunc_end0:
.L_simem_size_0:
called_computation_lowered:
.L_overlay_start_0:
0x88: {  	s0 =	sld [smem:$0x3FD9]  }
0x89: {  	s1 =	sld [smem:$0x3FFE];
	_ =	sdelay $0x3  }
0x8a: {  	s0 =	sadd.s32 s1, s0  }
0x8b: {  	[smem:$0x3FC5] =	sst s0  }
0x8c: {  	_ = 	snop  }
0x8d: {  	s0 =	sld [smem:$0x3FD0];
	(tm) =	ssettm $0x1  }
0x8e: {  	s16 =	sld [smem:$0x3FFB];
	_ =	sdelay $0x3  }
0x8f: {  	_ =	strace s16  }
0x90: {  	s1 =	sld [smem:$0x3FFC];
	_ =	sdelay $0x3  }
0x91: {  	_ =	strace s1  }
0x92: {  	s1 =	sld [smem:$0x3FFD];
	_ =	sdelay $0x3  }
0x93: {  	_ =	strace s1  }
0x94: {  	_ =	strace $0x8FFFFFFF  }
0x95: {  	s17 =	sld [smem:$0x3FDB];
	_ =	sdelay $0x1  }
0x96: {  	s2 =	simm.s32 $_scs_section_size  }
0x97: {  	s3 =	simm.s32 $_size__tile_overlayer_lowered;
	s4 =	simm.s32 $_tile_overlayer_lowered  }
0x98: {  	s20 =	simm.s32 $0x1BFF;
	s19 =	sshll.u32 s4, $0x1;
	s1 =	sadd.s32 s2, s17  }
0x99: {  	s5 =	simm.s32 $0x0;
	s18 =	sshll.u32 s3, $0x1;
	s3 =	sadd.s32 s19, s1  }
0x9a: {  	[timem:s5], [sflag:s20] =	dma.local [hbm:s3], s18  }
0x9b: {  	_ =	swait.ge [sflag:s20], s18  }
0x9c: {  	s2 =	ssub.s32 $0x0, s18;
	[sflag:s20] =	ssyncset.done $0x0  }
0x9d: {  	[sflag:s20] =	ssyncadd.s32 s2;
	_ =	sdelay $0x1  }
0x9e: {  	s21 =	simm.s32 $0x1B8B  }
0x9f: {  	_ =	swait.ge [sflag:s21], $0x1  }
0xa0: {  	[sflag:s21] =	ssyncset.done $0x0  }
0xa1: {  	s23 =	simm.s32 $0x1B8E;
	s22 =	sld [smem:$0x3FFE];
	[sflag:s21] =	ssyncadd.s32 $0xFFFFFFFF  }
0xa2: {  	s24 =	simm.s32 $execute0_lowered;
	[smem:$0x3FD2] =	sst s23  }
0xa3: {  	s3 =	sshll.u32 s24, $0x1;
	_ =	strace $0x80000046;
	[dreg:$0x1] =	wrdreg $0xFFFFFFFF  }
0xa4: {  	s25 =	simm.s32 $_size_execute0_lowered;
	s1 =	sadd.s32 s1, s3;
	[dreg:$0x0] =	wrdreg $0x0  }
0xa5: {  	s3 =	sshll.u32 s25, $0x1;
	[dreg:$0x2] =	wrdreg s1  }
0xa6: {  	[dreg:$0x3] =	wrdreg s3  }
0xa7: {  	[dreg:$0x4] =	wrdreg $0xC0  }
0xa8: {  	_ =	task [dreg:s5], $0x5FFFF  }
0xa9: {  	[dreg:$0x1] =	wrdreg $0xFFFFFFFF  }
0xaa: {  	[dreg:$0x0] =	wrdreg $0x60  }
0xab: {  	[dreg:$0x2] =	wrdreg s22  }
0xac: {  	[dreg:$0x3] =	wrdreg s0  }
0xad: {  	[dreg:$0x4] =	wrdreg $0xD4000  }
0xae: {  	[dreg:$0x5] =	wrdreg $0xD8000  }
0xaf: {  	[dreg:$0x6] =	wrdreg $0xDC000  }
0xb0: {  	[dreg:$0x7] =	wrdreg $0x9  }
0xb1: {  	_ =	task.clear_ibuf [dreg:s5], $0x8FFFF;
	_ =	strace $0x90000046  }
0xb2: {  	s26 =	simm.s32 $0x9;
	_ =	strace $0x80000048  }
0xb3: {  	_ =	swait.ge [sflag:s26], $0x1  }
0xb4: {  	[sflag:s26] =	ssyncadd.s32 $0xFFFFFFFF  }
0xb5: {  	_ =	strace $0x90000048  }
0xb6: {  	_ =	sfence  }
0xb7: {  	s28 =	sld [smem:$0x0];
	_ =	sdelay $0x1  }
0xb8: {  	s29 =	srdreg.scid  }
0xb9: {  	s30 =	sshll.u32 s29, $0xD;
	s31 =	sshrl.u32 s29, $0x2  }
0xba: {  	s2 =	sand.u32 $0x4000, s30;
	s1 =	sand.u32 $0x1, s29;
	s0 =	sadd.s32 s31, s28  }
0xbb: {  	s1 =	sor.u32 s2, s1;
	s0 =	sshll.u32 s0, $0x11  }
0xbc: {  	s0 =	sor.u32 s0, s1  }
0xbd: {  	s0 =	sadd.s32 $0x8F2B, s0  }
0xbe: {  	[sflag:s0] =	ssyncadd.remote.s32 $0x1  }
0xbf: {  	_ =	sfence.sel $0xFFFF  }
0xc0: {  	[dreg:$0x0] =	wrdreg $0xFFFFFFFF;
	(pc) =	sbr.abs _section_cstart, $3  }
0xc1: {  	[dreg:$0x1] =	wrdreg $0xFFFFFFFF  }
0xc2: {  	_ =	task.clear_ibuf [dreg:s5], $0x2FFFF;
	_ =	strace $0x9FFFFFFF  }
0xc3: {  	(tm) =	ssettm $0x7FFFFFFF  }
tec
execute0_lowered:
.L_overlay_start_1:
0x0: {  	(tag) =	ssettag $0x1  }
0x1: {  	s7 =	rddreg [dreg:$0x0]  }
0x2: {  	s1 =	rddreg [dreg:$0x1]  }
0x3: {  	s6 =	rddreg [dreg:$0x2]  }
0x4: {  	s5 =	rddreg [dreg:$0x3];
	s3 =	stileid.u32  }
0x5: {  	s2 =	rddreg [dreg:$0x4];
	s4 =	smul.u32 $0x500, s3  }
0x6: {  	s0 =	rddreg [dreg:$0x5];
	s8 =	simm.s32 $0x0  }
0x7: {  	[smem:$0x7FF] =	sst s8;
	s9 =	sadd.s32 $0x800, s7;
	s10 =	sshrl.u32 s4, $0x3  }
0x8: {  	s19 =	simm.s32 $0x1;
	_ =	strace $0x80000047;
	s11 =	sadd.s32 s9, s10  }
0x9: {  	[tilespmem:s8], [sflag:$0x1] =	stream.linear.gather [hbm4b:s11+s8], $0x500, $0x38;
	[tilespmem:$0xDC20] =	vst v63  }
0xa: {  	_ =	swait.ge [sflag:s19], $0x500  }
0xb: {  	s12 =	sadd.s32 $0x3000, s7;
	[sflag:s19] =	ssyncset.done $0x0  }
0xc: {  	s14 =	simm.s32 $0x1400;
	s13 =	sadd.s32 s12, s10;
	[sflag:s19] =	ssyncadd.s32 $0xFFFFFB00  }
0xd: {  	[tilespmem:s14], [sflag:$0x1] =	stream.linear.gather [hbm4b:s13+s8], $0x500, $0x38;
	[tilespmem:$0xDC20] =	vst v63  }
0xe: {  	_ =	swait.ge [sflag:s19], $0x500  }
0xf: {  	s20 =	sadd.s32 $0xA00, s10;
	[sflag:s19] =	ssyncset.done $0x0  }
0x10: {  	s15 =	simm.s32 $0x500;
	s21 =	sadd.s32 s9, s20;
	[sflag:s19] =	ssyncadd.s32 $0xFFFFFB00  }
0x11: {  	[tilespmem:s15], [sflag:$0x1] =	stream.linear.gather [hbm4b:s21+s8], $0x500, $0x38;
	[tilespmem:$0xDC20] =	vst v63  }
0x12: {  	_ =	swait.ge [sflag:s19], $0x500  }
0x13: {  	[sflag:s19] =	ssyncset.done $0x0  }
0x14: {  	s22 =	simm.s32 $0x1900;
	s13 =	sadd.s32 s12, s20;
	[sflag:s19] =	ssyncadd.s32 $0xFFFFFB00  }
0x15: {  	[tilespmem:s22], [sflag:$0x1] =	stream.linear.gather [hbm4b:s13+s8], $0x500, $0x38;
	[tilespmem:$0xDC20] =	vst v63  }
0x16: {  	_ =	swait.ge [sflag:s19], $0x500  }
0x17: {  	s23 =	sadd.s32 $0x1400, s10;
	[sflag:s19] =	ssyncset.done $0x0  }
0x18: {  	s25 =	simm.s32 $0xA00;
	s24 =	sadd.s32 s9, s23;
	[sflag:s19] =	ssyncadd.s32 $0xFFFFFB00  }
0x19: {  	[tilespmem:s25], [sflag:$0x1] =	stream.linear.gather [hbm4b:s24+s8], $0x500, $0x38;
	[tilespmem:$0xDC20] =	vst v63  }
0x1a: {  	_ =	swait.ge [sflag:s19], $0x500  }
0x1b: {  	[sflag:s19] =	ssyncset.done $0x0  }
0x1c: {  	s26 =	simm.s32 $0x1E00;
	s13 =	sadd.s32 s12, s23;
	[sflag:s19] =	ssyncadd.s32 $0xFFFFFB00  }
0x1d: {  	[tilespmem:s26], [sflag:$0x1] =	stream.linear.gather [hbm4b:s13+s8], $0x500, $0x38;
	[tilespmem:$0xDC20] =	vst v63  }
0x1e: {  	_ =	swait.ge [sflag:s19], $0x500  }
0x1f: {  	s10 =	sadd.s32 $0x1E00, s10;
	[sflag:s19] =	ssyncset.done $0x0  }
0x20: {  	s28 =	simm.s32 $0xF00;
	s9 =	sadd.s32 s9, s10;
	[sflag:s19] =	ssyncadd.s32 $0xFFFFFB00  }
0x21: {  	[tilespmem:s28], [sflag:$0x1] =	stream.linear.gather [hbm4b:s9+s8], $0x500, $0x38;
	[tilespmem:$0xDC20] =	vst v63  }
0x22: {  	_ =	swait.ge [sflag:s19], $0x500  }
0x23: {  	[sflag:s19] =	ssyncset.done $0x0  }
0x24: {  	s30 =	simm.s32 $0x2300;
	s29 =	sadd.s32 s12, s10;
	[sflag:s19] =	ssyncadd.s32 $0xFFFFFB00  }
0x25: {  	[tilespmem:s30], [sflag:$0x1] =	stream.linear.gather [hbm4b:s29+s8], $0x500, $0x38;
	[tilespmem:$0xDC20] =	vst v63  }
0x26: {  	_ =	swait.ge [sflag:s19], $0x500  }
0x27: {  	[sflag:s19] =	ssyncset.done $0x0  }
0x28: {  	s31 =	sadd.s32 $0x5800, s7;
	s7 =	simm.s32 $0x2800;
	[sflag:s19] =	ssyncadd.s32 $0xFFFFFB00  }
0x29: {  	[tilespmem:s7], [sflag:$0x1] =	stream.linear.gather [hbm4b:s31+s8], $0x1000, $0x38;
	[tilespmem:$0xDC20] =	vst v63  }
0x2a: {  	_ =	swait.ge [sflag:s19], $0x1000  }
0x2b: {  	[sflag:s19] =	ssyncset.done $0x0  }
0x2c: {  	s8 =	sand.u32 $0x3F0, s8;
	[sflag:s19] =	ssyncadd.s32 $0xFFFFF000  }
0x2d: {  	v0 =	vld [tilespmem:s8+$0x3000]  }
0x2e: {  	v1 =	vld [tilespmem:s8+$0x3400]  }
0x2f: {  	s9 =	simm.s32 $0x10;
	v2 =	vld [tilespmem:s8+$0x2C00]  }
.LBB2_1:
0x30: {  	p0 =	sne.s32 s9, $0x3F0;
	v3 =	vld [tilespmem:s7+$0x0];
	_ =	sdelay $0x4  }
.Ltmp0:
0x31: {  	v1 =	vsub.f32 v1, v2;
	v3 =	vsub.f32 v0, v3;
	(pc) =	sbr.rel @p0 .LBB2_1-.Ltmp0, $4  }
0x32: {  	s10 =	sand.u32 $0x3F0, s9  }
0x33: {  	v0 =	vld [tilespmem:s10+$0x3000];
	v3 =	vmul.f32 v1, v3  }
0x34: {  	v1 =	vld [tilespmem:s10+$0x3400]  }
0x35: {  	s9 =	sadd.s32 $0x10, s9;
	s7 =	sadd.s32 $0x10, s7;
	v2 =	vld [tilespmem:s10+$0x2C00];
	[tilespmem:s8+$0x3800] =	vst v3;
	s8 =	smov.u32 s10  }
0x36: {  	v3 =	vld [tilespmem:s7+$0x0];
	_ =	sdelay $0x4  }
0x37: {  	v1 =	vsub.f32 v1, v2;
	v0 =	vsub.f32 v0, v3;
	_ =	sdelay $0x1  }
0x38: {  	v0 =	vmul.f32 v1, v0;
	_ =	sdelay $0x1  }
0x39: {  	s7 =	simm.s32 $0x40;
	v1 =	vimm.s32 $0x0;
	[tilespmem:s8+$0x3800] =	vst v0;
	v0 =	vimm.f32 $-1.000000000e+00;
	s8 =	simm.s32 $0x0  }
.LBB2_3:
0x3a: {  	p0 =	sne.s32 s7, $0xFC0;
	[tilespmem:s8+$0x4B00] =	vst v0;
	s9 =	smov.u32 s7;
	s7 =	sadd.s32 $0x40, s7  }
.Ltmp1:
0x3b: {  	[tilespmem:s8+$0x4F00] =	vst v1;
	(pc) =	sbr.rel @p0 .LBB2_3-.Ltmp1, $2  }
0x3c: {  	_ =	sdelay $0x2  }
0x3d: {  	s8 =	sshra.s32 s9, $0x2  }
0x3e: {  	[tilespmem:s8+$0x4B00] =	vst v0  }
0x3f: {  	[tilespmem:s8+$0x4F00] =	vst v1;
	s7 =	simm.s32 $0x0;
	v0 =	vlaneseq.u32  }
.LBB2_5:
0x40: {  	s8 =	sshll.u32 s7, $0x6  }
0x41: {  	v1 =	vld [tilespmem:s8+$0x0]  }
0x42: {  	v2 =	vld [tilespmem:s8+$0x10]  }
0x43: {  	v3 =	vld [tilespmem:s8+$0x20]  }
0x44: {  	v4 =	vld [tilespmem:s8+$0x30]  }
0x45: {  	v6 =	vld [tilespmem:s8+$0x510]  }
0x46: {  	v7 =	vld [tilespmem:s8+$0x520]  }
0x47: {  	v8 =	vld [tilespmem:s8+$0x530]  }
0x48: {  	v10 =	vld [tilespmem:s8+$0xA10]  }
0x49: {  	v11 =	vld [tilespmem:s8+$0xA20]  }
0x4a: {  	v12 =	vld [tilespmem:s8+$0xA30]  }
0x4b: {  	v14 =	vld [tilespmem:s8+$0xF10]  }
0x4c: {  	v15 =	vld [tilespmem:s8+$0xF20]  }
0x4d: {  	s9 =	sand.u32 $0x7C0, s8;
	v16 =	vld [tilespmem:s8+$0xF30]  }
0x4e: {  	v5 =	vld [tilespmem:s9+$0x500]  }
0x4f: {  	s28 =	simm.s32 $0x0;
	v9 =	vld [tilespmem:s9+$0xA00]  }
0x50: {  	s10 =	sand.u32 $0x3E0, s28;
	v13 =	vld [tilespmem:s9+$0xF00]  }
0x51: {  	v23 =	vld [tilespmem:s10+$0x3000]  }
0x52: {  	s9 =	simm.s32 $0x2810;
	v29 =	vld [tilespmem:s10+$0x3400];
	v19 =	vsub.f32 v10, v2  }
0x53: {  	v26 =	vld [tilespmem:s9+$0xFFFFFFF0];
	v22 =	vsub.f32 v14, v6;
	v24 =	vsub.f32 v11, v3  }
0x54: {  	v25 =	vsub.f32 v15, v7;
	v27 =	vsub.f32 v12, v4  }
0x55: {  	v21 =	vld [tilespmem:s10+$0x2C00];
	v28 =	vsub.f32 v16, v8;
	v17 =	vsub.f32 v9, v1  }
0x56: {  	v18 =	vsub.f32 v13, v5;
	v30 =	vmin.f32 v9, v23;
	v31 =	vmin.f32 v11, v23  }
0x57: {  	v34 =	vmin.f32 v13, v29;
	v35 =	vmin.f32 v14, v29;
	v38 =	vmin.f32 v16, v29  }
0x58: {  	v29 =	vmin.f32 v15, v29;
	v19 =	vmul.f32 v22, v19;
	v32 =	vmax.f32 v3, v26  }
0x59: {  	v33 =	vmax.f32 v2, v26;
	v37 =	vmax.f32 v1, v26;
	v20 =	vmul.f32 v18, v17  }
0x5a: {  	v18 =	vmul.f32 v25, v24;
	v17 =	vmul.f32 v28, v27;
	v24 =	vmax.f32 v7, v21  }
0x5b: {  	v25 =	vmax.f32 v8, v21;
	v27 =	vmax.f32 v5, v21;
	v21 =	vmax.f32 v6, v21  }
0x5c: {  	v22 =	vld [tilespmem:s10+$0x3800];
	v28 =	vmin.f32 v12, v23;
	v30 =	vsub.f32 v30, v37;
	v31 =	vsub.f32 v31, v32  }
0x5d: {  	v23 =	vmin.f32 v10, v23;
	v27 =	vsub.f32 v34, v27;
	v21 =	vsub.f32 v35, v21  }
0x5e: {  	v26 =	vmax.f32 v4, v26;
	v23 =	vsub.f32 v23, v33;
	v24 =	vsub.f32 v29, v24  }
0x5f: {  	v26 =	vsub.f32 v28, v26;
	v25 =	vsub.f32 v38, v25;
	v30 =	vmax.f32 v30, $0.0e+00  }
0x60: {  	v28 =	vmax.f32 v31, $0.0e+00;
	v27 =	vmax.f32 v27, $0.0e+00;
	v21 =	vmax.f32 v21, $0.0e+00  }
0x61: {  	v23 =	vmax.f32 v23, $0.0e+00;
	v59 =	vadd.f32 v22, v20;
	v27 =	vmul.f32 v27, v30  }
0x62: {  	v24 =	vmax.f32 v24, $0.0e+00;
	v26 =	vmax.f32 v26, $0.0e+00;
	v36 =	vadd.f32 v22, v19  }
0x63: {  	v21 =	vmul.f32 v21, v23;
	v23 =	vmax.f32 v25, $0.0e+00;
	v25 =	vsub.f32 v59, v27  }
0x64: {  	v29 =	vadd.f32 v22, v18;
	v22 =	vadd.f32 v22, v17;
	v23 =	vmul.f32 v23, v26  }
0x65: {  	v24 =	vmul.f32 v24, v28;
	v26 =	vsub.f32 v36, v21;
	(erf) = vrcp.f32 v25  }
0x66: {  	v22 =	vsub.f32 v22, v23  }
0x67: {  	v25 =	vsub.f32 v29, v24;
	(erf) = vrcp.f32 v26  }
0x68: {  	(erf) = vrcp.f32 v22  }
0x69: {  	(erf) = vrcp.f32 v25;
	_ =	sdelay $0x1  }
0x6a: {  	s14 =	simm.s32 $0x4B10  }
0x6b: {  	v22 =	vld [tilespmem:s14+$0xFFFFFFF0];
	_ =	sdelay $0x1  }
0x6c: {  	v25 =	vpop (erf)  }
0x6d: {  	v33 =	vmul.f32 v25, v27  }
0x6e: {  	s13 =	simm.s32 $0x4F10;
	v25 =	vpop (erf)  }
0x6f: {  	v27 =	vld [tilespmem:s13+$0xFFFFFFF0];
	v26 =	vpop (erf);
	v35 =	vmul.f32 v25, v21;
	vm0 =	vgt.f32 v33, v22  }
0x70: {  	v21 =	vpop (erf);
	v22 =	vsel vm0, v33, v22  }
0x71: {  	v34 =	vmul.f32 v21, v24;
	vm1 =	vgt.f32 v35, v22  }
0x72: {  	s12 =	sor.u32 $0x10, s8;
	s11 =	sadd.s32 s4, s8;
	v24 =	vsel vm1, v35, v22  }
0x73: {  	s15 =	sadd.s32 s4, s12;
	s10 =	sor.u32 $0x20, s8;
	v36 =	vmul.f32 v26, v23;
	v21 =	vor.u32 s11, v0;
	vm2 =	vgt.f32 v34, v24  }
0x74: {  	s29 =	sadd.s32 s4, s10;
	s11 =	sor.u32 $0x30, s8;
	v22 =	vor.u32 s15, v0;
	v25 =	vsel vm0, v21, v27;
	v26 =	vsel vm2, v34, v24  }
0x75: {  	v23 =	vor.u32 s29, v0;
	s30 =	sadd.s32 s4, s11;
	v25 =	vsel vm1, v22, v25;
	vm0 =	vgt.f32 v36, v26  }
0x76: {  	v24 =	vor.u32 s30, v0;
	v25 =	vsel vm2, v23, v25;
	v26 =	vsel vm0, v36, v26  }
0x77: {  	v25 =	vsel vm0, v24, v25;
	[tilespmem:s14+$0xFFFFFFF0] =	vst v26  }
0x78: {  	s16 =	simm.s32 $0x10;
	[tilespmem:s13+$0xFFFFFFF0] =	vst v25  }
0x79: {  	s31 =	sand.u32 $0x3F0, s16;
	v27 =	vld [tilespmem:s9+$0x0]  }
0x7a: {  	v28 =	vld [tilespmem:s31+$0x2C00]  }
0x7b: {  	v29 =	vld [tilespmem:s31+$0x3000];
	_ =	sdelay $0x1  }
0x7c: {  	v25 =	vimm.f32 $-1.000000000e+00;
	v30 =	vld [tilespmem:s31+$0x3400]  }
0x7d: {  	v26 =	vimm.s32 $0x0;
	vm2 =	vgt.f32 v35, v25  }
0x7e: {  	vm0 =	vgt.f32 v34, v25;
	v31 =	vmax.f32 v4, v27;
	v60 =	vmax.f32 v1, v27  }
0x7f: {  	v61 =	vmax.f32 v6, v28;
	v40 =	vmax.f32 v3, v27;
	v62 =	vmin.f32 v9, v29  }
0x80: {  	v27 =	vmax.f32 v2, v27;
	v39 =	vmin.f32 v12, v29;
	v41 =	vmin.f32 v10, v29  }
0x81: {  	v38 =	vld [tilespmem:s31+$0x3800];
	v29 =	vmin.f32 v11, v29;
	v42 =	vmax.f32 v7, v28;
	v43 =	vmin.f32 v13, v30  }
0x82: {  	v44 =	vmin.f32 v14, v30;
	v63 =	vmin.f32 v15, v30;
	v32 =	vsub.f32 v62, v60  }
0x83: {  	v30 =	vmin.f32 v16, v30;
	v39 =	vsub.f32 v39, v31;
	v29 =	vsub.f32 v29, v40  }
0x84: {  	v31 =	vmax.f32 v5, v28;
	v27 =	vsub.f32 v41, v27;
	v40 =	vsub.f32 v63, v42  }
0x85: {  	v28 =	vmax.f32 v8, v28;
	v45 =	vsub.f32 v44, v61;
	v31 =	vsub.f32 v43, v31  }
0x86: {  	vm1 =	vgt.f32 v36, v25;
	v43 =	vadd.f32 v38, v20;
	v44 =	vsub.f32 v30, v28  }
0x87: {  	v28 =	vimm.s32 $0x0;
	v30 =	vimm.f32 $-1.000000000e+00;
	v32 =	vmax.f32 v32, $0.0e+00  }
0x88: {  	v42 =	vmax.f32 v27, $0.0e+00;
	v40 =	vmax.f32 v40, $0.0e+00;
	v41 =	vmax.f32 v29, $0.0e+00  }
0x89: {  	s18 =	simm.s32 $0x2;
	v29 =	vimm.s32 $0x0;
	v27 =	vimm.f32 $-1.000000000e+00;
	v31 =	vmax.f32 v31, $0.0e+00  }
0x8a: {  	s19 =	simm.s32 $0x4F30;
	s17 =	simm.s32 $0x4B10;
	s15 =	simm.s32 $0x0;
	v37 =	vmul.f32 v31, v32;
	v31 =	vimm.s32 $0x0;
	v32 =	vimm.f32 $-1.000000000e+00  }
.LBB2_6:
0x8b: {  	v45 =	vmax.f32 v45, $0.0e+00;
	v46 =	vadd.f32 v38, v19;
	v39 =	vmax.f32 v39, $0.0e+00;
	s16 =	sadd.s32 $0x20, s16;
	s9 =	sadd.s32 $0x20, s9;
	s14 =	sadd.s32 $0x20, s14  }
0x8c: {  	p0 =	slt.u32 s18, $0x3E;
	s21 =	smov.u32 s18;
	s18 =	sadd.s32 $0x2, s18;
	v43 =	vsub.f32 v43, v37;
	v42 =	vmul.f32 v45, v42;
	v44 =	vmax.f32 v44, $0.0e+00  }
0x8d: {  	v45 =	vadd.f32 v38, v18;
	v38 =	vadd.f32 v38, v17;
	v39 =	vmul.f32 v44, v39  }
0x8e: {  	v40 =	vmul.f32 v40, v41;
	v44 =	vsub.f32 v46, v42;
	(erf) = vrcp.f32 v43  }
0x8f: {  	v38 =	vsub.f32 v38, v39  }
0x90: {  	v41 =	vsub.f32 v45, v40;
	(erf) = vrcp.f32 v44  }
0x91: {  	(erf) = vrcp.f32 v38  }
0x92: {  	(erf) = vrcp.f32 v41;
	_ =	sdelay $0x2  }
0x93: {  	v38 =	vld [tilespmem:s17+$0x0]  }
0x94: {  	v26 =	vsel vm0, s15, v26  }
0x95: {  	v25 =	vsel vm2, v35, v25;
	v29 =	vsel vm2, s15, v29;
	v31 =	vsel vm1, s15, v31;
	s20 =	sadd.s32 $0xFFFFFFF0, s16;
	v35 =	vpop (erf)  }
0x96: {  	vm2 =	vgt.f32 v33, v27;
	v32 =	vsel vm1, v36, v32;
	s20 =	sand.u32 $0x3E0, s20;
	v35 =	vmul.f32 v35, v37  }
0x97: {  	v30 =	vsel vm0, v34, v30;
	v27 =	vsel vm2, v33, v27;
	v28 =	vsel vm2, s15, v28;
	v33 =	vpop (erf)  }
0x98: {  	s22 =	sadd.s32 $0x1, s15;
	s15 =	smov.u32 s21;
	v34 =	vld [tilespmem:s13+$0x0];
	vm0 =	vgt.f32 v35, v27;
	vm1 =	vgt.f32 v35, v38;
	v33 =	vmul.f32 v33, v42;
	v36 =	vpop (erf)  }
0x99: {  	v27 =	vsel vm0, v35, v27;
	v28 =	vsel vm0, s22, v28;
	v35 =	vsel vm1, v35, v38;
	v37 =	vpop (erf)  }
0x9a: {  	vm0 =	vgt.f32 v33, v25;
	vm2 =	vgt.f32 v33, v35;
	v37 =	vmul.f32 v37, v40  }
0x9b: {  	v25 =	vsel vm0, v33, v25;
	v29 =	vsel vm0, s22, v29;
	v33 =	vsel vm2, v33, v35  }
0x9c: {  	v35 =	vmul.f32 v36, v39;
	vm0 =	vgt.f32 v37, v30;
	vm3 =	vgt.f32 v37, v33  }
0x9d: {  	v34 =	vsel vm1, v21, v34;
	v30 =	vsel vm0, v37, v30;
	v33 =	vsel vm3, v37, v33  }
0x9e: {  	vm1 =	vgt.f32 v35, v32;
	v34 =	vsel vm2, v22, v34;
	vm2 =	vgt.f32 v35, v33  }
0x9f: {  	v32 =	vsel vm1, v35, v32;
	v34 =	vsel vm3, v23, v34;
	v33 =	vsel vm2, v35, v33  }
0xa0: {  	v26 =	vsel vm0, s22, v26;
	v31 =	vsel vm1, s22, v31;
	v34 =	vsel vm2, v24, v34;
	[tilespmem:s17+$0x0] =	vst v33;
	s17 =	smov.u32 s14  }
0xa1: {  	[tilespmem:s13+$0x0] =	vst v34;
	s13 =	smov.u32 s19  }
0xa2: {  	v33 =	vld [tilespmem:s20+$0x2C00]  }
0xa3: {  	v34 =	vld [tilespmem:s20+$0x3000]  }
0xa4: {  	v35 =	vld [tilespmem:s9+$0xFFFFFFF0]  }
0xa5: {  	v36 =	vld [tilespmem:s20+$0x3400]  }
0xa6: {  	v37 =	vld [tilespmem:s20+$0x3800]  }
0xa7: {  	v38 =	vmax.f32 v7, v33;
	v39 =	vmax.f32 v8, v33  }
0xa8: {  	v40 =	vmax.f32 v5, v33;
	v33 =	vmax.f32 v6, v33;
	v41 =	vmin.f32 v12, v34  }
0xa9: {  	v42 =	vmin.f32 v9, v34;
	v43 =	vmin.f32 v11, v34;
	v44 =	vmax.f32 v3, v35  }
0xaa: {  	v34 =	vmin.f32 v10, v34;
	v45 =	vmax.f32 v2, v35;
	v46 =	vmin.f32 v16, v36  }
0xab: {  	v47 =	vmin.f32 v13, v36;
	v48 =	vmin.f32 v14, v36;
	v49 =	vadd.f32 v37, v19  }
0xac: {  	v50 =	vmax.f32 v1, v35;
	v40 =	vsub.f32 v47, v40;
	v47 =	vadd.f32 v37, v20  }
0xad: {  	v35 =	vmax.f32 v4, v35;
	v42 =	vsub.f32 v42, v50;
	v33 =	vsub.f32 v48, v33  }
0xae: {  	v34 =	vsub.f32 v34, v45;
	v43 =	vsub.f32 v43, v44;
	v36 =	vmin.f32 v15, v36  }
0xaf: {  	v42 =	vmax.f32 v42, $0.0e+00;
	v40 =	vmax.f32 v40, $0.0e+00;
	v33 =	vmax.f32 v33, $0.0e+00  }
0xb0: {  	v35 =	vsub.f32 v41, v35;
	v36 =	vsub.f32 v36, v38;
	v40 =	vmul.f32 v40, v42  }
0xb1: {  	v39 =	vsub.f32 v46, v39;
	v34 =	vmax.f32 v34, $0.0e+00;
	v38 =	vmax.f32 v43, $0.0e+00  }
0xb2: {  	v41 =	vadd.f32 v37, v18;
	v35 =	vmax.f32 v35, $0.0e+00;
	v36 =	vmax.f32 v36, $0.0e+00  }
0xb3: {  	v34 =	vmul.f32 v33, v34;
	v36 =	vmul.f32 v36, v38;
	v33 =	vmax.f32 v39, $0.0e+00  }
0xb4: {  	v39 =	vmul.f32 v33, v35;
	v33 =	vadd.f32 v37, v17;
	v38 =	vsub.f32 v47, v40  }
0xb5: {  	v35 =	vsub.f32 v49, v34;
	v37 =	vsub.f32 v41, v36  }
0xb6: {  	v33 =	vsub.f32 v33, v39;
	(erf) = vrcp.f32 v38  }
0xb7: {  	(erf) = vrcp.f32 v35  }
0xb8: {  	(erf) = vrcp.f32 v33  }
0xb9: {  	(erf) = vrcp.f32 v37;
	_ =	sdelay $0x3  }
0xba: {  	v37 =	vld [tilespmem:s14+$0xFFFFFFF0];
	_ =	sdelay $0x1  }
0xbb: {  	v33 =	vpop (erf)  }
0xbc: {  	v33 =	vmul.f32 v33, v40;
	v35 =	vpop (erf)  }
0xbd: {  	v38 =	vpop (erf)  }
0xbe: {  	v35 =	vmul.f32 v35, v34;
	v40 =	vld [tilespmem:s19+$0xFFFFFFF0];
	vm1 =	vgt.f32 v33, v37;
	v34 =	vpop (erf)  }
0xbf: {  	v37 =	vsel vm1, v33, v37  }
0xc0: {  	vm2 =	vgt.f32 v35, v25;
	v34 =	vmul.f32 v34, v36;
	vm3 =	vgt.f32 v35, v37  }
0xc1: {  	v37 =	vsel vm3, v35, v37  }
0xc2: {  	v36 =	vmul.f32 v38, v39;
	vm0 =	vgt.f32 v34, v30;
	vm4 =	vgt.f32 v34, v37  }
0xc3: {  	v38 =	vsel vm1, v21, v40;
	v37 =	vsel vm4, v34, v37  }
0xc4: {  	vm1 =	vgt.f32 v36, v32;
	v38 =	vsel vm3, v22, v38;
	vm3 =	vgt.f32 v36, v37  }
0xc5: {  	v38 =	vsel vm4, v23, v38;
	v37 =	vsel vm3, v36, v37  }
0xc6: {  	v38 =	vsel vm3, v24, v38;
	[tilespmem:s14+$0xFFFFFFF0] =	vst v37  }
0xc7: {  	[tilespmem:s19+$0xFFFFFFF0] =	vst v38  }
0xc8: {  	s20 =	sand.u32 $0x3F0, s16;
	v37 =	vld [tilespmem:s9+$0x0]  }
0xc9: {  	v40 =	vld [tilespmem:s20+$0x2C00]  }
0xca: {  	v38 =	vld [tilespmem:s20+$0x3000];
	_ =	sdelay $0x2  }
0xcb: {  	v41 =	vld [tilespmem:s20+$0x3400];
	v39 =	vmax.f32 v4, v37  }
0xcc: {  	v42 =	vmax.f32 v1, v37;
	v44 =	vmax.f32 v3, v37;
	v43 =	vmax.f32 v6, v40  }
0xcd: {  	v37 =	vmax.f32 v2, v37;
	v45 =	vmin.f32 v9, v38;
	v46 =	vmin.f32 v12, v38  }
0xce: {  	v42 =	vsub.f32 v45, v42;
	v45 =	vmin.f32 v10, v38;
	v39 =	vsub.f32 v46, v39  }
0xcf: {  	v48 =	vmax.f32 v7, v40;
	v47 =	vmin.f32 v11, v38;
	v46 =	vmax.f32 v5, v40  }
0xd0: {  	v51 =	vmax.f32 v8, v40;
	v38 =	vld [tilespmem:s20+$0x3800];
	v49 =	vmin.f32 v13, v41;
	v50 =	vmin.f32 v14, v41  }
.Ltmp2:
0xd1: {  	v44 =	vsub.f32 v47, v44;
	v40 =	vsub.f32 v49, v46;
	v46 =	vmin.f32 v15, v41;
	(pc) =	sbr.rel @p0 .LBB2_6-.Ltmp2, $4  }
0xd2: {  	v47 =	vsub.f32 v45, v37;
	v46 =	vsub.f32 v46, v48;
	v48 =	vmin.f32 v16, v41  }
0xd3: {  	v37 =	vmax.f32 v42, $0.0e+00;
	v45 =	vsub.f32 v50, v43;
	v40 =	vmax.f32 v40, $0.0e+00  }
0xd4: {  	v42 =	vmax.f32 v47, $0.0e+00;
	v37 =	vmul.f32 v40, v37;
	v40 =	vmax.f32 v46, $0.0e+00  }
0xd5: {  	s19 =	sadd.s32 $0x20, s19;
	v41 =	vmax.f32 v44, $0.0e+00;
	v44 =	vsub.f32 v48, v51;
	v43 =	vadd.f32 v38, v20  }
0xd6: {  	v1 =	vmax.f32 v45, $0.0e+00;
	v2 =	vadd.f32 v38, v19;
	v3 =	vmax.f32 v39, $0.0e+00  }
0xd7: {  	v4 =	vsub.f32 v43, v37;
	v1 =	vmul.f32 v1, v42;
	v5 =	vmax.f32 v44, $0.0e+00  }
0xd8: {  	v6 =	vadd.f32 v38, v18;
	v51 =	vadd.f32 v38, v17;
	v3 =	vmul.f32 v5, v3  }
0xd9: {  	v7 =	vmul.f32 v40, v41;
	v2 =	vsub.f32 v2, v1;
	(erf) = vrcp.f32 v4  }
0xda: {  	v52 =	vsub.f32 v51, v3  }
0xdb: {  	v53 =	vsub.f32 v6, v7;
	(erf) = vrcp.f32 v2  }
0xdc: {  	(erf) = vrcp.f32 v52  }
0xdd: {  	(erf) = vrcp.f32 v53;
	_ =	sdelay $0x2  }
0xde: {  	v2 =	vld [tilespmem:s17+$0x0];
	_ =	sdelay $0x1  }
0xdf: {  	v54 =	vpop (erf)  }
0xe0: {  	v4 =	vmul.f32 v54, v37  }
0xe1: {  	v55 =	vpop (erf)  }
0xe2: {  	v56 =	vld [tilespmem:s13+$0x0];
	vm3 =	vgt.f32 v4, v2;
	v1 =	vmul.f32 v55, v1;
	v57 =	vpop (erf)  }
0xe3: {  	v2 =	vsel vm3, v4, v2;
	v8 =	vpop (erf)  }
0xe4: {  	vm4 =	vgt.f32 v1, v2;
	v7 =	vmul.f32 v8, v7  }
0xe5: {  	v2 =	vsel vm4, v1, v2  }
0xe6: {  	v3 =	vmul.f32 v57, v3;
	vm5 =	vgt.f32 v7, v2  }
0xe7: {  	v58 =	vsel vm3, v21, v56;
	v2 =	vsel vm5, v7, v2  }
0xe8: {  	vm10 =	vgt.f32 v33, v27;
	v5 =	vsel vm4, v22, v58;
	vm11 =	vgt.f32 v3, v2  }
0xe9: {  	v59 =	vsel vm10, v33, v27;
	v5 =	vsel vm5, v23, v5;
	v2 =	vsel vm11, v3, v2  }
0xea: {  	vm12 =	vgt.f32 v4, v59;
	v5 =	vsel vm11, v24, v5;
	[tilespmem:s17+$0x0] =	vst v2  }
0xeb: {  	v60 =	vsel vm2, v35, v25;
	s9 =	sadd.s32 $0x1, s15;
	v4 =	vsel vm12, v4, v59;
	v2 =	vsel vm10, s15, v28;
	[tilespmem:s13+$0x0] =	vst v5  }
0xec: {  	vm13 =	vgt.f32 v1, v60;
	v2 =	vsel vm12, s9, v2;
	[tilespmem:s8+$0x3C00] =	vst v4  }
0xed: {  	v61 =	vsel vm2, s15, v29;
	v62 =	vsel vm0, v34, v30;
	s7 =	sadd.s32 $0x1, s7;
	v1 =	vsel vm13, v1, v60;
	[tilespmem:s8+$0x4100] =	vst v2  }
0xee: {  	p0 =	sne.s32 s7, $0x14;
	vm14 =	vgt.f32 v7, v62;
	v2 =	vsel vm13, s9, v61;
	[tilespmem:s12+$0x3C00] =	vst v1  }
.Ltmp3:
0xef: {  	v63 =	vsel vm1, v36, v32;
	v5 =	vsel vm14, v7, v62;
	v1 =	vsel vm0, s15, v26;
	[tilespmem:s12+$0x4100] =	vst v2;
	(pc) =	sbr.rel @p0 .LBB2_5-.Ltmp3, $4  }
0xf0: {  	vm15 =	vgt.f32 v3, v63;
	v1 =	vsel vm14, s9, v1;
	[tilespmem:s10+$0x3C00] =	vst v5  }
0xf1: {  	v3 =	vsel vm15, v3, v63;
	v2 =	vsel vm1, s15, v31;
	[tilespmem:s10+$0x4100] =	vst v1  }
0xf2: {  	v1 =	vsel vm15, s9, v2;
	[tilespmem:s11+$0x3C00] =	vst v3  }
0xf3: {  	[tilespmem:s11+$0x4100] =	vst v1  }
0xf4: {  	s7 =	sshll.u32 s3, $0xA  }
0xf5: {  	s9 =	simm.s32 $0x4B00;
	s28 =	simm.s32 $0x1;
	s8 =	sadd.s32 s7, s6  }
0xf6: {  	[spmem:s8] =	stream.linear.scatter [tilespmem:s9], [sflag:$0x1], $0x400, $0x38;
	[tilespmem:$0xDC20] =	vst v63  }
0xf7: {  	_ =	swait.ge [sflag:s28], $0x400  }
0xf8: {  	[sflag:s28] =	ssyncset.done $0x0  }
0xf9: {  	s29 =	simm.s32 $0x4F00;
	s7 =	sadd.s32 s7, s5;
	[sflag:s28] =	ssyncadd.s32 $0xFFFFFC00  }
0xfa: {  	[spmem:s7] =	stream.linear.scatter [tilespmem:s29], [sflag:$0x1], $0x400, $0x38;
	[tilespmem:$0xDC20] =	vst v63  }
0xfb: {  	v0 =	vimm.s32 $0xEFCDAB89;
	v1 =	vimm.s32 $0x67452301;
	_ =	swait.ge [sflag:s28], $0x400  }
0xfc: {  	v2 =	vimm.s32 $0xDCFE98BA;
	v3 =	vimm.s32 $0x54761032;
	v4 =	vimm.s32 $0xBA98FEDC;
	[sflag:s28] =	ssyncset.done $0x0  }
0xfd: {  	v5 =	vimm.s32 $0x32107654;
	v6 =	vimm.s32 $0xFEDCBA98;
	[sflag:s28] =	ssyncadd.s32 $0xFFFFFC00  }
0xfe: {  	s30 =	simm.s32 $0x5300;
	v7 =	vimm.s32 $0x76543210;
	v0 =	vunpack.c.l.s4.s8 v0;
	v1 =	vunpack.c.l.s4.s8 v1;
	[bflag:$0x0] =	sbarrier.arrive $0xFFFF  }
0xff: {  	v2 =	vunpack.c.l.s4.s8 v2;
	v3 =	vunpack.c.l.s4.s8 v3;
	v4 =	vunpack.c.l.s4.s8 v4;
	[tilespmem:s30], [sflag:$0x1] =	stream.linear.gather [spmem:s6], $0x4000, $0x38;
	[tilespmem:$0xDC20] =	vst v63  }
0x100: {  	v5 =	vunpack.c.l.s4.s8 v5;
	v6 =	vunpack.c.l.s4.s8 v6;
	v7 =	vunpack.c.l.s4.s8 v7;
	_ =	swait.ge [sflag:s28], $0x4000  }
0x101: {  	v0 =	vunpack.c.0.s8.s32 v0;
	v1 =	vunpack.c.0.s8.s32 v1;
	v2 =	vunpack.c.0.s8.s32 v2;
	[sflag:s28] =	ssyncset.done $0x0  }
0x102: {  	s31 =	simm.s32 $0x9300;
	v3 =	vunpack.c.0.s8.s32 v3;
	v4 =	vunpack.c.0.s8.s32 v4;
	v5 =	vunpack.c.0.s8.s32 v5;
	[sflag:s28] =	ssyncadd.s32 $0xFFFFC000  }
0x103: {  	v0 =	vcombine.low v1, v0;
	v1 =	vunpack.c.0.s8.s32 v6;
	[tilespmem:s31], [sflag:$0x1] =	stream.linear.gather [spmem:s5], $0x4000, $0x38;
	[tilespmem:$0xDC20] =	vst v63  }
0x104: {  	v2 =	vcombine.low v3, v2;
	v3 =	vcombine.low v5, v4;
	v4 =	vunpack.c.0.s8.s32 v7;
	_ =	swait.ge [sflag:s28], $0x4000  }
0x105: {  	s7 =	simm.s32 $0x5F00;
	v0 =	vand.u32 $0xF, v0;
	v5 =	vand.u32 $0xF, v1;
	[sflag:s28] =	ssyncset.done $0x0  }
0x106: {  	v1 =	vand.u32 $0xF, v2;
	v2 =	vand.u32 $0xF, v3;
	v3 =	vcombine.low v5, v4;
	s6 =	simm.s32 $0x9F00;
	s5 =	simm.s32 $0x0;
	[sflag:s28] =	ssyncadd.s32 $0xFFFFC000  }
.LBB2_9:
0x107: {  	v6 =	vld [tilespmem:s7+$0xFFFFF800]  }
0x108: {  	s8 =	sshll.u32 s5, $0x4;
	v7 =	vld [tilespmem:s6+$0xFFFFF800]  }
0x109: {  	v4 =	vld [tilespmem:s8+$0x5300]  }
0x10a: {  	v5 =	vld [tilespmem:s8+$0x9300];
	_ =	sdelay $0x2  }
0x10b: {  	v8 =	vld [tilespmem:s7+$0xFFFFFC00]  }
0x10c: {  	v9 =	vld [tilespmem:s6+$0xFFFFFC00]  }
0x10d: {  	vm0 =	veq.f32 v6, v4;
	vm1 =	vlt.s32 v7, v5  }
0x10e: {  	vm2 =	vgt.f32 v6, v4;
	vm0 =	vmand vm0, vm1  }
0x10f: {  	v10 =	vld [tilespmem:s7+$0x0];
	vm0 =	vmor vm2, vm0  }
0x110: {  	v11 =	vld [tilespmem:s6+$0x0];
	v6 =	vsel vm0, v6, v4;
	v5 =	vsel vm0, v7, v5  }
0x111: {  	vm0 =	veq.f32 v8, v6;
	vm1 =	vlt.s32 v9, v5  }
0x112: {  	vm2 =	vgt.f32 v8, v6;
	vm0 =	vmand vm0, vm1  }
0x113: {  	vm0 =	vmor vm2, vm0  }
0x114: {  	v4 =	vld [tilespmem:s7+$0x400];
	v6 =	vsel vm0, v8, v6;
	v5 =	vsel vm0, v9, v5  }
0x115: {  	v7 =	vld [tilespmem:s6+$0x400];
	vm0 =	veq.f32 v10, v6;
	vm1 =	vlt.s32 v11, v5  }
0x116: {  	vm2 =	vgt.f32 v10, v6;
	vm0 =	vmand vm0, vm1  }
0x117: {  	vm0 =	vmor vm2, vm0  }
0x118: {  	v8 =	vsel vm0, v10, v6;
	v6 =	vld [tilespmem:s7+$0x800]  }
0x119: {  	v9 =	vsel vm0, v11, v5;
	v5 =	vld [tilespmem:s6+$0x800]  }
0x11a: {  	vm1 =	veq.f32 v4, v8;
	vm2 =	vlt.s32 v7, v9  }
0x11b: {  	s9 =	simm.s32 $0x1;
	s10 =	sadd.s32 $0x1400, s7;
	s11 =	smov.u32 s6;
	vm0 =	vgt.f32 v4, v8;
	vm1 =	vmand vm1, vm2  }
.LBB2_10:
0x11c: {  	v10 =	vld [tilespmem:s10+$0xFFFFF800];
	vm0 =	vmor vm0, vm1;
	s11 =	sadd.s32 $0x1400, s11  }
0x11d: {  	s9 =	sadd.s32 $0x5, s9;
	v11 =	vld [tilespmem:s11+$0xFFFFF800];
	v4 =	vsel vm0, v4, v8;
	v7 =	vsel vm0, v7, v9  }
0x11e: {  	p0 =	slt.u32 s9, $0xB;
	vm0 =	veq.f32 v6, v4;
	vm1 =	vlt.s32 v5, v7  }
0x11f: {  	vm2 =	vgt.f32 v6, v4;
	vm0 =	vmand vm0, vm1  }
0x120: {  	v8 =	vld [tilespmem:s10+$0xFFFFFC00];
	vm0 =	vmor vm2, vm0  }
0x121: {  	v9 =	vld [tilespmem:s11+$0xFFFFFC00];
	v4 =	vsel vm0, v6, v4;
	v5 =	vsel vm0, v5, v7  }
0x122: {  	vm0 =	veq.f32 v10, v4;
	vm1 =	vlt.s32 v11, v5  }
0x123: {  	vm2 =	vgt.f32 v10, v4;
	vm0 =	vmand vm0, vm1  }
0x124: {  	vm0 =	vmor vm2, vm0;
	v12 =	vld [tilespmem:s10+$0x0]  }
0x125: {  	v6 =	vsel vm0, v10, v4;
	v5 =	vsel vm0, v11, v5;
	v10 =	vld [tilespmem:s11+$0x0]  }
0x126: {  	vm0 =	veq.f32 v8, v6;
	vm1 =	vlt.s32 v9, v5  }
0x127: {  	vm2 =	vgt.f32 v8, v6;
	vm0 =	vmand vm0, vm1  }
0x128: {  	vm0 =	vmor vm2, vm0;
	v4 =	vld [tilespmem:s10+$0x400]  }
0x129: {  	v8 =	vsel vm0, v8, v6;
	v5 =	vsel vm0, v9, v5;
	v7 =	vld [tilespmem:s11+$0x400]  }
0x12a: {  	vm0 =	veq.f32 v12, v8;
	vm1 =	vlt.s32 v10, v5  }
.Ltmp4:
0x12b: {  	vm2 =	vgt.f32 v12, v8;
	vm0 =	vmand vm0, vm1;
	(pc) =	sbr.rel @p0 .LBB2_10-.Ltmp4, $4  }
0x12c: {  	vm0 =	vmor vm2, vm0;
	v6 =	vld [tilespmem:s10+$0x800]  }
0x12d: {  	v8 =	vsel vm0, v12, v8;
	v9 =	vsel vm0, v10, v5;
	v5 =	vld [tilespmem:s11+$0x800]  }
0x12e: {  	vm1 =	veq.f32 v4, v8;
	vm2 =	vlt.s32 v7, v9  }
0x12f: {  	s10 =	sadd.s32 $0x1400, s10;
	vm0 =	vgt.f32 v4, v8;
	vm1 =	vmand vm1, vm2  }
0x130: {  	vm0 =	vmor vm0, vm1  }
0x131: {  	v4 =	vsel vm0, v4, v8;
	v7 =	vsel vm0, v7, v9  }
0x132: {  	vm13 =	veq.f32 v6, v4;
	vm14 =	vlt.s32 v5, v7  }
0x133: {  	vm2 =	vgt.f32 v6, v4;
	vm0 =	vmand vm13, vm14  }
0x134: {  	vm0 =	vmor vm2, vm0  }
0x135: {  	v4 =	vsel vm0, v6, v4  }
0x136: {  	v6 =	vperm.xlane v4, v0;
	_ =	sdelay $0x1  }
0x137: {  	v6 =	vmax.f32 v4, v6  }
0x138: {  	v63 =	vperm.xlane v6, v1;
	_ =	sdelay $0x1  }
0x139: {  	v6 =	vmax.f32 v6, v63  }
0x13a: {  	v8 =	vperm.xlane v6, v2;
	_ =	sdelay $0x1  }
0x13b: {  	v6 =	vmax.f32 v6, v8  }
0x13c: {  	v8 =	vperm.xlane v6, v3;
	_ =	sdelay $0x1  }
0x13d: {  	v6 =	vmax.f32 v6, v8  }
0x13e: {  	v5 =	vsel vm0, v5, v7;
	vm15 =	veq.f32 v4, v6  }
0x13f: {  	v4 =	vnsel vm15, $0x7FFFFFFF, v5  }
0x140: {  	v5 =	vperm.xlane v4, v0;
	_ =	sdelay $0x1  }
0x141: {  	vm0 =	vlt.s32 v4, v5  }
0x142: {  	v4 =	vsel vm0, v4, v5  }
0x143: {  	v5 =	vperm.xlane v4, v1;
	_ =	sdelay $0x1  }
0x144: {  	vm0 =	vlt.s32 v4, v5  }
0x145: {  	v4 =	vsel vm0, v4, v5  }
0x146: {  	v5 =	vperm.xlane v4, v2;
	_ =	sdelay $0x1  }
0x147: {  	s5 =	sadd.s32 $0x1, s5;
	vm0 =	vlt.s32 v4, v5  }
0x148: {  	p0 =	sne.s32 s5, $0x40;
	v4 =	vsel vm0, v4, v5  }
.Ltmp5:
0x149: {  	v5 =	vperm.xlane v4, v3;
	(pc) =	sbr.rel @p0 .LBB2_9-.Ltmp5, $4  }
0x14a: {  	_ = 	snop  }
0x14b: {  	vm0 =	vlt.s32 v4, v5  }
0x14c: {  	v4 =	vsel vm0, v4, v5  }
0x14d: {  	s6 =	sadd.s32 $0x10, s6;
	s7 =	sadd.s32 $0x10, s7;
	[tilespmem:s8+$0x4F00] =	vst v4  }
0x14e: {  	v0 =	vimm.f32 $0.0e+00;
	s5 =	simm.s32 $0x40;
	s6 =	simm.s32 $0x0  }
.LBB2_13:
0x14f: {  	p0 =	sne.s32 s5, $0x13C0;
	[tilespmem:s6+$0x4600] =	vst v0;
	s6 =	smov.u32 s5;
	s5 =	sadd.s32 $0x40, s5  }
.Ltmp6:
0x150: {  	(pc) =	sbr.rel @p0 .LBB2_13-.Ltmp6, $2  }
0x151: {  	_ =	sdelay $0x2  }
0x152: {  	s6 =	sshra.s32 s6, $0x2  }
0x153: {  	[tilespmem:s6+$0x4600] =	vst v0;
	s7 =	simm.s32 $0x4F00  }
0x154: {  	s5 =	simm.s32 $0x0;
	v2 =	vld [tilespmem:s7+$0x0]  }
0x155: {  	v1 =	vmov s4;
	vm0 =	vmmov $0x1;
	s4 =	simm.s32 $0x4100;
	v0 =	vimm.f32 $1.000000000e+00;
	s6 =	simm.s32 $0x4600;
	s8 =	simm.s32 $0x1  }
.LBB2_15:
0x156: {  	p0 =	sne.s32 s8, $0x3F;
	_ =	sdelay $0x2  }
0x157: {  	v3 =	vsub.s32 v2, v1  }
0x158: {  	vm1 =	vlt.u32 v3, $0x500  }
0x159: {  	v2 =	vand.u32 $0x7F, v2;
	v3 =	vand.u32 $0xFFFFFF80, v3;
	vm1 =	vmand vm1, vm0  }
0x15a: {  	v2 =	vor.u32 v2, v3;
	_ =	sdelay $0x3  }
.Ltmp7:
0x15b: {  	v3 =	vmov s5;
	s5 =	smov.u32 s8;
	(pc) =	sbr.rel @p0 .LBB2_15-.Ltmp7, $4  }
0x15c: {  	[tilespmem:v2+s4+$0x0] =	vst.idx.msk vm1, v3  }
0x15d: {  	s7 =	sadd.s32 $0x10, s7;
	[tilespmem:v2+s6+$0x0] =	vst.idx.msk vm1, v0  }
0x15e: {  	v2 =	vld [tilespmem:s7+$0x0]  }
0x15f: {  	s8 =	sadd.s32 $0x1, s8  }
0x160: {  	_ =	sdelay $0x2  }
0x161: {  	v1 =	vsub.s32 v2, v1  }
0x162: {  	vm1 =	vlt.u32 v1, $0x500  }
0x163: {  	v2 =	vand.u32 $0x7F, v2;
	v1 =	vand.u32 $0xFFFFFF80, v1;
	vm0 =	vmand vm1, vm0  }
0x164: {  	v1 =	vor.u32 v2, v1;
	_ =	sdelay $0x3  }
0x165: {  	v2 =	vmov s5  }
0x166: {  	[tilespmem:v1+s4+$0x0] =	vst.idx.msk vm0, v2  }
0x167: {  	s29 =	simm.s32 $0x4110;
	[tilespmem:v1+s6+$0x0] =	vst.idx.msk vm0, v0  }
0x168: {  	s30 =	simm.s32 $0x0;
	v2 =	vld [tilespmem:s29+$0xFFFFFFF0]  }
0x169: {  	v4 =	vld [tilespmem:s30+$0xF10]  }
0x16a: {  	v7 =	vld [tilespmem:s30+$0x0]  }
0x16b: {  	v5 =	vld [tilespmem:s30+$0xA10]  }
0x16c: {  	v0 =	vlaneseq.u32;
	v6 =	vld [tilespmem:s29+$0x0]  }
0x16d: {  	v8 =	vld [tilespmem:s30+$0x10];
	v1 =	vor.u32 $0x800, v0;
	v10 =	vshll.u32 v2, $0x4  }
0x16e: {  	s9 =	sand.u32 $0x7E0, s30;
	v9 =	vld [tilespmem:s30+$0x510];
	v11 =	vadd.s32 v1, v10  }
0x16f: {  	v12 =	vld [tilespmem:s9+$0xA00];
	v2 =	vor.u32 $0xC00, v0;
	v13 =	vor.u32 v0, v10  }
0x170: {  	v3 =	vor.u32 $0x400, v0;
	v15 =	vld [tilespmem:s9+$0x500];
	v14 =	vadd.s32 v2, v10  }
0x171: {  	v16 =	vld [tilespmem:s9+$0xF00];
	v6 =	vshll.u32 v6, $0x4;
	v10 =	vadd.s32 v3, v10  }
0x172: {  	s4 =	simm.s32 $0x2800;
	v17 =	vor.u32 v0, v6  }
0x173: {  	v21 =	vadd.s32 v1, v6;
	v11 =	vld.idx.msk [tilespmem:v11+s4+$0x0], $0xffff  }
0x174: {  	v5 =	vsub.f32 v5, v8;
	v13 =	vld.idx.msk [tilespmem:v13+s4+$0x0], $0xffff  }
0x175: {  	v4 =	vsub.f32 v4, v9;
	v14 =	vld.idx.msk [tilespmem:v14+s4+$0x0], $0xffff  }
0x176: {  	v12 =	vsub.f32 v12, v7;
	v16 =	vsub.f32 v16, v15;
	v19 =	vmax.f32 v5, $1.192092900e-07;
	v10 =	vld.idx.msk [tilespmem:v10+s4+$0x0], $0xffff  }
0x177: {  	v18 =	vadd.s32 v3, v6;
	v20 =	vmax.f32 v4, $1.192092900e-07;
	(erf) = vrcp.f32 v19;
	v17 =	vld.idx.msk [tilespmem:v17+s4+$0x0], $0xffff  }
0x178: {  	v4 =	vmul.f32 $5.000000000e-01, v4;
	v19 =	vmax.f32 v12, $1.192092900e-07;
	(erf) = vrcp.f32 v20;
	v21 =	vld.idx.msk [tilespmem:v21+s4+$0x0], $0xffff  }
0x179: {  	s31 =	simm.s32 $0x3C10;
	v20 =	vadd.s32 v2, v6;
	v6 =	vmax.f32 v16, $1.192092900e-07;
	v16 =	vmul.f32 $5.000000000e-01, v16  }
0x17a: {  	(erf) = vrcp.f32 v19;
	v19 =	vld [tilespmem:s31+$0x0]  }
0x17b: {  	s5 =	simm.s32 $0x4610;
	v9 =	vadd.f32 v4, v9;
	v15 =	vadd.f32 v16, v15;
	v16 =	vmul.f32 $5.000000000e-01, v5  }
0x17c: {  	v22 =	vld [tilespmem:s5+$0x0];
	v4 =	vmul.f32 $5.000000000e-01, v12;
	v11 =	vsub.f32 v11, v13;
	v14 =	vsub.f32 v14, v10  }
0x17d: {  	v18 =	vld.idx.msk [tilespmem:v18+s4+$0x0], $0xffff;
	(erf) = vrcp.f32 v6;
	v8 =	vadd.f32 v16, v8;
	v16 =	vsub.f32 v21, v17  }
0x17e: {  	v20 =	vld.idx.msk [tilespmem:v20+s4+$0x0], $0xffff;
	v12 =	vmul.f32 $5.000000000e-01, v11;
	v23 =	vmul.f32 $5.000000000e-01, v14  }
0x17f: {  	v4 =	vadd.f32 v4, v7;
	vm0 =	vge.f32 v19, $6.999999880e-01;
	v19 =	vmul.f32 $5.000000000e-01, v16  }
0x180: {  	v24 =	vpop (erf);
	v7 =	vadd.f32 v12, v13;
	v10 =	vadd.f32 v23, v10  }
0x181: {  	v6 =	vimm.f32 $0.0e+00;
	v16 =	vmul.f32 v24, v16;
	v17 =	vadd.f32 v19, v17  }
0x182: {  	v5 =	vimm.s32 $0xFFFFFF81;
	v7 =	vsub.f32 v7, v4;
	v10 =	vsub.f32 v10, v15  }
0x183: {  	v12 =	vpop (erf);
	v15 =	vsub.f32 v20, v18;
	v4 =	vsel vm0, $0x3F800000, v22;
	v22 =	vand.u32 $0x7FFFFF, v16  }
0x184: {  	v16 =	vshrl.u32 v16, $0x17;
	v8 =	vsub.f32 v17, v8;
	v13 =	vpop (erf);
	v22 =	vor.u32 $0x3F800000, v22  }
0x185: {  	v16 =	vand.u32 $0xFF, v16;
	v11 =	vmul.f32 v13, v11;
	v23 =	vmul.f32 v12, v15  }
0x186: {  	v20 =	vpop (erf);
	v27 =	vmul.f32 $5.000000000e-01, v22;
	vm2 =	vgt.f32 v22, $1.414213540e+00;
	v15 =	vmul.f32 $5.000000000e-01, v15  }
0x187: {  	v8 =	vmul.f32 v8, v24;
	v14 =	vmul.f32 v20, v14;
	v21 =	vand.u32 $0x7FFFFF, v11  }
0x188: {  	v7 =	vmul.f32 v7, v13;
	v56 =	vsel vm2, $0xFFFFFF82, v5;
	v21 =	vor.u32 $0x3F800000, v21  }
0x189: {  	v10 =	vmul.f32 v10, v20;
	v26 =	vand.u32 $0x7FFFFF, v14;
	v25 =	vmul.f32 $5.000000000e-01, v21  }
0x18a: {  	v11 =	vshrl.u32 v11, $0x17;
	vm0 =	vgt.f32 v21, $1.414213540e+00;
	v26 =	vor.u32 $0x3F800000, v26  }
0x18b: {  	v28 =	vand.u32 $0x7FFFFF, v23;
	v21 =	vsel vm0, v25, v21;
	v25 =	vmul.f32 $5.000000000e-01, v26  }
0x18c: {  	v22 =	vsel vm2, v27, v22;
	vm1 =	vgt.f32 v26, $1.414213540e+00;
	v29 =	vadd.f32 $1.000000000e+00, v21  }
0x18d: {  	v23 =	vshrl.u32 v23, $0x17;
	v11 =	vand.u32 $0xFF, v11;
	v25 =	vsel vm1, v25, v26  }
0x18e: {  	v19 =	vsel vm0, $0xFFFFFF82, v5;
	v31 =	vadd.f32 $1.000000000e+00, v25;
	(erf) = vrcp.f32 v29  }
0x18f: {  	s7 =	simm.s32 $0x1400;
	v28 =	vor.u32 $0x3F800000, v28;
	v11 =	vadd.s32 v11, v19;
	v19 =	vadd.f32 $1.000000000e+00, v22  }
0x190: {  	v20 =	vld [tilespmem:s7+$0x0];
	v16 =	vadd.s32 v16, v56;
	v26 =	vmul.f32 $5.000000000e-01, v28;
	(erf) = vrcp.f32 v31  }
0x191: {  	v15 =	vadd.f32 v15, v18;
	vm3 =	vgt.f32 v28, $1.414213540e+00;
	(erf) = vrcp.f32 v19  }
0x192: {  	v14 =	vshrl.u32 v14, $0x17;
	v58 =	vcvt.s32.f32 v16;
	v26 =	vsel vm3, v26, v28;
	v19 =	vld [tilespmem:s9+$0x1900]  }
0x193: {  	v16 =	vld [tilespmem:s7+$0x10];
	v17 =	vand.u32 $0xFF, v23;
	v11 =	vcvt.s32.f32 v11;
	v57 =	vadd.f32 $1.000000000e+00, v26  }
0x194: {  	v14 =	vand.u32 $0xFF, v14;
	v13 =	vsub.f32 v15, v9;
	v27 =	vsel vm3, $0xFFFFFF82, v5  }
0x195: {  	v7 =	vsub.f32 v7, v20;
	v20 =	vld [tilespmem:s7+$0x510];
	v18 =	vadd.f32 $-1.000000000e+00, v21;
	(erf) = vrcp.f32 v57  }
0x196: {  	v30 =	vsel vm1, $0xFFFFFF82, v5;
	v17 =	vadd.s32 v17, v27;
	v12 =	vmul.f32 v13, v12  }
0x197: {  	v17 =	vcvt.s32.f32 v17;
	v15 =	vmul.f32 $6.931471820e-01, v11;
	v10 =	vsub.f32 v10, v19;
	v11 =	vpop (erf)  }
0x198: {  	v27 =	vld [tilespmem:s31+$0xFFFFFFF0];
	v14 =	vadd.s32 v14, v30;
	v8 =	vsub.f32 v8, v16;
	v16 =	vmul.f32 v11, v18  }
0x199: {  	v9 =	vmul.f32 $6.931471820e-01, v17;
	v17 =	vand.u32 $0x7FFFFFFF, v10;
	v10 =	vadd.f32 $-1.000000000e+00, v22;
	v18 =	vpop (erf)  }
0x19a: {  	v20 =	vsub.f32 v12, v20;
	v19 =	vand.u32 $0x7FFFFFFF, v8;
	v8 =	vmul.f32 v16, v16;
	v21 =	vpop (erf)  }
0x19b: {  	v14 =	vcvt.s32.f32 v14;
	v13 =	vadd.f32 $-1.000000000e+00, v26;
	v21 =	vmul.f32 v21, v10  }
0x19c: {  	v20 =	vand.u32 $0x7FFFFFFF, v20;
	v11 =	vadd.f32 $-1.000000000e+00, v25;
	v10 =	vmul.f32 $1.428571490e-01, v8  }
0x19d: {  	vm1 =	vge.f32 v27, $6.999999880e-01;
	v61 =	vmul.f32 $5.000000000e-01, v20;
	v25 =	vmul.f32 v21, v21  }
0x19e: {  	v33 =	vadd.f32 $-5.000000000e-01, v20;
	v18 =	vmul.f32 v18, v11;
	v26 =	vpop (erf);
	v11 =	vadd.f32 $2.000000030e-01, v10  }
0x19f: {  	vm3 =	vlt.f32 v20, $1.000000000e+00;
	v26 =	vmul.f32 v26, v13;
	v13 =	vmul.f32 $1.428571490e-01, v25  }
0x1a0: {  	v23 =	vadd.f32 $-5.000000000e-01, v19;
	v24 =	vmul.f32 $5.000000000e-01, v17;
	v11 =	vmul.f32 v11, v8  }
0x1a1: {  	vm2 =	vlt.f32 v17, $1.000000000e+00;
	v22 =	vadd.f32 $-5.000000000e-01, v17;
	v13 =	vadd.f32 $2.000000030e-01, v13  }
0x1a2: {  	v16 =	vadd.f32 v16, v16;
	v17 =	vmul.f32 v24, v17;
	v59 =	vadd.f32 $3.333333430e-01, v11  }
0x1a3: {  	v32 =	vmul.f32 v18, v18;
	v21 =	vadd.f32 v21, v21;
	v13 =	vmul.f32 v13, v25  }
0x1a4: {  	v10 =	vand.u32 $0x7FFFFFFF, v7;
	v60 =	vmul.f32 v26, v26;
	v8 =	vmul.f32 v59, v8  }
0x1a5: {  	v7 =	vmul.f32 $5.000000000e-01, v19;
	v34 =	vmul.f32 $1.428571490e-01, v32;
	v62 =	vadd.f32 $3.333333430e-01, v13  }
0x1a6: {  	v12 =	vmul.f32 $5.000000000e-01, v10;
	v27 =	vmul.f32 $1.428571490e-01, v60;
	v8 =	vadd.f32 $1.000000000e+00, v8  }
0x1a7: {  	vm0 =	vlt.f32 v10, $1.000000000e+00;
	v13 =	vmul.f32 $6.931471820e-01, v14;
	v25 =	vmul.f32 v62, v25  }
0x1a8: {  	v14 =	vadd.f32 $2.000000030e-01, v27;
	v27 =	vld [tilespmem:s9+$0x1E00];
	v8 =	vmul.f32 v8, v16;
	v16 =	vadd.f32 $2.000000030e-01, v34  }
0x1a9: {  	v7 =	vmul.f32 v7, v19;
	v11 =	vadd.f32 $-5.000000000e-01, v10;
	v24 =	vadd.f32 $1.000000000e+00, v25  }
0x1aa: {  	v25 =	vmul.f32 v14, v60;
	v8 =	vadd.f32 v8, v15;
	v15 =	vmul.f32 v16, v32  }
0x1ab: {  	v14 =	vmul.f32 v61, v20;
	v16 =	vadd.f32 v18, v18;
	v18 =	vmul.f32 v24, v21  }
0x1ac: {  	v63 =	vld [tilespmem:s7+$0xA10];
	v21 =	vmul.f32 $6.931471820e-01, v58;
	v25 =	vadd.f32 $3.333333430e-01, v25;
	v15 =	vadd.f32 $3.333333430e-01, v15  }
0x1ad: {  	v20 =	vsub.f32 v8, v27;
	v8 =	vsel vm3, v14, v33;
	v14 =	vsel vm2, v17, v22  }
0x1ae: {  	vm2 =	vlt.f32 v19, $1.000000000e+00;
	v27 =	vadd.f32 v18, v21;
	v18 =	vadd.f32 v26, v26  }
0x1af: {  	v17 =	vld [tilespmem:s5+$0xFFFFFFF0];
	v23 =	vsel vm2, v7, v23;
	v24 =	vmul.f32 v15, v32;
	v20 =	vand.u32 $0x7FFFFFFF, v20  }
0x1b0: {  	s8 =	simm.s32 $0x20;
	s10 =	simm.s32 $0x4130;
	s11 =	simm.s32 $0x20;
	v19 =	vld [tilespmem:s9+$0x2300];
	v26 =	vmul.f32 v25, v60;
	v22 =	vmul.f32 $5.000000000e-01, v20;
	v21 =	vadd.f32 $-5.000000000e-01, v20  }
0x1b1: {  	s6 =	simm.s32 $0x0;
	s9 =	simm.s32 $0x3C30;
	v7 =	vimm.f32 $0.0e+00;
	v15 =	vld [tilespmem:s7+$0xF10];
	s7 =	simm.s32 $0x1420;
	v25 =	vsub.f32 v27, v63;
	v24 =	vadd.f32 $1.000000000e+00, v24  }
.LBB2_17:
0x1b2: {  	v27 =	vld [tilespmem:s10+$0xFFFFFFF0];
	s12 =	sand.u32 $0x7E0, s11;
	s6 =	sadd.s32 $0x2, s6;
	v10 =	vmul.f32 v12, v10;
	v12 =	vmul.f32 v22, v20;
	v22 =	vadd.f32 v8, v23;
	s5 =	sadd.s32 $0x20, s5  }
0x1b3: {  	vm2 =	vlt.f32 v20, $1.000000000e+00;
	v8 =	vld [tilespmem:s9+$0xFFFFFFF0];
	p0 =	slt.u32 s6, $0x4E;
	v20 =	vadd.f32 $1.000000000e+00, v26;
	v23 =	vand.u32 $0x7FFFFFFF, v25  }
0x1b4: {  	v16 =	vmul.f32 v24, v16;
	v25 =	vld [tilespmem:s8+$0xF10];
	v12 =	vsel vm2, v12, v21;
	v21 =	vmul.f32 $5.000000000e-01, v23  }
0x1b5: {  	v10 =	vsel vm0, v10, v11;
	v24 =	vld [tilespmem:s8+$0x0];
	v17 =	vsel vm1, $0x3F800000, v17;
	v11 =	vmul.f32 v20, v18  }
0x1b6: {  	vm0 =	vlt.f32 v23, $1.000000000e+00;
	v13 =	vadd.f32 v16, v13;
	v18 =	vld [tilespmem:s8+$0x510];
	v16 =	vmul.f32 v21, v23  }
0x1b7: {  	v20 =	vshll.u32 v27, $0x4;
	v21 =	vld [tilespmem:s8+$0xA10];
	v9 =	vadd.f32 v11, v9;
	v11 =	vadd.f32 $-5.000000000e-01, v23  }
0x1b8: {  	v6 =	vadd.f32 v17, v6;
	v23 =	vor.u32 v0, v20;
	v26 =	vadd.s32 v1, v20;
	v27 =	vld [tilespmem:s8+$0x10]  }
0x1b9: {  	v13 =	vsub.f32 v13, v19;
	v28 =	vadd.s32 v3, v20;
	v20 =	vadd.s32 v2, v20;
	v29 =	vld [tilespmem:s10+$0x0]  }
0x1ba: {  	v10 =	vadd.f32 v14, v10;
	v11 =	vsel vm0, v16, v11;
	v9 =	vsub.f32 v9, v15;
	v19 =	vld [tilespmem:s12+$0xA00]  }
0x1bb: {  	v13 =	vand.u32 $0x7FFFFFFF, v13;
	v11 =	vadd.f32 v11, v22;
	v14 =	vld [tilespmem:s12+$0x500];
	v15 =	vsub.f32 v25, v18  }
0x1bc: {  	v22 =	vmul.f32 $5.000000000e-01, v13;
	v25 =	vadd.f32 $-5.000000000e-01, v13;
	v30 =	vand.u32 $0x7FFFFFFF, v9;
	v16 =	vld [tilespmem:s12+$0xF00]  }
0x1bd: {  	vm0 =	vlt.f32 v13, $1.000000000e+00;
	v26 =	vld.idx.msk [tilespmem:v26+s4+$0x0], $0xffff;
	v9 =	vmul.f32 $5.000000000e-01, v15;
	v15 =	vmax.f32 v15, $1.192092900e-07  }
0x1be: {  	v10 =	vadd.f32 v12, v10;
	v21 =	vsub.f32 v21, v27;
	v23 =	vld.idx.msk [tilespmem:v23+s4+$0x0], $0xffff;
	v29 =	vshll.u32 v29, $0x4  }
0x1bf: {  	vm1 =	vlt.f32 v30, $1.000000000e+00;
	v12 =	vld.idx.msk [tilespmem:v20+s4+$0x0], $0xffff;
	v19 =	vsub.f32 v19, v24;
	v20 =	vor.u32 v0, v29  }
0x1c0: {  	v33 =	vadd.f32 $-5.000000000e-01, v30;
	v31 =	vadd.s32 v3, v29;
	v32 =	vmax.f32 v21, $1.192092900e-07  }
0x1c1: {  	v13 =	vmul.f32 v22, v13;
	v28 =	vld.idx.msk [tilespmem:v28+s4+$0x0], $0xffff;
	v34 =	vmax.f32 v19, $1.192092900e-07;
	(erf) = vrcp.f32 v32  }
0x1c2: {  	v22 =	vadd.s32 v1, v29;
	(erf) = vrcp.f32 v15;
	v15 =	vmul.f32 $5.000000000e-01, v30  }
0x1c3: {  	v13 =	vsel vm0, v13, v25;
	v29 =	vadd.s32 v2, v29;
	v16 =	vsub.f32 v16, v14  }
0x1c4: {  	v9 =	vadd.f32 v9, v18;
	v20 =	vld.idx.msk [tilespmem:v20+s4+$0x0], $0xffff;
	(erf) = vrcp.f32 v34;
	v15 =	vmul.f32 v15, v30  }
0x1c5: {  	v10 =	vadd.f32 v13, v10;
	v18 =	vmul.f32 $5.000000000e-01, v16;
	v16 =	vmax.f32 v16, $1.192092900e-07;
	v25 =	vld.idx.msk [tilespmem:v31+s4+$0x0], $0xffff  }
0x1c6: {  	v13 =	vsub.f32 v26, v23;
	v26 =	vld [tilespmem:s9+$0x0];
	(erf) = vrcp.f32 v16;
	v15 =	vsel vm1, v15, v33  }
0x1c7: {  	v10 =	vmul.f32 v10, v17;
	v14 =	vadd.f32 v18, v14;
	v16 =	vmul.f32 $5.000000000e-01, v19;
	v18 =	vld.idx.msk [tilespmem:v22+s4+$0x0], $0xffff  }
0x1c8: {  	v17 =	vmul.f32 $5.000000000e-01, v13;
	v12 =	vsub.f32 v12, v28;
	v11 =	vadd.f32 v15, v11;
	v19 =	vld.idx.msk [tilespmem:v29+s4+$0x0], $0xffff  }
0x1c9: {  	v7 =	vadd.f32 v10, v7;
	v15 =	vadd.f32 v16, v24;
	v16 =	vmul.f32 $5.000000000e-01, v21  }
0x1ca: {  	v10 =	vadd.f32 v17, v23;
	v17 =	vmul.f32 $5.000000000e-01, v12;
	v11 =	vmul.f32 v11, v4;
	v21 =	vld [tilespmem:s5+$0x0];
	v22 =	vpop (erf)  }
0x1cb: {  	v6 =	vadd.f32 v4, v6;
	v16 =	vadd.f32 v16, v27;
	vm0 =	vge.f32 v26, $6.999999880e-01;
	v23 =	vpop (erf)  }
0x1cc: {  	v4 =	vadd.f32 v17, v28;
	v7 =	vadd.f32 v11, v7  }
0x1cd: {  	v10 =	vsub.f32 v10, v15;
	v11 =	vsub.f32 v18, v20;
	v15 =	vpop (erf)  }
0x1ce: {  	v14 =	vsub.f32 v4, v14;
	v17 =	vsub.f32 v19, v25;
	v13 =	vmul.f32 v15, v13  }
0x1cf: {  	v18 =	vmul.f32 $5.000000000e-01, v11;
	v11 =	vmul.f32 v22, v11;
	v4 =	vsel vm0, $0x3F800000, v21;
	v19 =	vpop (erf)  }
0x1d0: {  	v21 =	vshrl.u32 v13, $0x17;
	v13 =	vand.u32 $0x7FFFFF, v13;
	v12 =	vmul.f32 v19, v12  }
0x1d1: {  	v26 =	vmul.f32 v23, v17;
	v24 =	vand.u32 $0x7FFFFF, v11;
	v13 =	vor.u32 $0x3F800000, v13  }
0x1d2: {  	v11 =	vshrl.u32 v11, $0x17;
	v27 =	vmul.f32 $5.000000000e-01, v13;
	v28 =	vand.u32 $0x7FFFFF, v12  }
0x1d3: {  	v24 =	vor.u32 $0x3F800000, v24;
	vm0 =	vgt.f32 v13, $1.414213540e+00;
	v12 =	vshrl.u32 v12, $0x17  }
0x1d4: {  	v30 =	vand.u32 $0x7FFFFF, v26;
	v29 =	vmul.f32 $5.000000000e-01, v24;
	v28 =	vor.u32 $0x3F800000, v28  }
0x1d5: {  	v30 =	vor.u32 $0x3F800000, v30;
	v13 =	vsel vm0, v27, v13;
	v27 =	vmul.f32 $5.000000000e-01, v28  }
0x1d6: {  	vm2 =	vgt.f32 v24, $1.414213540e+00;
	vm3 =	vgt.f32 v30, $1.414213540e+00;
	vm1 =	vgt.f32 v28, $1.414213540e+00  }
0x1d7: {  	v24 =	vsel vm2, v29, v24;
	v29 =	vsel vm3, $0xFFFFFF82, v5;
	v31 =	vadd.f32 $1.000000000e+00, v13  }
0x1d8: {  	v26 =	vshrl.u32 v26, $0x17;
	v27 =	vsel vm1, v27, v28;
	v28 =	vmul.f32 $5.000000000e-01, v30  }
0x1d9: {  	v18 =	vadd.f32 v18, v20;
	v32 =	vsel vm1, $0xFFFFFF82, v5;
	v33 =	vadd.f32 $1.000000000e+00, v27  }
0x1da: {  	v20 =	vand.u32 $0xFF, v21;
	v21 =	vsel vm0, $0xFFFFFF82, v5;
	v12 =	vand.u32 $0xFF, v12  }
0x1db: {  	v20 =	vadd.s32 v20, v21;
	v12 =	vadd.s32 v12, v32;
	(erf) = vrcp.f32 v31  }
0x1dc: {  	v20 =	vcvt.s32.f32 v20;
	v21 =	vadd.f32 $1.000000000e+00, v24;
	v28 =	vsel vm3, v28, v30  }
0x1dd: {  	v11 =	vand.u32 $0xFF, v11;
	v30 =	vsel vm2, $0xFFFFFF82, v5;
	(erf) = vrcp.f32 v33  }
0x1de: {  	v11 =	vadd.s32 v11, v30;
	v31 =	vcvt.s32.f32 v12;
	v12 =	vld [tilespmem:s12+$0x1900];
	(erf) = vrcp.f32 v21  }
0x1df: {  	v17 =	vmul.f32 $5.000000000e-01, v17;
	v21 =	vcvt.s32.f32 v11;
	v11 =	vadd.f32 $1.000000000e+00, v28;
	v30 =	vld [tilespmem:s7+$0x10]  }
0x1e0: {  	v14 =	vmul.f32 v14, v19;
	v16 =	vsub.f32 v18, v16;
	v18 =	vand.u32 $0xFF, v26  }
0x1e1: {  	v19 =	vadd.f32 v17, v25;
	v18 =	vadd.s32 v18, v29;
	(erf) = vrcp.f32 v11  }
0x1e2: {  	v16 =	vmul.f32 v16, v22;
	v18 =	vcvt.s32.f32 v18;
	v11 =	vadd.f32 $-1.000000000e+00, v13;
	v13 =	vld [tilespmem:s7+$0x0]  }
0x1e3: {  	v10 =	vmul.f32 v10, v15;
	v12 =	vsub.f32 v14, v12;
	v14 =	vsub.f32 v19, v9  }
0x1e4: {  	v15 =	vmul.f32 $6.931471820e-01, v20;
	v9 =	vmul.f32 $6.931471820e-01, v18;
	v20 =	vsub.f32 v16, v30;
	v17 =	vpop (erf)  }
0x1e5: {  	v17 =	vmul.f32 v17, v11;
	v11 =	vadd.f32 $-1.000000000e+00, v27;
	v18 =	vand.u32 $0x7FFFFFFF, v12  }
0x1e6: {  	v12 =	vadd.f32 $-1.000000000e+00, v24;
	vm2 =	vlt.f32 v18, $1.000000000e+00;
	v19 =	vand.u32 $0x7FFFFFFF, v20;
	v16 =	vpop (erf)  }
0x1e7: {  	v20 =	vmul.f32 v17, v17;
	v10 =	vsub.f32 v10, v13;
	v13 =	vld [tilespmem:s7+$0x510];
	v24 =	vadd.f32 $-5.000000000e-01, v19;
	v22 =	vpop (erf)  }
0x1e8: {  	v14 =	vmul.f32 v14, v23;
	v25 =	vadd.f32 $-5.000000000e-01, v18;
	v22 =	vmul.f32 v22, v12  }
0x1e9: {  	v26 =	vadd.f32 $-1.000000000e+00, v28;
	v23 =	vmul.f32 $5.000000000e-01, v18;
	v12 =	vmul.f32 $1.428571490e-01, v20  }
0x1ea: {  	v16 =	vmul.f32 v16, v11;
	v10 =	vand.u32 $0x7FFFFFFF, v10;
	v27 =	vmul.f32 v22, v22;
	v11 =	vpop (erf)  }
0x1eb: {  	v28 =	vmul.f32 $5.000000000e-01, v19;
	v12 =	vadd.f32 $2.000000030e-01, v12;
	v26 =	vmul.f32 v11, v26  }
0x1ec: {  	vm0 =	vlt.f32 v10, $1.000000000e+00;
	v29 =	vmul.f32 $1.428571490e-01, v27;
	v13 =	vsub.f32 v14, v13  }
0x1ed: {  	v11 =	vadd.f32 $-5.000000000e-01, v10;
	v14 =	vmul.f32 v12, v20;
	v12 =	vmul.f32 $5.000000000e-01, v10  }
0x1ee: {  	v28 =	vmul.f32 v28, v19;
	v29 =	vadd.f32 $2.000000030e-01, v29;
	v30 =	vand.u32 $0x7FFFFFFF, v13  }
0x1ef: {  	v32 =	vmul.f32 v26, v26;
	v13 =	vadd.f32 $3.333333430e-01, v14;
	v14 =	vmul.f32 $5.000000000e-01, v30  }
0x1f0: {  	v33 =	vmul.f32 v16, v16;
	v34 =	vadd.f32 $-5.000000000e-01, v30;
	v29 =	vmul.f32 v29, v27  }
0x1f1: {  	vm1 =	vge.f32 v8, $6.999999880e-01;
	v8 =	vmul.f32 v13, v20;
	v20 =	vmul.f32 $1.428571490e-01, v32  }
0x1f2: {  	v17 =	vadd.f32 v17, v17;
	v13 =	vmul.f32 $6.931471820e-01, v31;
	v29 =	vadd.f32 $3.333333430e-01, v29  }
0x1f3: {  	v31 =	vmul.f32 $1.428571490e-01, v33;
	v8 =	vadd.f32 $1.000000000e+00, v8;
	v20 =	vadd.f32 $2.000000030e-01, v20  }
0x1f4: {  	v18 =	vmul.f32 v23, v18;
	v22 =	vadd.f32 v22, v22;
	v35 =	vld [tilespmem:s12+$0x1E00];
	v23 =	vmul.f32 v29, v27  }
0x1f5: {  	v16 =	vadd.f32 v16, v16;
	v8 =	vmul.f32 v8, v17;
	v17 =	vadd.f32 $2.000000030e-01, v31  }
0x1f6: {  	v14 =	vmul.f32 v14, v30;
	v27 =	vmul.f32 v20, v32;
	v23 =	vadd.f32 $1.000000000e+00, v23  }
0x1f7: {  	vm3 =	vlt.f32 v30, $1.000000000e+00;
	v15 =	vadd.f32 v8, v15;
	v17 =	vmul.f32 v17, v33  }
0x1f8: {  	v21 =	vmul.f32 $6.931471820e-01, v21;
	v8 =	vsel vm3, v14, v34;
	v20 =	vmul.f32 v23, v22;
	v29 =	vld [tilespmem:s7+$0xA10]  }
.Ltmp8:
0x1f9: {  	v14 =	vsel vm2, v18, v25;
	v17 =	vadd.f32 $3.333333430e-01, v17;
	v15 =	vsub.f32 v15, v35;
	(pc) =	sbr.rel @p0 .LBB2_17-.Ltmp8, $4  }
0x1fa: {  	v18 =	vadd.f32 v26, v26;
	vm2 =	vlt.f32 v19, $1.000000000e+00;
	v25 =	vadd.f32 v20, v21  }
0x1fb: {  	v26 =	vadd.f32 $3.333333430e-01, v27;
	v19 =	vmul.f32 v17, v33;
	v20 =	vand.u32 $0x7FFFFFFF, v15;
	v15 =	vld [tilespmem:s7+$0xF10]  }
0x1fc: {  	s8 =	sadd.s32 $0x20, s8;
	v23 =	vsel vm2, v28, v24;
	s7 =	sadd.s32 $0x20, s7;
	v17 =	vld [tilespmem:s5+$0xFFFFFFF0];
	v22 =	vmul.f32 $5.000000000e-01, v20;
	v21 =	vadd.f32 $-5.000000000e-01, v20  }
0x1fd: {  	s11 =	sadd.s32 $0x20, s11;
	s10 =	sadd.s32 $0x20, s10;
	s9 =	sadd.s32 $0x20, s9;
	v26 =	vmul.f32 v26, v32;
	v24 =	vadd.f32 $1.000000000e+00, v19;
	v19 =	vld [tilespmem:s12+$0x2300];
	v25 =	vsub.f32 v25, v29  }
0x1fe: {  	_ = 	snop  }
0x1ff: {  	v0 =	vadd.f32 $1.000000000e+00, v26;
	v1 =	vmul.f32 v24, v16;
	_ =	sdelay $0x1  }
0x200: {  	v0 =	vmul.f32 v0, v18;
	v1 =	vadd.f32 v1, v13  }
0x201: {  	v2 =	vmul.f32 v12, v10;
	v3 =	vmul.f32 v22, v20;
	vm2 =	vlt.f32 v20, $1.000000000e+00  }
0x202: {  	v5 =	vand.u32 $0x7FFFFFFF, v25;
	v0 =	vadd.f32 v0, v9;
	v1 =	vsub.f32 v1, v19  }
0x203: {  	v8 =	vadd.f32 v8, v23;
	v3 =	vsel vm2, v3, v21;
	v54 =	vmul.f32 $5.000000000e-01, v5  }
0x204: {  	v2 =	vsel vm0, v2, v11;
	v0 =	vsub.f32 v0, v15;
	v1 =	vand.u32 $0x7FFFFFFF, v1  }
0x205: {  	vm13 =	vlt.f32 v5, $1.000000000e+00;
	v2 =	vadd.f32 v14, v2;
	v55 =	vmul.f32 $5.000000000e-01, v1  }
0x206: {  	v9 =	vmul.f32 v54, v5;
	v5 =	vadd.f32 $-5.000000000e-01, v5;
	v0 =	vand.u32 $0x7FFFFFFF, v0  }
0x207: {  	v56 =	vadd.f32 $-5.000000000e-01, v1;
	v10 =	vmul.f32 v55, v1;
	v57 =	vmul.f32 $5.000000000e-01, v0  }
0x208: {  	v58 =	vadd.f32 v3, v2;
	v5 =	vsel vm13, v9, v5;
	vm14 =	vlt.f32 v1, $1.000000000e+00  }
0x209: {  	v59 =	vadd.f32 $-5.000000000e-01, v0;
	v60 =	vsel vm14, v10, v56;
	v61 =	vmul.f32 v57, v0  }
0x20a: {  	v5 =	vadd.f32 v5, v8;
	vm15 =	vlt.f32 v0, $1.000000000e+00;
	v62 =	vadd.f32 v60, v58  }
0x20b: {  	v63 =	vsel vm1, $0x3F800000, v17;
	v2 =	vsel vm15, v61, v59  }
0x20c: {  	v0 =	vmul.f32 v62, v63;
	v2 =	vadd.f32 v2, v5  }
0x20d: {  	v1 =	vadd.f32 v63, v6  }
0x20e: {  	v0 =	vadd.f32 v0, v7;
	v2 =	vmul.f32 v2, v4  }
0x20f: {  	v1 =	vadd.f32 v4, v1  }
0x210: {  	v0 =	vadd.f32 v2, v0  }
0x211: {  	s4 =	sshll.u32 s3, $0x5;
	[tilespmem:$0xD310] =	vst v1  }
0x212: {  	s5 =	simm.s32 $0xD300;
	s4 =	sadd.s32 s4, s2;
	[tilespmem:$0xD300] =	vst v0  }
0x213: {  	[spmem:s4] =	stream.linear.scatter [tilespmem:s5], [sflag:$0x1], $0x20, $0x38;
	[tilespmem:$0xDC20] =	vst v63  }
0x214: {  	s4 =	simm.s32 $0x1  }
0x215: {  	_ =	swait.ge [sflag:s4], $0x20  }
0x216: {  	[sflag:s4] =	ssyncset.done $0x0  }
0x217: {  	[sflag:s4] =	ssyncadd.s32 $0xFFFFFFE0  }
0x218: {  	p0 =	sne.s32 s3, $0x0;
	[bflag:$0x0] =	sbarrier.arrive $0xFFFF  }
0x219: {  	_ =	sfence.sel @p0 $0x180000  }
0x21a: {  	[bflag:$0x0] =	sbarrier.arrive @p0 $0xFFFF  }
0x21b: {  	_ =	strace @p0 $0x90000047  }
0x21c: {  	[bflag:$0x2] =	sbarrier.arrive @p0 $0xFFFF  }
0x21d: {  	_ =	shalt @p0  }
.LBB2_19:
0x21e: {  	s3 =	simm.s32 $0x5300  }
0x21f: {  	[tilespmem:s3], [sflag:$0x1] =	stream.linear.gather [spmem:s2], $0x200, $0x38;
	[tilespmem:$0xDC20] =	vst v63  }
0x220: {  	_ =	swait.ge [sflag:s4], $0x200  }
0x221: {  	[sflag:s4] =	ssyncset.done $0x0  }
0x222: {  	[sflag:s4] =	ssyncadd.s32 $0xFFFFFE00  }
0x223: {  	v0 =	vld [tilespmem:$0x5310];
	_ =	sdelay $0x1  }
0x224: {  	v1 =	vld [tilespmem:$0x5330];
	_ =	sdelay $0x1  }
0x225: {  	v2 =	vld [tilespmem:$0x5350]  }
0x226: {  	v0 =	vadd.f32 $0.0e+00, v0  }
0x227: {  	v3 =	vld [tilespmem:$0x5370]  }
0x228: {  	v0 =	vadd.f32 v1, v0  }
0x229: {  	v21 =	vld [tilespmem:$0x5390]  }
0x22a: {  	v0 =	vadd.f32 v2, v0  }
0x22b: {  	v22 =	vld [tilespmem:$0x53B0]  }
0x22c: {  	v4 =	vld [tilespmem:$0x5300];
	v0 =	vadd.f32 v3, v0  }
0x22d: {  	v24 =	vld [tilespmem:$0x53D0]  }
0x22e: {  	v5 =	vld [tilespmem:$0x5320];
	v0 =	vadd.f32 v21, v0  }
0x22f: {  	v26 =	vld [tilespmem:$0x53F0]  }
0x230: {  	v6 =	vld [tilespmem:$0x5340];
	v0 =	vadd.f32 v22, v0  }
0x231: {  	v28 =	vld [tilespmem:$0x5410];
	v23 =	vadd.f32 $0.0e+00, v4  }
0x232: {  	v7 =	vld [tilespmem:$0x5360];
	v0 =	vadd.f32 v24, v0  }
0x233: {  	v30 =	vld [tilespmem:$0x5430];
	v25 =	vadd.f32 v5, v23  }
0x234: {  	v27 =	vld [tilespmem:$0x5380];
	v0 =	vadd.f32 v26, v0  }
0x235: {  	v32 =	vld [tilespmem:$0x5450];
	v1 =	vadd.f32 v6, v25  }
0x236: {  	v29 =	vld [tilespmem:$0x53A0];
	v0 =	vadd.f32 v28, v0  }
0x237: {  	v34 =	vld [tilespmem:$0x5470];
	v1 =	vadd.f32 v7, v1  }
0x238: {  	v31 =	vld [tilespmem:$0x53C0];
	v0 =	vadd.f32 v30, v0  }
0x239: {  	v36 =	vld [tilespmem:$0x5490];
	v1 =	vadd.f32 v27, v1  }
0x23a: {  	v33 =	vld [tilespmem:$0x53E0];
	v0 =	vadd.f32 v32, v0  }
0x23b: {  	v38 =	vld [tilespmem:$0x54B0];
	v1 =	vadd.f32 v29, v1  }
0x23c: {  	v35 =	vld [tilespmem:$0x5400];
	v0 =	vadd.f32 v34, v0  }
0x23d: {  	v40 =	vld [tilespmem:$0x54D0];
	v1 =	vadd.f32 v31, v1  }
0x23e: {  	v42 =	vimm.s32 $0xEFCDAB89;
	v8 =	vimm.s32 $0x67452301;
	v37 =	vld [tilespmem:$0x5420];
	v0 =	vadd.f32 v36, v0  }
0x23f: {  	v8 =	vunpack.c.l.s4.s8 v8;
	v43 =	vld [tilespmem:$0x54F0];
	v4 =	vunpack.c.l.s4.s8 v42;
	v1 =	vadd.f32 v33, v1  }
0x240: {  	v47 =	vimm.s32 $0x54761032;
	v39 =	vld [tilespmem:$0x5440];
	v0 =	vadd.f32 v38, v0  }
0x241: {  	v45 =	vunpack.c.0.s8.s32 v8;
	v44 =	vunpack.c.0.s8.s32 v4;
	v1 =	vadd.f32 v35, v1  }
0x242: {  	v46 =	vimm.s32 $0xDCFE98BA;
	v49 =	vunpack.c.l.s4.s8 v47;
	v41 =	vld [tilespmem:$0x5460];
	v0 =	vadd.f32 v40, v0  }
0x243: {  	v2 =	vunpack.c.l.s4.s8 v46;
	v3 =	vcombine.low v45, v44;
	v1 =	vadd.f32 v37, v1  }
0x244: {  	v52 =	vimm.s32 $0x32107654;
	v48 =	vld [tilespmem:$0x5480];
	v4 =	vunpack.c.0.s8.s32 v49;
	v0 =	vadd.f32 v43, v0  }
0x245: {  	v2 =	vunpack.c.0.s8.s32 v2;
	v3 =	vand.u32 $0xF, v3;
	v1 =	vadd.f32 v39, v1  }
0x246: {  	v51 =	vimm.s32 $0xBA98FEDC;
	v54 =	vunpack.c.l.s4.s8 v52;
	v50 =	vld [tilespmem:$0x54A0];
	v9 =	vperm.xlane v0, v3  }
0x247: {  	v53 =	vunpack.c.l.s4.s8 v51;
	v2 =	vcombine.low v4, v2;
	v1 =	vadd.f32 v41, v1  }
0x248: {  	v55 =	vld [tilespmem:$0x54C0];
	v6 =	vunpack.c.0.s8.s32 v54;
	v0 =	vadd.f32 v9, v0  }
0x249: {  	v4 =	vunpack.c.0.s8.s32 v53;
	v2 =	vand.u32 $0xF, v2;
	v1 =	vadd.f32 v48, v1  }
0x24a: {  	v57 =	vimm.s32 $0xFEDCBA98;
	v58 =	vimm.s32 $0x76543210;
	v56 =	vld [tilespmem:$0x54E0];
	v9 =	vperm.xlane v0, v2  }
0x24b: {  	v8 =	vunpack.c.l.s4.s8 v57;
	v4 =	vcombine.low v6, v4;
	v1 =	vadd.f32 v50, v1  }
0x24c: {  	v6 =	vunpack.c.l.s4.s8 v58;
	v0 =	vadd.f32 v9, v0  }
0x24d: {  	v59 =	vunpack.c.0.s8.s32 v8;
	v4 =	vand.u32 $0xF, v4;
	v1 =	vadd.f32 v55, v1  }
0x24e: {  	v6 =	vunpack.c.0.s8.s32 v6;
	v60 =	vperm.xlane v0, v4  }
0x24f: {  	v61 =	vand.u32 $0xF, v59;
	v1 =	vadd.f32 v56, v1  }
0x250: {  	v5 =	vcombine.low v61, v6;
	v0 =	vadd.f32 v60, v0  }
0x251: {  	v3 =	vperm.xlane v1, v3  }
0x252: {  	v6 =	vperm.xlane v0, v5  }
0x253: {  	v1 =	vadd.f32 v3, v1  }
0x254: {  	v0 =	vadd.f32 v6, v0  }
0x255: {  	v2 =	vperm.xlane v1, v2  }
0x256: {  	v0 =	vmax.f32 v0, $1.000000000e+00  }
0x257: {  	v1 =	vadd.f32 v2, v1;
	(erf) = vrcp.f32 v0;
	_ =	sdelay $0x1  }
0x258: {  	v62 =	vperm.xlane v1, v4;
	_ =	sdelay $0x1  }
0x259: {  	v0 =	vadd.f32 v62, v1;
	_ =	sdelay $0x1  }
0x25a: {  	v1 =	vperm.xlane v0, v5;
	_ =	sdelay $0x1  }
0x25b: {  	v0 =	vadd.f32 v1, v0  }
0x25c: {  	v63 =	vpop (erf)  }
0x25d: {  	v0 =	vmul.f32 v63, v0;
	_ =	sdelay $0x1  }
0x25e: {  	s30 =	simm.s32 $0x0;
	s31 =	simm.s32 $0xD380;
	[tilespmem:$0xD380] =	vst v0  }
0x25f: {  	[hbm4b:s1+s30] =	stream.linear.scatter [tilespmem:s31], [sflag:$0x1], $0x80, $0x38;
	[tilespmem:$0xDC20] =	vst v63  }
0x260: {  	_ =	swait.ge [sflag:s4], $0x80  }
0x261: {  	[sflag:s4] =	ssyncset.done $0x0  }
0x262: {  	[sflag:s4] =	ssyncadd.s32 $0xFFFFFF80  }
0x263: {  	_ =	sfence.sel $0x180000  }
0x264: {  	[bflag:$0x0] =	sbarrier.arrive $0xFFFF  }
0x265: {  	_ =	strace $0x90000047  }
0x266: {  	s0 =	sadd.s32 $0x100000, s0;
	[bflag:$0x2] =	sbarrier.arrive $0xFFFF  }
0x267: {  	[sflag:s0] =	ssyncadd.tile.s32 $0x1;
	_ =	shalt  }
.Lfunc_end2:
_tile_overlayer_lowered:
.L_overlay_start_2:
0x268: {  	(tag) =	ssettag $0x2  }
0x269: {  	s0 =	rddreg [dreg:$0x0];
	s2 =	stileid.u32  }
0x26a: {  	s1 =	rddreg [dreg:$0x1];
	p0 =	sne.s32 s2, $0x0  }
0x26b: {  	s3 =	rddreg [dreg:$0x2];
	[bflag:$0x3] =	sbarrier.arrive $0xFFFF;
	s2 =	simm.s32 @!p0 $0x1C01  }
0x26c: {  	[timem:s3], [sflag:s2] =	dma.local @!p0 [hbm:s0], s1  }
0x26d: {  	s0 =	simm.s32 @!p0 $0x1  }
0x26e: {  	_ =	swait.ge @!p0 [sflag:s0], s1  }
0x26f: {  	s1 =	ssub.s32 @!p0 $0x0, s1;
	[sflag:s0] =	ssyncset.done @!p0 $0x0  }
0x270: {  	[sflag:s0] =	ssyncadd.s32 @!p0 s1  }
0x271: {  	[bflag:$0x3] =	sbarrier.arrive $0xFFFF  }
0x272: {  	_ =	shalt  }

</sc_bundles>
